<compile_context>
chip_gen: v7x
topology: tpu7x:2x2x1
jax: 0.10.2.dev20260603
libtpu: 0.0.44.dev20260713+nightly
codegen_flags: <defaults>
</compile_context>

<pallas_src>
import jax
import jax.numpy as jnp
from jax import lax
from jax.experimental import pallas as pl
from jax.experimental.pallas import tpu as pltpu
from jax.experimental.pallas import tpu_sc as plsc

N = 10000
NP = 10240
E = 320000
D = 128
NC = 2
NS = 16
TILES = NC * NS
CH = 128
NCH = 80
GCH = 40
EP = TILES * NCH * CH
RPT = NP // NS
BR = 1000

_f32 = jnp.float32


def _mesh():
    return plsc.VectorSubcoreMesh(core_axis_name="c", subcore_axis_name="s",
                                  num_cores=NC, num_subcores=NS)


def _sc_deg_body(dst_hbm, out_hbm, hist, didx):
    c = lax.axis_index("c")
    s = lax.axis_index("s")
    t = c * NS + s
    ept = NCH * CH
    pltpu.sync_copy(dst_hbm.at[pl.ds(t * ept, ept)], didx)

    def zero(i, carry):
        hist[pl.ds(i * 16, 16)] = jnp.zeros((16,), _f32)
        return carry

    lax.fori_loop(0, NP // 16, zero, 0)

    def body(v, carry):
        idx = didx[pl.ds(v * 16, 16)]
        cnt, last = plsc.scan_count(idx)
        plsc.addupdate_scatter(hist, [idx], cnt.astype(_f32), mask=last)
        return carry

    lax.fori_loop(0, ept // 16, body, 0)
    pltpu.sync_copy(hist, out_hbm.at[pl.ds(t * NP, NP)])


def _sc_deg(dst_flat):
    return pl.kernel(
        _sc_deg_body,
        out_type=jax.ShapeDtypeStruct((TILES * NP,), _f32),
        mesh=_mesh(),
        compiler_params=pltpu.CompilerParams(needs_layout_passes=False),
        scratch_types=[
            pltpu.VMEM((NP,), _f32),
            pltpu.VMEM((NCH * CH,), jnp.int32),
        ],
    )(dst_flat)


def _sc_agg_body(hp_hbm, src_hbm, dst_hbm, zeros_hbm, out_hbm,
                 acc, sidx, didx, rows, gsem, ssem):
    c = lax.axis_index("c")
    s = lax.axis_index("s")
    t = c * NS + s
    r0 = s * RPT

    @pl.when(c == 0)
    def _():
        pltpu.sync_copy(hp_hbm.at[pl.ds(r0, RPT)], acc.at[pl.ds(r0, RPT)])

    @pl.when(c != 0)
    def _():
        pltpu.sync_copy(zeros_hbm.at[pl.ds(r0, RPT)], acc.at[pl.ds(r0, RPT)])

    plsc.subcore_barrier()

    for g in range(NCH // GCH):
        pltpu.sync_copy(src_hbm.at[pl.ds(t * NCH + g * GCH, GCH)], sidx)
        pltpu.sync_copy(dst_hbm.at[pl.ds(t * NCH + g * GCH, GCH)], didx)
        pltpu.async_copy(hp_hbm.at[sidx.at[0]], rows.at[0], gsem.at[0])

        def body(j, carry):
            b = lax.rem(j, 2)
            pltpu.make_async_copy(hp_hbm.at[sidx.at[j]], rows.at[b],
                                  gsem.at[b]).wait()

            @pl.when(j >= 1)
            def _():
                pltpu.make_async_copy(rows.at[1 - b],
                                      acc.at[didx.at[j - 1]],
                                      ssem.at[1 - b]).wait()

            @pl.when(j + 1 < GCH)
            def _():
                pltpu.async_copy(hp_hbm.at[sidx.at[j + 1]], rows.at[1 - b],
                                 gsem.at[1 - b])

            pltpu.async_copy(rows.at[b], acc.at[didx.at[j]], ssem.at[b],
                             add=True)
            return carry

        lax.fori_loop(0, GCH, body, 0)
        pltpu.make_async_copy(rows.at[1 - GCH % 2], acc.at[didx.at[GCH - 1]],
                              ssem.at[1 - GCH % 2]).wait()
    plsc.subcore_barrier()
    pltpu.sync_copy(acc.at[pl.ds(r0, RPT)], out_hbm.at[c, pl.ds(r0, RPT)])


def _sc_agg(hp, src2, dst2, zeros128):
    return pl.kernel(
        _sc_agg_body,
        out_type=jax.ShapeDtypeStruct((NC, NP, D), _f32),
        mesh=_mesh(),
        scratch_types=[
            pltpu.VMEM_SHARED((NP, D), _f32),
            pltpu.VMEM((GCH, CH), jnp.int32),
            pltpu.VMEM((GCH, CH), jnp.int32),
            pltpu.VMEM((2, CH, D), _f32),
            pltpu.SemaphoreType.DMA((2,)),
            pltpu.SemaphoreType.DMA((2,)),
        ],
    )(hp, src2, dst2, zeros128)


def _tc_degsum_body(h_ref, out_ref):
    out_ref[...] = jnp.sum(h_ref[...], axis=0, keepdims=True)


def _tc_degsum(hists):
    bc = 2048
    return pl.pallas_call(
        _tc_degsum_body,
        grid=(NP // bc,),
        in_specs=[pl.BlockSpec((TILES, bc), lambda i: (0, i))],
        out_specs=pl.BlockSpec((1, bc), lambda i: (0, i)),
        out_shape=jax.ShapeDtypeStruct((1, NP), _f32),
    )(hists)


def _tc_mm_body(x_ref, w_ref, h_ref):
    h_ref[...] = jnp.dot(x_ref[...], w_ref[...], preferred_element_type=_f32)


def _tc_mm(x, w1):
    return pl.pallas_call(
        _tc_mm_body,
        grid=(N // BR,),
        in_specs=[
            pl.BlockSpec((BR, D), lambda i: (i, 0)),
            pl.BlockSpec((D, D), lambda i: (0, 0)),
        ],
        out_specs=pl.BlockSpec((BR, D), lambda i: (i, 0)),
        out_shape=jax.ShapeDtypeStruct((N, D), _f32),
    )(x, w1)


def _tc_prep_body(h_ref, deg_ref, hp_ref, dis_ref):
    dis = lax.rsqrt(deg_ref[...] + 1.0)
    hp_ref[...] = h_ref[...] * dis
    dis_ref[...] = dis


def _tc_prep(h1, deg2):
    return pl.pallas_call(
        _tc_prep_body,
        grid=(N // BR,),
        in_specs=[
            pl.BlockSpec((BR, D), lambda i: (i, 0)),
            pl.BlockSpec((BR, 1), lambda i: (i, 0)),
        ],
        out_specs=[
            pl.BlockSpec((BR, D), lambda i: (i, 0)),
            pl.BlockSpec((BR, 1), lambda i: (i, 0)),
        ],
        out_shape=[
            jax.ShapeDtypeStruct((NP, D), _f32),
            jax.ShapeDtypeStruct((NP, 1), _f32),
        ],
    )(h1, deg2)


def _tc_mid_body(pa_ref, pb_ref, dis_ref, b_ref, w_ref, hp_ref):
    dis = dis_ref[...]
    xn = jnp.maximum((pa_ref[0] + pb_ref[0]) * dis + b_ref[...], 0.0)
    hp_ref[...] = jnp.dot(xn, w_ref[...], preferred_element_type=_f32) * dis


def _tc_mid(p, dis, b, w):
    return pl.pallas_call(
        _tc_mid_body,
        grid=(N // BR,),
        in_specs=[
            pl.BlockSpec((1, BR, D), lambda i: (0, i, 0)),
            pl.BlockSpec((1, BR, D), lambda i: (1, i, 0)),
            pl.BlockSpec((BR, 1), lambda i: (i, 0)),
            pl.BlockSpec((1, D), lambda i: (0, 0)),
            pl.BlockSpec((D, D), lambda i: (0, 0)),
        ],
        out_specs=pl.BlockSpec((BR, D), lambda i: (i, 0)),
        out_shape=jax.ShapeDtypeStruct((NP, D), _f32),
    )(p, p, dis, b, w)


def _tc_fin_body(pa_ref, pb_ref, dis_ref, b_ref, out_ref):
    out_ref[...] = (pa_ref[0] + pb_ref[0]) * dis_ref[...] + b_ref[...]


def _tc_fin(p, dis, b):
    return pl.pallas_call(
        _tc_fin_body,
        grid=(N // BR,),
        in_specs=[
            pl.BlockSpec((1, BR, D), lambda i: (0, i, 0)),
            pl.BlockSpec((1, BR, D), lambda i: (1, i, 0)),
            pl.BlockSpec((BR, 1), lambda i: (i, 0)),
            pl.BlockSpec((1, D), lambda i: (0, 0)),
        ],
        out_specs=pl.BlockSpec((BR, D), lambda i: (i, 0)),
        out_shape=jax.ShapeDtypeStruct((N, D), _f32),
    )(p, p, dis, b)


def kernel(x, edge_index, W1, b1, W2, b2, W3, b3):
    src = edge_index[0].astype(jnp.int32)
    dst = edge_index[1].astype(jnp.int32)
    pad = N + (jnp.arange(EP - E, dtype=jnp.int32) % (NP - N))
    src_flat = jnp.concatenate([src, pad])
    dst_flat = jnp.concatenate([dst, pad])
    src2 = src_flat.reshape(TILES * NCH, CH)
    dst2 = dst_flat.reshape(TILES * NCH, CH)

    zeros128 = jnp.zeros((NP, D), _f32)
    b1r = b1.reshape(1, D)
    b2r = b2.reshape(1, D)
    b3r = b3.reshape(1, D)

    h1 = _tc_mm(x, W1)
    hists = _sc_deg(dst_flat)
    deg2 = _tc_degsum(hists.reshape(TILES, NP)).reshape(NP, 1)
    hp1, dis = _tc_prep(h1, deg2)
    p1 = _sc_agg(hp1, src2, dst2, zeros128)
    hp2 = _tc_mid(p1, dis, b1r, W2)
    p2 = _sc_agg(hp2, src2, dst2, zeros128)
    hp3 = _tc_mid(p2, dis, b2r, W3)
    p3 = _sc_agg(hp3, src2, dst2, zeros128)
    return _tc_fin(p3, dis, b3r)

# --- scband reference (transcript-rebuilt; emitter-appended) ---
"""Pipeline reference for scband-three-layer-gcn-10204842295477 (READ-ONLY COPY).

The authoritative reference and input builder live on the scoring server;
editing this copy changes nothing except your own understanding.
"""

import jax, jax.numpy as jnp
import numpy as np

N = 10000
E = 320000
D_IN = 128
H1 = 128
H2 = 128
D_OUT = 128


def glorot(key, shape):
    fan_in, fan_out = shape[0], shape[1]
    limit = float(np.sqrt(6.0 / (fan_in + fan_out)))
    return jax.random.uniform(key, shape, jnp.float32, -limit, limit)


def setup_inputs(seed: int = 0) -> dict:
    key = jax.random.key(seed)
    ks = jax.random.split(key, 8)
    x = jax.random.normal(ks[0], (N, D_IN), dtype=jnp.float32)
    edge_index = jax.random.randint(ks[1], (2, E), 0, N, dtype=jnp.int64)
    W1 = glorot(ks[2], (D_IN, H1))
    b1 = jnp.zeros((H1,), jnp.float32)
    W2 = glorot(ks[3], (H1, H2))
    b2 = jnp.zeros((H2,), jnp.float32)
    W3 = glorot(ks[4], (H2, D_OUT))
    b3 = jnp.zeros((D_OUT,), jnp.float32)
    return {"x": x, "edge_index": edge_index, "W1": W1, "b1": b1, "W2": W2, "b2": b2, "W3": W3, "b3": b3}


def _gcn_conv(x, W, b, src, dst, norm):
    # GCNConv: linear transform, then normalized scatter-add aggregation
    h = x @ W
    msg = h[src] * norm[:, None]
    out = jnp.zeros((x.shape[0], h.shape[1]), h.dtype).at[dst].add(msg)
    return out + b


def reference(x, edge_index, W1, b1, W2, b2, W3, b3):
    n = x.shape[0]
    loop = jnp.arange(n, dtype=edge_index.dtype)
    src = jnp.concatenate([edge_index[0], loop])
    dst = jnp.concatenate([edge_index[1], loop])
    # symmetric normalization deg^-1/2 (with self loops)
    deg = jnp.zeros((n,), jnp.float32).at[dst].add(1.0)
    deg_inv_sqrt = jnp.where(deg > 0, deg ** -0.5, 0.0)
    norm = deg_inv_sqrt[src] * deg_inv_sqrt[dst]

    h = _gcn_conv(x, W1, b1, src, dst, norm)
    h = jax.nn.relu(h)
    # dropout p=0 in eval -> identity
    h = _gcn_conv(h, W2, b2, src, dst, norm)
    h = jax.nn.relu(h)
    h = _gcn_conv(h, W3, b3, src, dst, norm)
    return h

if __name__ == "__main__":
    import jax
    _d = setup_inputs()
    print(jax.jit(kernel)(*tuple(_d.values())))

</pallas_src>

<mosaic_0001>
#map = affine_map<(d0, d1) -> (0)>
module attributes {stable_mosaic.version = 14 : i64} {
  func.func @_sc_deg_body(%arg0: i32, %arg1: i32, %arg2: memref<327680xi32, #tpu.memory_space<hbm>>, %arg3: memref<327680xf32, #tpu.memory_space<hbm>>, %arg4: memref<10240xf32, #tpu.memory_space<vmem>>, %arg5: memref<10240xi32, #tpu.memory_space<vmem>>) attributes {dimension_semantics = [#tpu.dimension_semantics<core_parallel>, #tpu.dimension_semantics<subcore_parallel>], iteration_bounds = array<i64: 2, 16>, scalar_prefetch = 0 : i64, scratch_operands = 2 : i64, tpu.core_type = #tpu.core_type<sc_vector_subcore>, window_params = [{transform_indices = #map}, {transform_indices = #map}]} {
    %mul3A = arith.constant 16 : i32
    %mul3A_0 = arith.muli %arg0, %mul3A : i32
    %add3A = arith.addi %mul3A_0, %arg1 : i32
    %mul3A_1 = arith.constant 10240 : i32
    %mul3A_2 = arith.muli %add3A, %mul3A_1 : i32
    "tpu.region"() ({
      %run_scoped3A = tpu.sem_alloc : memref<!tpu.dma_semaphore, #tpu.memory_space<semaphore_mem>>
      %dma_start3A = tpu.memref_slice %arg2[%mul3A_2] : memref<327680xi32, #tpu.memory_space<hbm>> -> memref<10240xi32, #tpu.memory_space<hbm>>
      %dma_start3A_16 = tpu.memref_slice %arg2[%mul3A_2] : memref<327680xi32, #tpu.memory_space<hbm>> -> memref<10240xi32, #tpu.memory_space<hbm>>
      tpu.enqueue_dma source(%dma_start3A_16 : memref<10240xi32, #tpu.memory_space<hbm>>) target(%arg5 : memref<10240xi32, #tpu.memory_space<vmem>>) target_semaphore(%run_scoped3A : memref<!tpu.dma_semaphore, #tpu.memory_space<semaphore_mem>>)
      %dma_wait3A = tpu.memref_slice %arg2[%mul3A_2] : memref<327680xi32, #tpu.memory_space<hbm>> -> memref<10240xi32, #tpu.memory_space<hbm>>
      %dma_wait3A_17 = tpu.memref_slice %arg2[%mul3A_2] : memref<327680xi32, #tpu.memory_space<hbm>> -> memref<10240xi32, #tpu.memory_space<hbm>>
      tpu.wait_dma2 semaphore(%run_scoped3A : memref<!tpu.dma_semaphore, #tpu.memory_space<semaphore_mem>>) src(%dma_wait3A_17 : memref<10240xi32, #tpu.memory_space<hbm>>) dst(%arg5 : memref<10240xi32, #tpu.memory_space<vmem>>)
      tpu.yield
    }) : () -> ()
    %scan3A = arith.constant 0 : i32
    %scan3A_3 = arith.constant 0 : i32
    %scan3A_4 = arith.constant 640 : i32
    %scan3A_5 = arith.addi %scan3A_3, %scan3A_4 : i32
    %scan3A_6 = arith.constant 1 : i32
    scf.for %scan3A_16 = %scan3A_3 to %scan3A_5 step %scan3A_6  : i32 {
      %broadcast_in_dim3A = arith.constant 0.000000e+00 : f32
      %broadcast_in_dim3A_17 = vector.broadcast %broadcast_in_dim3A : f32 to vector<16xf32>
      %mul3A_18 = arith.constant 16 : i32
      %mul3A_19 = arith.muli %scan3A_16, %mul3A_18 : i32
      %swap3A = arith.index_cast %mul3A_19 : i32 to index
      %swap3A_20 = tpu.vector_load %arg4[%swap3A] {strides = array<i32>} : memref<10240xf32, #tpu.memory_space<vmem>>, vector<16xf32>,
      tpu.vector_store %arg4[%swap3A], %broadcast_in_dim3A_17 {strides = array<i32>} : memref<10240xf32, #tpu.memory_space<vmem>>, vector<16xf32>,
    }
    %scan3A_7 = arith.constant 640 : i32
    %scan3A_8 = arith.constant 0 : i32
    %scan3A_9 = arith.constant 0 : i32
    %scan3A_10 = arith.constant 640 : i32
    %scan3A_11 = arith.addi %scan3A_9, %scan3A_10 : i32
    %scan3A_12 = arith.constant 1 : i32
    scf.for %scan3A_16 = %scan3A_9 to %scan3A_11 step %scan3A_12  : i32 {
      %mul3A_17 = arith.constant 16 : i32
      %mul3A_18 = arith.muli %scan3A_16, %mul3A_17 : i32
      %get3A = arith.index_cast %mul3A_18 : i32 to index
      %get3A_19 = tpu.vector_load %arg5[%get3A] {strides = array<i32>} : memref<10240xi32, #tpu.memory_space<vmem>>, vector<16xi32>,
      %broadcast_in_dim3A = arith.constant true
      %broadcast_in_dim3A_20 = vector.broadcast %broadcast_in_dim3A : i1 to vector<16xi1>
      %unique3A, %unique3A_21 = tpu.scan_count mask(%broadcast_in_dim3A_20 : vector<16xi1>) value(%get3A_19 : vector<16xi32>) : vector<16xi1>, vector<16xi32>
      %convert_element_type3A = arith.sitofp %unique3A_21 : vector<16xi32> to vector<16xf32>
      tpu.vector_store_idx %arg4[%get3A_19], %convert_element_type3A masked %unique3A {add = true} : memref<10240xf32, #tpu.memory_space<vmem>>[vector<16xi32>], vector<16xf32>, vector<16xi1>
    }
    %scan3A_13 = arith.constant 640 : i32
    %mul3A_14 = arith.constant 10240 : i32
    %mul3A_15 = arith.muli %add3A, %mul3A_14 : i32
    "tpu.region"() ({
      %run_scoped3A = tpu.sem_alloc : memref<!tpu.dma_semaphore, #tpu.memory_space<semaphore_mem>>
      %dma_start3A = tpu.memref_slice %arg3[%mul3A_15] : memref<327680xf32, #tpu.memory_space<hbm>> -> memref<10240xf32, #tpu.memory_space<hbm>>
      %dma_start3A_16 = tpu.memref_slice %arg3[%mul3A_15] : memref<327680xf32, #tpu.memory_space<hbm>> -> memref<10240xf32, #tpu.memory_space<hbm>>
      tpu.enqueue_dma source(%arg4 : memref<10240xf32, #tpu.memory_space<vmem>>) target(%dma_start3A_16 : memref<10240xf32, #tpu.memory_space<hbm>>) target_semaphore(%run_scoped3A : memref<!tpu.dma_semaphore, #tpu.memory_space<semaphore_mem>>)
      %dma_wait3A = tpu.memref_slice %arg3[%mul3A_15] : memref<327680xf32, #tpu.memory_space<hbm>> -> memref<10240xf32, #tpu.memory_space<hbm>>
      %dma_wait3A_17 = tpu.memref_slice %arg3[%mul3A_15] : memref<327680xf32, #tpu.memory_space<hbm>> -> memref<10240xf32, #tpu.memory_space<hbm>>
      tpu.wait_dma2 semaphore(%run_scoped3A : memref<!tpu.dma_semaphore, #tpu.memory_space<semaphore_mem>>) src(%arg4 : memref<10240xf32, #tpu.memory_space<vmem>>) dst(%dma_wait3A_17 : memref<10240xf32, #tpu.memory_space<hbm>>)
      tpu.yield
    }) : () -> ()
    return
  }
}

#map = affine_map<(d0, d1) -> (0, 0)>
#map1 = affine_map<(d0, d1) -> (0, 0, 0)>
module attributes {stable_mosaic.version = 14 : i64} {
  func.func @_sc_agg_body(%arg0: i32, %arg1: i32, %arg2: memref<10240x128xf32, #tpu.memory_space<hbm>>, %arg3: memref<2560x128xi32, #tpu.memory_space<hbm>>, %arg4: memref<2560x128xi32, #tpu.memory_space<hbm>>, %arg5: memref<10240x128xf32, #tpu.memory_space<hbm>>, %arg6: memref<2x10240x128xf32, #tpu.memory_space<hbm>>, %arg7: memref<10240x128xf32, #tpu.memory_space<vmem_shared>>, %arg8: memref<40x128xi32, #tpu.memory_space<vmem>>, %arg9: memref<40x128xi32, #tpu.memory_space<vmem>>, %arg10: memref<2x128x128xf32, #tpu.memory_space<vmem>>, %arg11: memref<2x!tpu.dma_semaphore, #tpu.memory_space<semaphore_mem>>, %arg12: memref<2x!tpu.dma_semaphore, #tpu.memory_space<semaphore_mem>>) attributes {dimension_semantics = [#tpu.dimension_semantics<core_parallel>, #tpu.dimension_semantics<subcore_parallel>], iteration_bounds = array<i64: 2, 16>, scalar_prefetch = 0 : i64, scratch_operands = 6 : i64, tpu.core_type = #tpu.core_type<sc_vector_subcore>, window_params = [{transform_indices = #map}, {transform_indices = #map}, {transform_indices = #map}, {transform_indices = #map}, {transform_indices = #map1}]} {
    %mul3A = arith.constant 16 : i32
    %mul3A_0 = arith.muli %arg0, %mul3A : i32
    %add3A = arith.addi %mul3A_0, %arg1 : i32
    %mul3A_1 = arith.constant 640 : i32
    %mul3A_2 = arith.muli %arg1, %mul3A_1 : i32
    %eq3A = arith.constant 0 : i32
    %eq3A_3 = arith.cmpi eq, %arg0, %eq3A : i32
    %convert_element_type3A = arith.extui %eq3A_3 : i1 to i32
    %cond3A = arith.constant 0 : i32
    %cond3A_4 = arith.cmpi ne, %convert_element_type3A, %cond3A : i32
    scf.if %cond3A_4 {
      "tpu.region"() ({
        %run_scoped3A = tpu.sem_alloc : memref<!tpu.dma_semaphore, #tpu.memory_space<semaphore_mem>>
        %dma_start3A_95 = arith.constant 0 : i32
        %dma_start3A_96 = tpu.memref_slice %arg7[%mul3A_2, %dma_start3A_95] : memref<10240x128xf32, #tpu.memory_space<vmem_shared>> -> memref<640x128xf32, #tpu.memory_space<vmem_shared>>
        %dma_start3A_97 = arith.constant 0 : i32
        %dma_start3A_98 = tpu.memref_slice %arg2[%mul3A_2, %dma_start3A_97] : memref<10240x128xf32, #tpu.memory_space<hbm>> -> memref<640x128xf32, #tpu.memory_space<hbm>>
        tpu.enqueue_dma source(%dma_start3A_98 : memref<640x128xf32, #tpu.memory_space<hbm>>) target(%dma_start3A_96 : memref<640x128xf32, #tpu.memory_space<vmem_shared>>) target_semaphore(%run_scoped3A : memref<!tpu.dma_semaphore, #tpu.memory_space<semaphore_mem>>)
        %dma_wait3A_99 = arith.constant 0 : i32
        %dma_wait3A_100 = tpu.memref_slice %arg7[%mul3A_2, %dma_wait3A_99] : memref<10240x128xf32, #tpu.memory_space<vmem_shared>> -> memref<640x128xf32, #tpu.memory_space<vmem_shared>>
        %dma_wait3A_101 = arith.constant 0 : i32
        %dma_wait3A_102 = tpu.memref_slice %arg2[%mul3A_2, %dma_wait3A_101] : memref<10240x128xf32, #tpu.memory_space<hbm>> -> memref<640x128xf32, #tpu.memory_space<hbm>>
        tpu.wait_dma2 semaphore(%run_scoped3A : memref<!tpu.dma_semaphore, #tpu.memory_space<semaphore_mem>>) src(%dma_wait3A_102 : memref<640x128xf32, #tpu.memory_space<hbm>>) dst(%dma_wait3A_100 : memref<640x128xf32, #tpu.memory_space<vmem_shared>>)
        tpu.yield
      }) : () -> ()
    } else {
    }
    %ne3A = arith.constant 0 : i32
    %ne3A_5 = arith.cmpi ne, %arg0, %ne3A : i32
    %convert_element_type3A_6 = arith.extui %ne3A_5 : i1 to i32
    %cond3A_7 = arith.constant 0 : i32
    %cond3A_8 = arith.cmpi ne, %convert_element_type3A_6, %cond3A_7 : i32
    scf.if %cond3A_8 {
      "tpu.region"() ({
        %run_scoped3A = tpu.sem_alloc : memref<!tpu.dma_semaphore, #tpu.memory_space<semaphore_mem>>
        %dma_start3A_95 = arith.constant 0 : i32
        %dma_start3A_96 = tpu.memref_slice %arg7[%mul3A_2, %dma_start3A_95] : memref<10240x128xf32, #tpu.memory_space<vmem_shared>> -> memref<640x128xf32, #tpu.memory_space<vmem_shared>>
        %dma_start3A_97 = arith.constant 0 : i32
        %dma_start3A_98 = tpu.memref_slice %arg5[%mul3A_2, %dma_start3A_97] : memref<10240x128xf32, #tpu.memory_space<hbm>> -> memref<640x128xf32, #tpu.memory_space<hbm>>
        tpu.enqueue_dma source(%dma_start3A_98 : memref<640x128xf32, #tpu.memory_space<hbm>>) target(%dma_start3A_96 : memref<640x128xf32, #tpu.memory_space<vmem_shared>>) target_semaphore(%run_scoped3A : memref<!tpu.dma_semaphore, #tpu.memory_space<semaphore_mem>>)
        %dma_wait3A_99 = arith.constant 0 : i32
        %dma_wait3A_100 = tpu.memref_slice %arg7[%mul3A_2, %dma_wait3A_99] : memref<10240x128xf32, #tpu.memory_space<vmem_shared>> -> memref<640x128xf32, #tpu.memory_space<vmem_shared>>
        %dma_wait3A_101 = arith.constant 0 : i32
        %dma_wait3A_102 = tpu.memref_slice %arg5[%mul3A_2, %dma_wait3A_101] : memref<10240x128xf32, #tpu.memory_space<hbm>> -> memref<640x128xf32, #tpu.memory_space<hbm>>
        tpu.wait_dma2 semaphore(%run_scoped3A : memref<!tpu.dma_semaphore, #tpu.memory_space<semaphore_mem>>) src(%dma_wait3A_102 : memref<640x128xf32, #tpu.memory_space<hbm>>) dst(%dma_wait3A_100 : memref<640x128xf32, #tpu.memory_space<vmem_shared>>)
        tpu.yield
      }) : () -> ()
    } else {
    }
    %barrier3A = arith.constant 0 : index
    tpu.barrier barrier_id(%barrier3A)
    %mul3A_9 = arith.constant 80 : i32
    %mul3A_10 = arith.muli %add3A, %mul3A_9 : i32
    %add3A_11 = arith.constant 0 : i32
    %add3A_12 = arith.addi %mul3A_10, %add3A_11 : i32
    "tpu.region"() ({
      %run_scoped3A = tpu.sem_alloc : memref<!tpu.dma_semaphore, #tpu.memory_space<semaphore_mem>>
      %dma_start3A_95 = arith.constant 0 : i32
      %dma_start3A_96 = tpu.memref_slice %arg3[%add3A_12, %dma_start3A_95] : memref<2560x128xi32, #tpu.memory_space<hbm>> -> memref<40x128xi32, #tpu.memory_space<hbm>>
      %dma_start3A_97 = arith.constant 0 : i32
      %dma_start3A_98 = tpu.memref_slice %arg3[%add3A_12, %dma_start3A_97] : memref<2560x128xi32, #tpu.memory_space<hbm>> -> memref<40x128xi32, #tpu.memory_space<hbm>>
      tpu.enqueue_dma source(%dma_start3A_98 : memref<40x128xi32, #tpu.memory_space<hbm>>) target(%arg8 : memref<40x128xi32, #tpu.memory_space<vmem>>) target_semaphore(%run_scoped3A : memref<!tpu.dma_semaphore, #tpu.memory_space<semaphore_mem>>)
      %dma_wait3A_99 = arith.constant 0 : i32
      %dma_wait3A_100 = tpu.memref_slice %arg3[%add3A_12, %dma_wait3A_99] : memref<2560x128xi32, #tpu.memory_space<hbm>> -> memref<40x128xi32, #tpu.memory_space<hbm>>
      %dma_wait3A_101 = arith.constant 0 : i32
      %dma_wait3A_102 = tpu.memref_slice %arg3[%add3A_12, %dma_wait3A_101] : memref<2560x128xi32, #tpu.memory_space<hbm>> -> memref<40x128xi32, #tpu.memory_space<hbm>>
      tpu.wait_dma2 semaphore(%run_scoped3A : memref<!tpu.dma_semaphore, #tpu.memory_space<semaphore_mem>>) src(%dma_wait3A_102 : memref<40x128xi32, #tpu.memory_space<hbm>>) dst(%arg8 : memref<40x128xi32, #tpu.memory_space<vmem>>)
      tpu.yield
    }) : () -> ()
    %mul3A_13 = arith.constant 80 : i32
    %mul3A_14 = arith.muli %add3A, %mul3A_13 : i32
    %add3A_15 = arith.constant 0 : i32
    %add3A_16 = arith.addi %mul3A_14, %add3A_15 : i32
    "tpu.region"() ({
      %run_scoped3A = tpu.sem_alloc : memref<!tpu.dma_semaphore, #tpu.memory_space<semaphore_mem>>
      %dma_start3A_95 = arith.constant 0 : i32
      %dma_start3A_96 = tpu.memref_slice %arg4[%add3A_16, %dma_start3A_95] : memref<2560x128xi32, #tpu.memory_space<hbm>> -> memref<40x128xi32, #tpu.memory_space<hbm>>
      %dma_start3A_97 = arith.constant 0 : i32
      %dma_start3A_98 = tpu.memref_slice %arg4[%add3A_16, %dma_start3A_97] : memref<2560x128xi32, #tpu.memory_space<hbm>> -> memref<40x128xi32, #tpu.memory_space<hbm>>
      tpu.enqueue_dma source(%dma_start3A_98 : memref<40x128xi32, #tpu.memory_space<hbm>>) target(%arg9 : memref<40x128xi32, #tpu.memory_space<vmem>>) target_semaphore(%run_scoped3A : memref<!tpu.dma_semaphore, #tpu.memory_space<semaphore_mem>>)
      %dma_wait3A_99 = arith.constant 0 : i32
      %dma_wait3A_100 = tpu.memref_slice %arg4[%add3A_16, %dma_wait3A_99] : memref<2560x128xi32, #tpu.memory_space<hbm>> -> memref<40x128xi32, #tpu.memory_space<hbm>>
      %dma_wait3A_101 = arith.constant 0 : i32
      %dma_wait3A_102 = tpu.memref_slice %arg4[%add3A_16, %dma_wait3A_101] : memref<2560x128xi32, #tpu.memory_space<hbm>> -> memref<40x128xi32, #tpu.memory_space<hbm>>
      tpu.wait_dma2 semaphore(%run_scoped3A : memref<!tpu.dma_semaphore, #tpu.memory_space<semaphore_mem>>) src(%dma_wait3A_102 : memref<40x128xi32, #tpu.memory_space<hbm>>) dst(%arg9 : memref<40x128xi32, #tpu.memory_space<vmem>>)
      tpu.yield
    }) : () -> ()
    %dma_start3A = arith.constant 0 : i32
    %dma_start3A_17 = arith.constant 0 : i32
    %dma_start3A_18 = arith.constant 0 : i32
    %dma_start3A_19 = arith.constant 0 : i32
    %dma_start3A_20 = arith.constant 0 : i32
    %dma_start3A_21 = tpu.memref_slice %arg10[%dma_start3A_17, %dma_start3A_19, %dma_start3A_20] : memref<2x128x128xf32, #tpu.memory_space<vmem>> -> memref<1x128x128xf32, #tpu.memory_space<vmem>>
    %dma_start3A_22 = tpu.memref_squeeze %dma_start3A_21 : memref<1x128x128xf32, #tpu.memory_space<vmem>> -> memref<128x128xf32, #tpu.memory_space<vmem>>
    %dma_start3A_23 = arith.constant 0 : i32
    %dma_start3A_24 = tpu.memref_slice %arg8[%dma_start3A, %dma_start3A_23] : memref<40x128xi32, #tpu.memory_space<vmem>> -> memref<1x128xi32, #tpu.memory_space<vmem>>
    %dma_start3A_25 = tpu.memref_squeeze %dma_start3A_24 : memref<1x128xi32, #tpu.memory_space<vmem>> -> memref<128xi32, #tpu.memory_space<vmem>>
    %dma_start3A_26 = arith.constant 0 : i32
    %dma_start3A_27 = arith.constant 0 : i32
    %dma_start3A_28 = tpu.memref_slice %arg2[%dma_start3A_26, %dma_start3A_27] : memref<10240x128xf32, #tpu.memory_space<hbm>> -> memref<10240x128xf32, #tpu.memory_space<hbm>>
    %dma_start3A_29 = tpu.memref_slice %arg11[%dma_start3A_18] : memref<2x!tpu.dma_semaphore, #tpu.memory_space<semaphore_mem>> -> memref<1x!tpu.dma_semaphore, #tpu.memory_space<semaphore_mem>>
    %dma_start3A_30 = tpu.memref_squeeze %dma_start3A_29 : memref<1x!tpu.dma_semaphore, #tpu.memory_space<semaphore_mem>> -> memref<!tpu.dma_semaphore, #tpu.memory_space<semaphore_mem>>
    tpu.enqueue_indirect_dma source(%dma_start3A_28 : memref<10240x128xf32, #tpu.memory_space<hbm>>) target(%dma_start3A_22 : memref<128x128xf32, #tpu.memory_space<vmem>>) offsets(%dma_start3A_25 : memref<128xi32, #tpu.memory_space<vmem>>) semaphore(%dma_start3A_30 : memref<!tpu.dma_semaphore, #tpu.memory_space<semaphore_mem>>)
    %scan3A = arith.constant 0 : i32
    %scan3A_31 = arith.constant 0 : i32
    %scan3A_32 = arith.constant 40 : i32
    %scan3A_33 = arith.addi %scan3A_31, %scan3A_32 : i32
    %scan3A_34 = arith.constant 1 : i32
    scf.for %scan3A_95 = %scan3A_31 to %scan3A_33 step %scan3A_34  : i32 {
      %rem3A = arith.constant 2 : i32
      %rem3A_96 = arith.remsi %scan3A_95, %rem3A : i32
      %dma_wait3A_97 = arith.constant 0 : i32
      %dma_wait3A_98 = arith.constant 0 : i32
      %dma_wait3A_99 = tpu.memref_slice %arg10[%rem3A_96, %dma_wait3A_97, %dma_wait3A_98] : memref<2x128x128xf32, #tpu.memory_space<vmem>> -> memref<1x128x128xf32, #tpu.memory_space<vmem>>
      %dma_wait3A_100 = tpu.memref_squeeze %dma_wait3A_99 : memref<1x128x128xf32, #tpu.memory_space<vmem>> -> memref<128x128xf32, #tpu.memory_space<vmem>>
      %dma_wait3A_101 = arith.constant 0 : i32
      %dma_wait3A_102 = tpu.memref_slice %arg8[%scan3A_95, %dma_wait3A_101] : memref<40x128xi32, #tpu.memory_space<vmem>> -> memref<1x128xi32, #tpu.memory_space<vmem>>
      %dma_wait3A_103 = tpu.memref_squeeze %dma_wait3A_102 : memref<1x128xi32, #tpu.memory_space<vmem>> -> memref<128xi32, #tpu.memory_space<vmem>>
      %dma_wait3A_104 = arith.constant 0 : i32
      %dma_wait3A_105 = arith.constant 0 : i32
      %dma_wait3A_106 = tpu.memref_slice %arg2[%dma_wait3A_104, %dma_wait3A_105] : memref<10240x128xf32, #tpu.memory_space<hbm>> -> memref<10240x128xf32, #tpu.memory_space<hbm>>
      %dma_wait3A_107 = tpu.memref_slice %arg11[%rem3A_96] : memref<2x!tpu.dma_semaphore, #tpu.memory_space<semaphore_mem>> -> memref<1x!tpu.dma_semaphore, #tpu.memory_space<semaphore_mem>>
      %dma_wait3A_108 = tpu.memref_squeeze %dma_wait3A_107 : memref<1x!tpu.dma_semaphore, #tpu.memory_space<semaphore_mem>> -> memref<!tpu.dma_semaphore, #tpu.memory_space<semaphore_mem>>
      tpu.wait_indirect_dma semaphore(%dma_wait3A_108 : memref<!tpu.dma_semaphore, #tpu.memory_space<semaphore_mem>>) src(%dma_wait3A_106 : memref<10240x128xf32, #tpu.memory_space<hbm>>) dst(%dma_wait3A_100 : memref<128x128xf32, #tpu.memory_space<vmem>>)
      %ge3A = arith.constant 1 : i32
      %ge3A_109 = arith.cmpi sge, %scan3A_95, %ge3A : i32
      %convert_element_type3A_110 = arith.extui %ge3A_109 : i1 to i32
      %cond3A_111 = arith.constant 0 : i32
      %cond3A_112 = arith.cmpi ne, %convert_element_type3A_110, %cond3A_111 : i32
      scf.if %cond3A_112 {
        %sub3A = arith.constant 1 : i32
        %sub3A_131 = arith.subi %sub3A, %rem3A_96 : i32
        %sub3A_132 = arith.constant 1 : i32
        %sub3A_133 = arith.subi %scan3A_95, %sub3A_132 : i32
        %sub3A_134 = arith.constant 1 : i32
        %sub3A_135 = arith.subi %sub3A_134, %rem3A_96 : i32
        %dma_wait3A_136 = arith.constant 0 : i32
        %dma_wait3A_137 = arith.constant 0 : i32
        %dma_wait3A_138 = tpu.memref_slice %arg10[%sub3A_131, %dma_wait3A_136, %dma_wait3A_137] : memref<2x128x128xf32, #tpu.memory_space<vmem>> -> memref<1x128x128xf32, #tpu.memory_space<vmem>>
        %dma_wait3A_139 = tpu.memref_squeeze %dma_wait3A_138 : memref<1x128x128xf32, #tpu.memory_space<vmem>> -> memref<128x128xf32, #tpu.memory_space<vmem>>
        %dma_wait3A_140 = arith.constant 0 : i32
        %dma_wait3A_141 = tpu.memref_slice %arg9[%sub3A_133, %dma_wait3A_140] : memref<40x128xi32, #tpu.memory_space<vmem>> -> memref<1x128xi32, #tpu.memory_space<vmem>>
        %dma_wait3A_142 = tpu.memref_squeeze %dma_wait3A_141 : memref<1x128xi32, #tpu.memory_space<vmem>> -> memref<128xi32, #tpu.memory_space<vmem>>
        %dma_wait3A_143 = arith.constant 0 : i32
        %dma_wait3A_144 = arith.constant 0 : i32
        %dma_wait3A_145 = tpu.memref_slice %arg7[%dma_wait3A_143, %dma_wait3A_144] : memref<10240x128xf32, #tpu.memory_space<vmem_shared>> -> memref<10240x128xf32, #tpu.memory_space<vmem_shared>>
        %dma_wait3A_146 = tpu.memref_slice %arg12[%sub3A_135] : memref<2x!tpu.dma_semaphore, #tpu.memory_space<semaphore_mem>> -> memref<1x!tpu.dma_semaphore, #tpu.memory_space<semaphore_mem>>
        %dma_wait3A_147 = tpu.memref_squeeze %dma_wait3A_146 : memref<1x!tpu.dma_semaphore, #tpu.memory_space<semaphore_mem>> -> memref<!tpu.dma_semaphore, #tpu.memory_space<semaphore_mem>>
        tpu.wait_indirect_dma semaphore(%dma_wait3A_147 : memref<!tpu.dma_semaphore, #tpu.memory_space<semaphore_mem>>) src(%dma_wait3A_139 : memref<128x128xf32, #tpu.memory_space<vmem>>) dst(%dma_wait3A_145 : memref<10240x128xf32, #tpu.memory_space<vmem_shared>>)
      } else {
      }
      %add3A_113 = arith.constant 1 : i32
      %add3A_114 = arith.addi %scan3A_95, %add3A_113 : i32
      %lt3A = arith.constant 40 : i32
      %lt3A_115 = arith.cmpi slt, %add3A_114, %lt3A : i32
      %convert_element_type3A_116 = arith.extui %lt3A_115 : i1 to i32
      %cond3A_117 = arith.constant 0 : i32
      %cond3A_118 = arith.cmpi ne, %convert_element_type3A_116, %cond3A_117 : i32
      scf.if %cond3A_118 {
        %add3A_131 = arith.constant 1 : i32
        %add3A_132 = arith.addi %scan3A_95, %add3A_131 : i32
        %sub3A = arith.constant 1 : i32
        %sub3A_133 = arith.subi %sub3A, %rem3A_96 : i32
        %sub3A_134 = arith.constant 1 : i32
        %sub3A_135 = arith.subi %sub3A_134, %rem3A_96 : i32
        %dma_start3A_136 = arith.constant 0 : i32
        %dma_start3A_137 = arith.constant 0 : i32
        %dma_start3A_138 = tpu.memref_slice %arg10[%sub3A_133, %dma_start3A_136, %dma_start3A_137] : memref<2x128x128xf32, #tpu.memory_space<vmem>> -> memref<1x128x128xf32, #tpu.memory_space<vmem>>
        %dma_start3A_139 = tpu.memref_squeeze %dma_start3A_138 : memref<1x128x128xf32, #tpu.memory_space<vmem>> -> memref<128x128xf32, #tpu.memory_space<vmem>>
        %dma_start3A_140 = arith.constant 0 : i32
        %dma_start3A_141 = tpu.memref_slice %arg8[%add3A_132, %dma_start3A_140] : memref<40x128xi32, #tpu.memory_space<vmem>> -> memref<1x128xi32, #tpu.memory_space<vmem>>
        %dma_start3A_142 = tpu.memref_squeeze %dma_start3A_141 : memref<1x128xi32, #tpu.memory_space<vmem>> -> memref<128xi32, #tpu.memory_space<vmem>>
        %dma_start3A_143 = arith.constant 0 : i32
        %dma_start3A_144 = arith.constant 0 : i32
        %dma_start3A_145 = tpu.memref_slice %arg2[%dma_start3A_143, %dma_start3A_144] : memref<10240x128xf32, #tpu.memory_space<hbm>> -> memref<10240x128xf32, #tpu.memory_space<hbm>>
        %dma_start3A_146 = tpu.memref_slice %arg11[%sub3A_135] : memref<2x!tpu.dma_semaphore, #tpu.memory_space<semaphore_mem>> -> memref<1x!tpu.dma_semaphore, #tpu.memory_space<semaphore_mem>>
        %dma_start3A_147 = tpu.memref_squeeze %dma_start3A_146 : memref<1x!tpu.dma_semaphore, #tpu.memory_space<semaphore_mem>> -> memref<!tpu.dma_semaphore, #tpu.memory_space<semaphore_mem>>
        tpu.enqueue_indirect_dma source(%dma_start3A_145 : memref<10240x128xf32, #tpu.memory_space<hbm>>) target(%dma_start3A_139 : memref<128x128xf32, #tpu.memory_space<vmem>>) offsets(%dma_start3A_142 : memref<128xi32, #tpu.memory_space<vmem>>) semaphore(%dma_start3A_147 : memref<!tpu.dma_semaphore, #tpu.memory_space<semaphore_mem>>)
      } else {
      }
      %dma_start3A_119 = arith.constant 0 : i32
      %dma_start3A_120 = arith.constant 0 : i32
      %dma_start3A_121 = tpu.memref_slice %arg10[%rem3A_96, %dma_start3A_119, %dma_start3A_120] : memref<2x128x128xf32, #tpu.memory_space<vmem>> -> memref<1x128x128xf32, #tpu.memory_space<vmem>>
      %dma_start3A_122 = tpu.memref_squeeze %dma_start3A_121 : memref<1x128x128xf32, #tpu.memory_space<vmem>> -> memref<128x128xf32, #tpu.memory_space<vmem>>
      %dma_start3A_123 = arith.constant 0 : i32
      %dma_start3A_124 = tpu.memref_slice %arg9[%scan3A_95, %dma_start3A_123] : memref<40x128xi32, #tpu.memory_space<vmem>> -> memref<1x128xi32, #tpu.memory_space<vmem>>
      %dma_start3A_125 = tpu.memref_squeeze %dma_start3A_124 : memref<1x128xi32, #tpu.memory_space<vmem>> -> memref<128xi32, #tpu.memory_space<vmem>>
      %dma_start3A_126 = arith.constant 0 : i32
      %dma_start3A_127 = arith.constant 0 : i32
      %dma_start3A_128 = tpu.memref_slice %arg7[%dma_start3A_126, %dma_start3A_127] : memref<10240x128xf32, #tpu.memory_space<vmem_shared>> -> memref<10240x128xf32, #tpu.memory_space<vmem_shared>>
      %dma_start3A_129 = tpu.memref_slice %arg12[%rem3A_96] : memref<2x!tpu.dma_semaphore, #tpu.memory_space<semaphore_mem>> -> memref<1x!tpu.dma_semaphore, #tpu.memory_space<semaphore_mem>>
      %dma_start3A_130 = tpu.memref_squeeze %dma_start3A_129 : memref<1x!tpu.dma_semaphore, #tpu.memory_space<semaphore_mem>> -> memref<!tpu.dma_semaphore, #tpu.memory_space<semaphore_mem>>
      tpu.enqueue_indirect_dma source(%dma_start3A_122 : memref<128x128xf32, #tpu.memory_space<vmem>>) target(%dma_start3A_128 : memref<10240x128xf32, #tpu.memory_space<vmem_shared>>) offsets(%dma_start3A_125 : memref<128xi32, #tpu.memory_space<vmem>>) semaphore(%dma_start3A_130 : memref<!tpu.dma_semaphore, #tpu.memory_space<semaphore_mem>>) {add = true}
    }
    %scan3A_35 = arith.constant 40 : i32
    %dma_wait3A = arith.constant 1 : i32
    %dma_wait3A_36 = arith.constant 39 : i32
    %dma_wait3A_37 = arith.constant 1 : i32
    %dma_wait3A_38 = arith.constant 0 : i32
    %dma_wait3A_39 = arith.constant 0 : i32
    %dma_wait3A_40 = tpu.memref_slice %arg10[%dma_wait3A, %dma_wait3A_38, %dma_wait3A_39] : memref<2x128x128xf32, #tpu.memory_space<vmem>> -> memref<1x128x128xf32, #tpu.memory_space<vmem>>
    %dma_wait3A_41 = tpu.memref_squeeze %dma_wait3A_40 : memref<1x128x128xf32, #tpu.memory_space<vmem>> -> memref<128x128xf32, #tpu.memory_space<vmem>>
    %dma_wait3A_42 = arith.constant 0 : i32
    %dma_wait3A_43 = tpu.memref_slice %arg9[%dma_wait3A_36, %dma_wait3A_42] : memref<40x128xi32, #tpu.memory_space<vmem>> -> memref<1x128xi32, #tpu.memory_space<vmem>>
    %dma_wait3A_44 = tpu.memref_squeeze %dma_wait3A_43 : memref<1x128xi32, #tpu.memory_space<vmem>> -> memref<128xi32, #tpu.memory_space<vmem>>
    %dma_wait3A_45 = arith.constant 0 : i32
    %dma_wait3A_46 = arith.constant 0 : i32
    %dma_wait3A_47 = tpu.memref_slice %arg7[%dma_wait3A_45, %dma_wait3A_46] : memref<10240x128xf32, #tpu.memory_space<vmem_shared>> -> memref<10240x128xf32, #tpu.memory_space<vmem_shared>>
    %dma_wait3A_48 = tpu.memref_slice %arg12[%dma_wait3A_37] : memref<2x!tpu.dma_semaphore, #tpu.memory_space<semaphore_mem>> -> memref<1x!tpu.dma_semaphore, #tpu.memory_space<semaphore_mem>>
    %dma_wait3A_49 = tpu.memref_squeeze %dma_wait3A_48 : memref<1x!tpu.dma_semaphore, #tpu.memory_space<semaphore_mem>> -> memref<!tpu.dma_semaphore, #tpu.memory_space<semaphore_mem>>
    tpu.wait_indirect_dma semaphore(%dma_wait3A_49 : memref<!tpu.dma_semaphore, #tpu.memory_space<semaphore_mem>>) src(%dma_wait3A_41 : memref<128x128xf32, #tpu.memory_space<vmem>>) dst(%dma_wait3A_47 : memref<10240x128xf32, #tpu.memory_space<vmem_shared>>)
    %mul3A_50 = arith.constant 80 : i32
    %mul3A_51 = arith.muli %add3A, %mul3A_50 : i32
    %add3A_52 = arith.constant 40 : i32
    %add3A_53 = arith.addi %mul3A_51, %add3A_52 : i32
    "tpu.region"() ({
      %run_scoped3A = tpu.sem_alloc : memref<!tpu.dma_semaphore, #tpu.memory_space<semaphore_mem>>
      %dma_start3A_95 = arith.constant 0 : i32
      %dma_start3A_96 = tpu.memref_slice %arg3[%add3A_53, %dma_start3A_95] : memref<2560x128xi32, #tpu.memory_space<hbm>> -> memref<40x128xi32, #tpu.memory_space<hbm>>
      %dma_start3A_97 = arith.constant 0 : i32
      %dma_start3A_98 = tpu.memref_slice %arg3[%add3A_53, %dma_start3A_97] : memref<2560x128xi32, #tpu.memory_space<hbm>> -> memref<40x128xi32, #tpu.memory_space<hbm>>
      tpu.enqueue_dma source(%dma_start3A_98 : memref<40x128xi32, #tpu.memory_space<hbm>>) target(%arg8 : memref<40x128xi32, #tpu.memory_space<vmem>>) target_semaphore(%run_scoped3A : memref<!tpu.dma_semaphore, #tpu.memory_space<semaphore_mem>>)
      %dma_wait3A_99 = arith.constant 0 : i32
      %dma_wait3A_100 = tpu.memref_slice %arg3[%add3A_53, %dma_wait3A_99] : memref<2560x128xi32, #tpu.memory_space<hbm>> -> memref<40x128xi32, #tpu.memory_space<hbm>>
      %dma_wait3A_101 = arith.constant 0 : i32
      %dma_wait3A_102 = tpu.memref_slice %arg3[%add3A_53, %dma_wait3A_101] : memref<2560x128xi32, #tpu.memory_space<hbm>> -> memref<40x128xi32, #tpu.memory_space<hbm>>
      tpu.wait_dma2 semaphore(%run_scoped3A : memref<!tpu.dma_semaphore, #tpu.memory_space<semaphore_mem>>) src(%dma_wait3A_102 : memref<40x128xi32, #tpu.memory_space<hbm>>) dst(%arg8 : memref<40x128xi32, #tpu.memory_space<vmem>>)
      tpu.yield
    }) : () -> ()
    %mul3A_54 = arith.constant 80 : i32
    %mul3A_55 = arith.muli %add3A, %mul3A_54 : i32
    %add3A_56 = arith.constant 40 : i32
    %add3A_57 = arith.addi %mul3A_55, %add3A_56 : i32
    "tpu.region"() ({
      %run_scoped3A = tpu.sem_alloc : memref<!tpu.dma_semaphore, #tpu.memory_space<semaphore_mem>>
      %dma_start3A_95 = arith.constant 0 : i32
      %dma_start3A_96 = tpu.memref_slice %arg4[%add3A_57, %dma_start3A_95] : memref<2560x128xi32, #tpu.memory_space<hbm>> -> memref<40x128xi32, #tpu.memory_space<hbm>>
      %dma_start3A_97 = arith.constant 0 : i32
      %dma_start3A_98 = tpu.memref_slice %arg4[%add3A_57, %dma_start3A_97] : memref<2560x128xi32, #tpu.memory_space<hbm>> -> memref<40x128xi32, #tpu.memory_space<hbm>>
      tpu.enqueue_dma source(%dma_start3A_98 : memref<40x128xi32, #tpu.memory_space<hbm>>) target(%arg9 : memref<40x128xi32, #tpu.memory_space<vmem>>) target_semaphore(%run_scoped3A : memref<!tpu.dma_semaphore, #tpu.memory_space<semaphore_mem>>)
      %dma_wait3A_99 = arith.constant 0 : i32
      %dma_wait3A_100 = tpu.memref_slice %arg4[%add3A_57, %dma_wait3A_99] : memref<2560x128xi32, #tpu.memory_space<hbm>> -> memref<40x128xi32, #tpu.memory_space<hbm>>
      %dma_wait3A_101 = arith.constant 0 : i32
      %dma_wait3A_102 = tpu.memref_slice %arg4[%add3A_57, %dma_wait3A_101] : memref<2560x128xi32, #tpu.memory_space<hbm>> -> memref<40x128xi32, #tpu.memory_space<hbm>>
      tpu.wait_dma2 semaphore(%run_scoped3A : memref<!tpu.dma_semaphore, #tpu.memory_space<semaphore_mem>>) src(%dma_wait3A_102 : memref<40x128xi32, #tpu.memory_space<hbm>>) dst(%arg9 : memref<40x128xi32, #tpu.memory_space<vmem>>)
      tpu.yield
    }) : () -> ()
    %dma_start3A_58 = arith.constant 0 : i32
    %dma_start3A_59 = arith.constant 0 : i32
    %dma_start3A_60 = arith.constant 0 : i32
    %dma_start3A_61 = arith.constant 0 : i32
    %dma_start3A_62 = arith.constant 0 : i32
    %dma_start3A_63 = tpu.memref_slice %arg10[%dma_start3A_59, %dma_start3A_61, %dma_start3A_62] : memref<2x128x128xf32, #tpu.memory_space<vmem>> -> memref<1x128x128xf32, #tpu.memory_space<vmem>>
    %dma_start3A_64 = tpu.memref_squeeze %dma_start3A_63 : memref<1x128x128xf32, #tpu.memory_space<vmem>> -> memref<128x128xf32, #tpu.memory_space<vmem>>
    %dma_start3A_65 = arith.constant 0 : i32
    %dma_start3A_66 = tpu.memref_slice %arg8[%dma_start3A_58, %dma_start3A_65] : memref<40x128xi32, #tpu.memory_space<vmem>> -> memref<1x128xi32, #tpu.memory_space<vmem>>
    %dma_start3A_67 = tpu.memref_squeeze %dma_start3A_66 : memref<1x128xi32, #tpu.memory_space<vmem>> -> memref<128xi32, #tpu.memory_space<vmem>>
    %dma_start3A_68 = arith.constant 0 : i32
    %dma_start3A_69 = arith.constant 0 : i32
    %dma_start3A_70 = tpu.memref_slice %arg2[%dma_start3A_68, %dma_start3A_69] : memref<10240x128xf32, #tpu.memory_space<hbm>> -> memref<10240x128xf32, #tpu.memory_space<hbm>>
    %dma_start3A_71 = tpu.memref_slice %arg11[%dma_start3A_60] : memref<2x!tpu.dma_semaphore, #tpu.memory_space<semaphore_mem>> -> memref<1x!tpu.dma_semaphore, #tpu.memory_space<semaphore_mem>>
    %dma_start3A_72 = tpu.memref_squeeze %dma_start3A_71 : memref<1x!tpu.dma_semaphore, #tpu.memory_space<semaphore_mem>> -> memref<!tpu.dma_semaphore, #tpu.memory_space<semaphore_mem>>
    tpu.enqueue_indirect_dma source(%dma_start3A_70 : memref<10240x128xf32, #tpu.memory_space<hbm>>) target(%dma_start3A_64 : memref<128x128xf32, #tpu.memory_space<vmem>>) offsets(%dma_start3A_67 : memref<128xi32, #tpu.memory_space<vmem>>) semaphore(%dma_start3A_72 : memref<!tpu.dma_semaphore, #tpu.memory_space<semaphore_mem>>)
    %scan3A_73 = arith.constant 0 : i32
    %scan3A_74 = arith.constant 0 : i32
    %scan3A_75 = arith.constant 40 : i32
    %scan3A_76 = arith.addi %scan3A_74, %scan3A_75 : i32
    %scan3A_77 = arith.constant 1 : i32
    scf.for %scan3A_95 = %scan3A_74 to %scan3A_76 step %scan3A_77  : i32 {
      %rem3A = arith.constant 2 : i32
      %rem3A_96 = arith.remsi %scan3A_95, %rem3A : i32
      %dma_wait3A_97 = arith.constant 0 : i32
      %dma_wait3A_98 = arith.constant 0 : i32
      %dma_wait3A_99 = tpu.memref_slice %arg10[%rem3A_96, %dma_wait3A_97, %dma_wait3A_98] : memref<2x128x128xf32, #tpu.memory_space<vmem>> -> memref<1x128x128xf32, #tpu.memory_space<vmem>>
      %dma_wait3A_100 = tpu.memref_squeeze %dma_wait3A_99 : memref<1x128x128xf32, #tpu.memory_space<vmem>> -> memref<128x128xf32, #tpu.memory_space<vmem>>
      %dma_wait3A_101 = arith.constant 0 : i32
      %dma_wait3A_102 = tpu.memref_slice %arg8[%scan3A_95, %dma_wait3A_101] : memref<40x128xi32, #tpu.memory_space<vmem>> -> memref<1x128xi32, #tpu.memory_space<vmem>>
      %dma_wait3A_103 = tpu.memref_squeeze %dma_wait3A_102 : memref<1x128xi32, #tpu.memory_space<vmem>> -> memref<128xi32, #tpu.memory_space<vmem>>
      %dma_wait3A_104 = arith.constant 0 : i32
      %dma_wait3A_105 = arith.constant 0 : i32
      %dma_wait3A_106 = tpu.memref_slice %arg2[%dma_wait3A_104, %dma_wait3A_105] : memref<10240x128xf32, #tpu.memory_space<hbm>> -> memref<10240x128xf32, #tpu.memory_space<hbm>>
      %dma_wait3A_107 = tpu.memref_slice %arg11[%rem3A_96] : memref<2x!tpu.dma_semaphore, #tpu.memory_space<semaphore_mem>> -> memref<1x!tpu.dma_semaphore, #tpu.memory_space<semaphore_mem>>
      %dma_wait3A_108 = tpu.memref_squeeze %dma_wait3A_107 : memref<1x!tpu.dma_semaphore, #tpu.memory_space<semaphore_mem>> -> memref<!tpu.dma_semaphore, #tpu.memory_space<semaphore_mem>>
      tpu.wait_indirect_dma semaphore(%dma_wait3A_108 : memref<!tpu.dma_semaphore, #tpu.memory_space<semaphore_mem>>) src(%dma_wait3A_106 : memref<10240x128xf32, #tpu.memory_space<hbm>>) dst(%dma_wait3A_100 : memref<128x128xf32, #tpu.memory_space<vmem>>)
      %ge3A = arith.constant 1 : i32
      %ge3A_109 = arith.cmpi sge, %scan3A_95, %ge3A : i32
      %convert_element_type3A_110 = arith.extui %ge3A_109 : i1 to i32
      %cond3A_111 = arith.constant 0 : i32
      %cond3A_112 = arith.cmpi ne, %convert_element_type3A_110, %cond3A_111 : i32
      scf.if %cond3A_112 {
        %sub3A = arith.constant 1 : i32
        %sub3A_131 = arith.subi %sub3A, %rem3A_96 : i32
        %sub3A_132 = arith.constant 1 : i32
        %sub3A_133 = arith.subi %scan3A_95, %sub3A_132 : i32
        %sub3A_134 = arith.constant 1 : i32
        %sub3A_135 = arith.subi %sub3A_134, %rem3A_96 : i32
        %dma_wait3A_136 = arith.constant 0 : i32
        %dma_wait3A_137 = arith.constant 0 : i32
        %dma_wait3A_138 = tpu.memref_slice %arg10[%sub3A_131, %dma_wait3A_136, %dma_wait3A_137] : memref<2x128x128xf32, #tpu.memory_space<vmem>> -> memref<1x128x128xf32, #tpu.memory_space<vmem>>
        %dma_wait3A_139 = tpu.memref_squeeze %dma_wait3A_138 : memref<1x128x128xf32, #tpu.memory_space<vmem>> -> memref<128x128xf32, #tpu.memory_space<vmem>>
        %dma_wait3A_140 = arith.constant 0 : i32
        %dma_wait3A_141 = tpu.memref_slice %arg9[%sub3A_133, %dma_wait3A_140] : memref<40x128xi32, #tpu.memory_space<vmem>> -> memref<1x128xi32, #tpu.memory_space<vmem>>
        %dma_wait3A_142 = tpu.memref_squeeze %dma_wait3A_141 : memref<1x128xi32, #tpu.memory_space<vmem>> -> memref<128xi32, #tpu.memory_space<vmem>>
        %dma_wait3A_143 = arith.constant 0 : i32
        %dma_wait3A_144 = arith.constant 0 : i32
        %dma_wait3A_145 = tpu.memref_slice %arg7[%dma_wait3A_143, %dma_wait3A_144] : memref<10240x128xf32, #tpu.memory_space<vmem_shared>> -> memref<10240x128xf32, #tpu.memory_space<vmem_shared>>
        %dma_wait3A_146 = tpu.memref_slice %arg12[%sub3A_135] : memref<2x!tpu.dma_semaphore, #tpu.memory_space<semaphore_mem>> -> memref<1x!tpu.dma_semaphore, #tpu.memory_space<semaphore_mem>>
        %dma_wait3A_147 = tpu.memref_squeeze %dma_wait3A_146 : memref<1x!tpu.dma_semaphore, #tpu.memory_space<semaphore_mem>> -> memref<!tpu.dma_semaphore, #tpu.memory_space<semaphore_mem>>
        tpu.wait_indirect_dma semaphore(%dma_wait3A_147 : memref<!tpu.dma_semaphore, #tpu.memory_space<semaphore_mem>>) src(%dma_wait3A_139 : memref<128x128xf32, #tpu.memory_space<vmem>>) dst(%dma_wait3A_145 : memref<10240x128xf32, #tpu.memory_space<vmem_shared>>)
      } else {
      }
      %add3A_113 = arith.constant 1 : i32
      %add3A_114 = arith.addi %scan3A_95, %add3A_113 : i32
      %lt3A = arith.constant 40 : i32
      %lt3A_115 = arith.cmpi slt, %add3A_114, %lt3A : i32
      %convert_element_type3A_116 = arith.extui %lt3A_115 : i1 to i32
      %cond3A_117 = arith.constant 0 : i32
      %cond3A_118 = arith.cmpi ne, %convert_element_type3A_116, %cond3A_117 : i32
      scf.if %cond3A_118 {
        %add3A_131 = arith.constant 1 : i32
        %add3A_132 = arith.addi %scan3A_95, %add3A_131 : i32
        %sub3A = arith.constant 1 : i32
        %sub3A_133 = arith.subi %sub3A, %rem3A_96 : i32
        %sub3A_134 = arith.constant 1 : i32
        %sub3A_135 = arith.subi %sub3A_134, %rem3A_96 : i32
        %dma_start3A_136 = arith.constant 0 : i32
        %dma_start3A_137 = arith.constant 0 : i32
        %dma_start3A_138 = tpu.memref_slice %arg10[%sub3A_133, %dma_start3A_136, %dma_start3A_137] : memref<2x128x128xf32, #tpu.memory_space<vmem>> -> memref<1x128x128xf32, #tpu.memory_space<vmem>>
        %dma_start3A_139 = tpu.memref_squeeze %dma_start3A_138 : memref<1x128x128xf32, #tpu.memory_space<vmem>> -> memref<128x128xf32, #tpu.memory_space<vmem>>
        %dma_start3A_140 = arith.constant 0 : i32
        %dma_start3A_141 = tpu.memref_slice %arg8[%add3A_132, %dma_start3A_140] : memref<40x128xi32, #tpu.memory_space<vmem>> -> memref<1x128xi32, #tpu.memory_space<vmem>>
        %dma_start3A_142 = tpu.memref_squeeze %dma_start3A_141 : memref<1x128xi32, #tpu.memory_space<vmem>> -> memref<128xi32, #tpu.memory_space<vmem>>
        %dma_start3A_143 = arith.constant 0 : i32
        %dma_start3A_144 = arith.constant 0 : i32
        %dma_start3A_145 = tpu.memref_slice %arg2[%dma_start3A_143, %dma_start3A_144] : memref<10240x128xf32, #tpu.memory_space<hbm>> -> memref<10240x128xf32, #tpu.memory_space<hbm>>
        %dma_start3A_146 = tpu.memref_slice %arg11[%sub3A_135] : memref<2x!tpu.dma_semaphore, #tpu.memory_space<semaphore_mem>> -> memref<1x!tpu.dma_semaphore, #tpu.memory_space<semaphore_mem>>
        %dma_start3A_147 = tpu.memref_squeeze %dma_start3A_146 : memref<1x!tpu.dma_semaphore, #tpu.memory_space<semaphore_mem>> -> memref<!tpu.dma_semaphore, #tpu.memory_space<semaphore_mem>>
        tpu.enqueue_indirect_dma source(%dma_start3A_145 : memref<10240x128xf32, #tpu.memory_space<hbm>>) target(%dma_start3A_139 : memref<128x128xf32, #tpu.memory_space<vmem>>) offsets(%dma_start3A_142 : memref<128xi32, #tpu.memory_space<vmem>>) semaphore(%dma_start3A_147 : memref<!tpu.dma_semaphore, #tpu.memory_space<semaphore_mem>>)
      } else {
      }
      %dma_start3A_119 = arith.constant 0 : i32
      %dma_start3A_120 = arith.constant 0 : i32
      %dma_start3A_121 = tpu.memref_slice %arg10[%rem3A_96, %dma_start3A_119, %dma_start3A_120] : memref<2x128x128xf32, #tpu.memory_space<vmem>> -> memref<1x128x128xf32, #tpu.memory_space<vmem>>
      %dma_start3A_122 = tpu.memref_squeeze %dma_start3A_121 : memref<1x128x128xf32, #tpu.memory_space<vmem>> -> memref<128x128xf32, #tpu.memory_space<vmem>>
      %dma_start3A_123 = arith.constant 0 : i32
      %dma_start3A_124 = tpu.memref_slice %arg9[%scan3A_95, %dma_start3A_123] : memref<40x128xi32, #tpu.memory_space<vmem>> -> memref<1x128xi32, #tpu.memory_space<vmem>>
      %dma_start3A_125 = tpu.memref_squeeze %dma_start3A_124 : memref<1x128xi32, #tpu.memory_space<vmem>> -> memref<128xi32, #tpu.memory_space<vmem>>
      %dma_start3A_126 = arith.constant 0 : i32
      %dma_start3A_127 = arith.constant 0 : i32
      %dma_start3A_128 = tpu.memref_slice %arg7[%dma_start3A_126, %dma_start3A_127] : memref<10240x128xf32, #tpu.memory_space<vmem_shared>> -> memref<10240x128xf32, #tpu.memory_space<vmem_shared>>
      %dma_start3A_129 = tpu.memref_slice %arg12[%rem3A_96] : memref<2x!tpu.dma_semaphore, #tpu.memory_space<semaphore_mem>> -> memref<1x!tpu.dma_semaphore, #tpu.memory_space<semaphore_mem>>
      %dma_start3A_130 = tpu.memref_squeeze %dma_start3A_129 : memref<1x!tpu.dma_semaphore, #tpu.memory_space<semaphore_mem>> -> memref<!tpu.dma_semaphore, #tpu.memory_space<semaphore_mem>>
      tpu.enqueue_indirect_dma source(%dma_start3A_122 : memref<128x128xf32, #tpu.memory_space<vmem>>) target(%dma_start3A_128 : memref<10240x128xf32, #tpu.memory_space<vmem_shared>>) offsets(%dma_start3A_125 : memref<128xi32, #tpu.memory_space<vmem>>) semaphore(%dma_start3A_130 : memref<!tpu.dma_semaphore, #tpu.memory_space<semaphore_mem>>) {add = true}
    }
    %scan3A_78 = arith.constant 40 : i32
    %dma_wait3A_79 = arith.constant 1 : i32
    %dma_wait3A_80 = arith.constant 39 : i32
    %dma_wait3A_81 = arith.constant 1 : i32
    %dma_wait3A_82 = arith.constant 0 : i32
    %dma_wait3A_83 = arith.constant 0 : i32
    %dma_wait3A_84 = tpu.memref_slice %arg10[%dma_wait3A_79, %dma_wait3A_82, %dma_wait3A_83] : memref<2x128x128xf32, #tpu.memory_space<vmem>> -> memref<1x128x128xf32, #tpu.memory_space<vmem>>
    %dma_wait3A_85 = tpu.memref_squeeze %dma_wait3A_84 : memref<1x128x128xf32, #tpu.memory_space<vmem>> -> memref<128x128xf32, #tpu.memory_space<vmem>>
    %dma_wait3A_86 = arith.constant 0 : i32
    %dma_wait3A_87 = tpu.memref_slice %arg9[%dma_wait3A_80, %dma_wait3A_86] : memref<40x128xi32, #tpu.memory_space<vmem>> -> memref<1x128xi32, #tpu.memory_space<vmem>>
    %dma_wait3A_88 = tpu.memref_squeeze %dma_wait3A_87 : memref<1x128xi32, #tpu.memory_space<vmem>> -> memref<128xi32, #tpu.memory_space<vmem>>
    %dma_wait3A_89 = arith.constant 0 : i32
    %dma_wait3A_90 = arith.constant 0 : i32
    %dma_wait3A_91 = tpu.memref_slice %arg7[%dma_wait3A_89, %dma_wait3A_90] : memref<10240x128xf32, #tpu.memory_space<vmem_shared>> -> memref<10240x128xf32, #tpu.memory_space<vmem_shared>>
    %dma_wait3A_92 = tpu.memref_slice %arg12[%dma_wait3A_81] : memref<2x!tpu.dma_semaphore, #tpu.memory_space<semaphore_mem>> -> memref<1x!tpu.dma_semaphore, #tpu.memory_space<semaphore_mem>>
    %dma_wait3A_93 = tpu.memref_squeeze %dma_wait3A_92 : memref<1x!tpu.dma_semaphore, #tpu.memory_space<semaphore_mem>> -> memref<!tpu.dma_semaphore, #tpu.memory_space<semaphore_mem>>
    tpu.wait_indirect_dma semaphore(%dma_wait3A_93 : memref<!tpu.dma_semaphore, #tpu.memory_space<semaphore_mem>>) src(%dma_wait3A_85 : memref<128x128xf32, #tpu.memory_space<vmem>>) dst(%dma_wait3A_91 : memref<10240x128xf32, #tpu.memory_space<vmem_shared>>)
    %barrier3A_94 = arith.constant 0 : index
    tpu.barrier barrier_id(%barrier3A_94)
    "tpu.region"() ({
      %run_scoped3A = tpu.sem_alloc : memref<!tpu.dma_semaphore, #tpu.memory_space<semaphore_mem>>
      %dma_start3A_95 = arith.constant 0 : i32
      %dma_start3A_96 = tpu.memref_slice %arg6[%arg0, %mul3A_2, %dma_start3A_95] : memref<2x10240x128xf32, #tpu.memory_space<hbm>> -> memref<1x640x128xf32, #tpu.memory_space<hbm>>
      %dma_start3A_97 = tpu.memref_squeeze %dma_start3A_96 : memref<1x640x128xf32, #tpu.memory_space<hbm>> -> memref<640x128xf32, #tpu.memory_space<hbm>>
      %dma_start3A_98 = arith.constant 0 : i32
      %dma_start3A_99 = tpu.memref_slice %arg7[%mul3A_2, %dma_start3A_98] : memref<10240x128xf32, #tpu.memory_space<vmem_shared>> -> memref<640x128xf32, #tpu.memory_space<vmem_shared>>
      tpu.enqueue_dma source(%dma_start3A_99 : memref<640x128xf32, #tpu.memory_space<vmem_shared>>) target(%dma_start3A_97 : memref<640x128xf32, #tpu.memory_space<hbm>>) target_semaphore(%run_scoped3A : memref<!tpu.dma_semaphore, #tpu.memory_space<semaphore_mem>>)
      %dma_wait3A_100 = arith.constant 0 : i32
      %dma_wait3A_101 = tpu.memref_slice %arg6[%arg0, %mul3A_2, %dma_wait3A_100] : memref<2x10240x128xf32, #tpu.memory_space<hbm>> -> memref<1x640x128xf32, #tpu.memory_space<hbm>>
      %dma_wait3A_102 = tpu.memref_squeeze %dma_wait3A_101 : memref<1x640x128xf32, #tpu.memory_space<hbm>> -> memref<640x128xf32, #tpu.memory_space<hbm>>
      %dma_wait3A_103 = arith.constant 0 : i32
      %dma_wait3A_104 = tpu.memref_slice %arg7[%mul3A_2, %dma_wait3A_103] : memref<10240x128xf32, #tpu.memory_space<vmem_shared>> -> memref<640x128xf32, #tpu.memory_space<vmem_shared>>
      tpu.wait_dma2 semaphore(%run_scoped3A : memref<!tpu.dma_semaphore, #tpu.memory_space<semaphore_mem>>) src(%dma_wait3A_104 : memref<640x128xf32, #tpu.memory_space<vmem_shared>>) dst(%dma_wait3A_102 : memref<640x128xf32, #tpu.memory_space<hbm>>)
      tpu.yield
    }) : () -> ()
    return
  }
}

#map = affine_map<(d0, d1) -> (0, 0)>
#map1 = affine_map<(d0, d1) -> (0, 0, 0)>
module attributes {stable_mosaic.version = 14 : i64} {
  func.func @_sc_agg_body(%arg0: i32, %arg1: i32, %arg2: memref<10240x128xf32, #tpu.memory_space<hbm>>, %arg3: memref<2560x128xi32, #tpu.memory_space<hbm>>, %arg4: memref<2560x128xi32, #tpu.memory_space<hbm>>, %arg5: memref<10240x128xf32, #tpu.memory_space<hbm>>, %arg6: memref<2x10240x128xf32, #tpu.memory_space<hbm>>, %arg7: memref<10240x128xf32, #tpu.memory_space<vmem_shared>>, %arg8: memref<40x128xi32, #tpu.memory_space<vmem>>, %arg9: memref<40x128xi32, #tpu.memory_space<vmem>>, %arg10: memref<2x128x128xf32, #tpu.memory_space<vmem>>, %arg11: memref<2x!tpu.dma_semaphore, #tpu.memory_space<semaphore_mem>>, %arg12: memref<2x!tpu.dma_semaphore, #tpu.memory_space<semaphore_mem>>) attributes {dimension_semantics = [#tpu.dimension_semantics<core_parallel>, #tpu.dimension_semantics<subcore_parallel>], iteration_bounds = array<i64: 2, 16>, scalar_prefetch = 0 : i64, scratch_operands = 6 : i64, tpu.core_type = #tpu.core_type<sc_vector_subcore>, window_params = [{transform_indices = #map}, {transform_indices = #map}, {transform_indices = #map}, {transform_indices = #map}, {transform_indices = #map1}]} {
    %mul3A = arith.constant 16 : i32
    %mul3A_0 = arith.muli %arg0, %mul3A : i32
    %add3A = arith.addi %mul3A_0, %arg1 : i32
    %mul3A_1 = arith.constant 640 : i32
    %mul3A_2 = arith.muli %arg1, %mul3A_1 : i32
    %eq3A = arith.constant 0 : i32
    %eq3A_3 = arith.cmpi eq, %arg0, %eq3A : i32
    %convert_element_type3A = arith.extui %eq3A_3 : i1 to i32
    %cond3A = arith.constant 0 : i32
    %cond3A_4 = arith.cmpi ne, %convert_element_type3A, %cond3A : i32
    scf.if %cond3A_4 {
      "tpu.region"() ({
        %run_scoped3A = tpu.sem_alloc : memref<!tpu.dma_semaphore, #tpu.memory_space<semaphore_mem>>
        %dma_start3A_95 = arith.constant 0 : i32
        %dma_start3A_96 = tpu.memref_slice %arg7[%mul3A_2, %dma_start3A_95] : memref<10240x128xf32, #tpu.memory_space<vmem_shared>> -> memref<640x128xf32, #tpu.memory_space<vmem_shared>>
        %dma_start3A_97 = arith.constant 0 : i32
        %dma_start3A_98 = tpu.memref_slice %arg2[%mul3A_2, %dma_start3A_97] : memref<10240x128xf32, #tpu.memory_space<hbm>> -> memref<640x128xf32, #tpu.memory_space<hbm>>
        tpu.enqueue_dma source(%dma_start3A_98 : memref<640x128xf32, #tpu.memory_space<hbm>>) target(%dma_start3A_96 : memref<640x128xf32, #tpu.memory_space<vmem_shared>>) target_semaphore(%run_scoped3A : memref<!tpu.dma_semaphore, #tpu.memory_space<semaphore_mem>>)
        %dma_wait3A_99 = arith.constant 0 : i32
        %dma_wait3A_100 = tpu.memref_slice %arg7[%mul3A_2, %dma_wait3A_99] : memref<10240x128xf32, #tpu.memory_space<vmem_shared>> -> memref<640x128xf32, #tpu.memory_space<vmem_shared>>
        %dma_wait3A_101 = arith.constant 0 : i32
        %dma_wait3A_102 = tpu.memref_slice %arg2[%mul3A_2, %dma_wait3A_101] : memref<10240x128xf32, #tpu.memory_space<hbm>> -> memref<640x128xf32, #tpu.memory_space<hbm>>
        tpu.wait_dma2 semaphore(%run_scoped3A : memref<!tpu.dma_semaphore, #tpu.memory_space<semaphore_mem>>) src(%dma_wait3A_102 : memref<640x128xf32, #tpu.memory_space<hbm>>) dst(%dma_wait3A_100 : memref<640x128xf32, #tpu.memory_space<vmem_shared>>)
        tpu.yield
      }) : () -> ()
    } else {
    }
    %ne3A = arith.constant 0 : i32
    %ne3A_5 = arith.cmpi ne, %arg0, %ne3A : i32
    %convert_element_type3A_6 = arith.extui %ne3A_5 : i1 to i32
    %cond3A_7 = arith.constant 0 : i32
    %cond3A_8 = arith.cmpi ne, %convert_element_type3A_6, %cond3A_7 : i32
    scf.if %cond3A_8 {
      "tpu.region"() ({
        %run_scoped3A = tpu.sem_alloc : memref<!tpu.dma_semaphore, #tpu.memory_space<semaphore_mem>>
        %dma_start3A_95 = arith.constant 0 : i32
        %dma_start3A_96 = tpu.memref_slice %arg7[%mul3A_2, %dma_start3A_95] : memref<10240x128xf32, #tpu.memory_space<vmem_shared>> -> memref<640x128xf32, #tpu.memory_space<vmem_shared>>
        %dma_start3A_97 = arith.constant 0 : i32
        %dma_start3A_98 = tpu.memref_slice %arg5[%mul3A_2, %dma_start3A_97] : memref<10240x128xf32, #tpu.memory_space<hbm>> -> memref<640x128xf32, #tpu.memory_space<hbm>>
        tpu.enqueue_dma source(%dma_start3A_98 : memref<640x128xf32, #tpu.memory_space<hbm>>) target(%dma_start3A_96 : memref<640x128xf32, #tpu.memory_space<vmem_shared>>) target_semaphore(%run_scoped3A : memref<!tpu.dma_semaphore, #tpu.memory_space<semaphore_mem>>)
        %dma_wait3A_99 = arith.constant 0 : i32
        %dma_wait3A_100 = tpu.memref_slice %arg7[%mul3A_2, %dma_wait3A_99] : memref<10240x128xf32, #tpu.memory_space<vmem_shared>> -> memref<640x128xf32, #tpu.memory_space<vmem_shared>>
        %dma_wait3A_101 = arith.constant 0 : i32
        %dma_wait3A_102 = tpu.memref_slice %arg5[%mul3A_2, %dma_wait3A_101] : memref<10240x128xf32, #tpu.memory_space<hbm>> -> memref<640x128xf32, #tpu.memory_space<hbm>>
        tpu.wait_dma2 semaphore(%run_scoped3A : memref<!tpu.dma_semaphore, #tpu.memory_space<semaphore_mem>>) src(%dma_wait3A_102 : memref<640x128xf32, #tpu.memory_space<hbm>>) dst(%dma_wait3A_100 : memref<640x128xf32, #tpu.memory_space<vmem_shared>>)
        tpu.yield
      }) : () -> ()
    } else {
    }
    %barrier3A = arith.constant 0 : index
    tpu.barrier barrier_id(%barrier3A)
    %mul3A_9 = arith.constant 80 : i32
    %mul3A_10 = arith.muli %add3A, %mul3A_9 : i32
    %add3A_11 = arith.constant 0 : i32
    %add3A_12 = arith.addi %mul3A_10, %add3A_11 : i32
    "tpu.region"() ({
      %run_scoped3A = tpu.sem_alloc : memref<!tpu.dma_semaphore, #tpu.memory_space<semaphore_mem>>
      %dma_start3A_95 = arith.constant 0 : i32
      %dma_start3A_96 = tpu.memref_slice %arg3[%add3A_12, %dma_start3A_95] : memref<2560x128xi32, #tpu.memory_space<hbm>> -> memref<40x128xi32, #tpu.memory_space<hbm>>
      %dma_start3A_97 = arith.constant 0 : i32
      %dma_start3A_98 = tpu.memref_slice %arg3[%add3A_12, %dma_start3A_97] : memref<2560x128xi32, #tpu.memory_space<hbm>> -> memref<40x128xi32, #tpu.memory_space<hbm>>
      tpu.enqueue_dma source(%dma_start3A_98 : memref<40x128xi32, #tpu.memory_space<hbm>>) target(%arg8 : memref<40x128xi32, #tpu.memory_space<vmem>>) target_semaphore(%run_scoped3A : memref<!tpu.dma_semaphore, #tpu.memory_space<semaphore_mem>>)
      %dma_wait3A_99 = arith.constant 0 : i32
      %dma_wait3A_100 = tpu.memref_slice %arg3[%add3A_12, %dma_wait3A_99] : memref<2560x128xi32, #tpu.memory_space<hbm>> -> memref<40x128xi32, #tpu.memory_space<hbm>>
      %dma_wait3A_101 = arith.constant 0 : i32
      %dma_wait3A_102 = tpu.memref_slice %arg3[%add3A_12, %dma_wait3A_101] : memref<2560x128xi32, #tpu.memory_space<hbm>> -> memref<40x128xi32, #tpu.memory_space<hbm>>
      tpu.wait_dma2 semaphore(%run_scoped3A : memref<!tpu.dma_semaphore, #tpu.memory_space<semaphore_mem>>) src(%dma_wait3A_102 : memref<40x128xi32, #tpu.memory_space<hbm>>) dst(%arg8 : memref<40x128xi32, #tpu.memory_space<vmem>>)
      tpu.yield
    }) : () -> ()
    %mul3A_13 = arith.constant 80 : i32
    %mul3A_14 = arith.muli %add3A, %mul3A_13 : i32
    %add3A_15 = arith.constant 0 : i32
    %add3A_16 = arith.addi %mul3A_14, %add3A_15 : i32
    "tpu.region"() ({
      %run_scoped3A = tpu.sem_alloc : memref<!tpu.dma_semaphore, #tpu.memory_space<semaphore_mem>>
      %dma_start3A_95 = arith.constant 0 : i32
      %dma_start3A_96 = tpu.memref_slice %arg4[%add3A_16, %dma_start3A_95] : memref<2560x128xi32, #tpu.memory_space<hbm>> -> memref<40x128xi32, #tpu.memory_space<hbm>>
      %dma_start3A_97 = arith.constant 0 : i32
      %dma_start3A_98 = tpu.memref_slice %arg4[%add3A_16, %dma_start3A_97] : memref<2560x128xi32, #tpu.memory_space<hbm>> -> memref<40x128xi32, #tpu.memory_space<hbm>>
      tpu.enqueue_dma source(%dma_start3A_98 : memref<40x128xi32, #tpu.memory_space<hbm>>) target(%arg9 : memref<40x128xi32, #tpu.memory_space<vmem>>) target_semaphore(%run_scoped3A : memref<!tpu.dma_semaphore, #tpu.memory_space<semaphore_mem>>)
      %dma_wait3A_99 = arith.constant 0 : i32
      %dma_wait3A_100 = tpu.memref_slice %arg4[%add3A_16, %dma_wait3A_99] : memref<2560x128xi32, #tpu.memory_space<hbm>> -> memref<40x128xi32, #tpu.memory_space<hbm>>
      %dma_wait3A_101 = arith.constant 0 : i32
      %dma_wait3A_102 = tpu.memref_slice %arg4[%add3A_16, %dma_wait3A_101] : memref<2560x128xi32, #tpu.memory_space<hbm>> -> memref<40x128xi32, #tpu.memory_space<hbm>>
      tpu.wait_dma2 semaphore(%run_scoped3A : memref<!tpu.dma_semaphore, #tpu.memory_space<semaphore_mem>>) src(%dma_wait3A_102 : memref<40x128xi32, #tpu.memory_space<hbm>>) dst(%arg9 : memref<40x128xi32, #tpu.memory_space<vmem>>)
      tpu.yield
    }) : () -> ()
    %dma_start3A = arith.constant 0 : i32
    %dma_start3A_17 = arith.constant 0 : i32
    %dma_start3A_18 = arith.constant 0 : i32
    %dma_start3A_19 = arith.constant 0 : i32
    %dma_start3A_20 = arith.constant 0 : i32
    %dma_start3A_21 = tpu.memref_slice %arg10[%dma_start3A_17, %dma_start3A_19, %dma_start3A_20] : memref<2x128x128xf32, #tpu.memory_space<vmem>> -> memref<1x128x128xf32, #tpu.memory_space<vmem>>
    %dma_start3A_22 = tpu.memref_squeeze %dma_start3A_21 : memref<1x128x128xf32, #tpu.memory_space<vmem>> -> memref<128x128xf32, #tpu.memory_space<vmem>>
    %dma_start3A_23 = arith.constant 0 : i32
    %dma_start3A_24 = tpu.memref_slice %arg8[%dma_start3A, %dma_start3A_23] : memref<40x128xi32, #tpu.memory_space<vmem>> -> memref<1x128xi32, #tpu.memory_space<vmem>>
    %dma_start3A_25 = tpu.memref_squeeze %dma_start3A_24 : memref<1x128xi32, #tpu.memory_space<vmem>> -> memref<128xi32, #tpu.memory_space<vmem>>
    %dma_start3A_26 = arith.constant 0 : i32
    %dma_start3A_27 = arith.constant 0 : i32
    %dma_start3A_28 = tpu.memref_slice %arg2[%dma_start3A_26, %dma_start3A_27] : memref<10240x128xf32, #tpu.memory_space<hbm>> -> memref<10240x128xf32, #tpu.memory_space<hbm>>
    %dma_start3A_29 = tpu.memref_slice %arg11[%dma_start3A_18] : memref<2x!tpu.dma_semaphore, #tpu.memory_space<semaphore_mem>> -> memref<1x!tpu.dma_semaphore, #tpu.memory_space<semaphore_mem>>
    %dma_start3A_30 = tpu.memref_squeeze %dma_start3A_29 : memref<1x!tpu.dma_semaphore, #tpu.memory_space<semaphore_mem>> -> memref<!tpu.dma_semaphore, #tpu.memory_space<semaphore_mem>>
    tpu.enqueue_indirect_dma source(%dma_start3A_28 : memref<10240x128xf32, #tpu.memory_space<hbm>>) target(%dma_start3A_22 : memref<128x128xf32, #tpu.memory_space<vmem>>) offsets(%dma_start3A_25 : memref<128xi32, #tpu.memory_space<vmem>>) semaphore(%dma_start3A_30 : memref<!tpu.dma_semaphore, #tpu.memory_space<semaphore_mem>>)
    %scan3A = arith.constant 0 : i32
    %scan3A_31 = arith.constant 0 : i32
    %scan3A_32 = arith.constant 40 : i32
    %scan3A_33 = arith.addi %scan3A_31, %scan3A_32 : i32
    %scan3A_34 = arith.constant 1 : i32
    scf.for %scan3A_95 = %scan3A_31 to %scan3A_33 step %scan3A_34  : i32 {
      %rem3A = arith.constant 2 : i32
      %rem3A_96 = arith.remsi %scan3A_95, %rem3A : i32
      %dma_wait3A_97 = arith.constant 0 : i32
      %dma_wait3A_98 = arith.constant 0 : i32
      %dma_wait3A_99 = tpu.memref_slice %arg10[%rem3A_96, %dma_wait3A_97, %dma_wait3A_98] : memref<2x128x128xf32, #tpu.memory_space<vmem>> -> memref<1x128x128xf32, #tpu.memory_space<vmem>>
      %dma_wait3A_100 = tpu.memref_squeeze %dma_wait3A_99 : memref<1x128x128xf32, #tpu.memory_space<vmem>> -> memref<128x128xf32, #tpu.memory_space<vmem>>
      %dma_wait3A_101 = arith.constant 0 : i32
      %dma_wait3A_102 = tpu.memref_slice %arg8[%scan3A_95, %dma_wait3A_101] : memref<40x128xi32, #tpu.memory_space<vmem>> -> memref<1x128xi32, #tpu.memory_space<vmem>>
      %dma_wait3A_103 = tpu.memref_squeeze %dma_wait3A_102 : memref<1x128xi32, #tpu.memory_space<vmem>> -> memref<128xi32, #tpu.memory_space<vmem>>
      %dma_wait3A_104 = arith.constant 0 : i32
      %dma_wait3A_105 = arith.constant 0 : i32
      %dma_wait3A_106 = tpu.memref_slice %arg2[%dma_wait3A_104, %dma_wait3A_105] : memref<10240x128xf32, #tpu.memory_space<hbm>> -> memref<10240x128xf32, #tpu.memory_space<hbm>>
      %dma_wait3A_107 = tpu.memref_slice %arg11[%rem3A_96] : memref<2x!tpu.dma_semaphore, #tpu.memory_space<semaphore_mem>> -> memref<1x!tpu.dma_semaphore, #tpu.memory_space<semaphore_mem>>
      %dma_wait3A_108 = tpu.memref_squeeze %dma_wait3A_107 : memref<1x!tpu.dma_semaphore, #tpu.memory_space<semaphore_mem>> -> memref<!tpu.dma_semaphore, #tpu.memory_space<semaphore_mem>>
      tpu.wait_indirect_dma semaphore(%dma_wait3A_108 : memref<!tpu.dma_semaphore, #tpu.memory_space<semaphore_mem>>) src(%dma_wait3A_106 : memref<10240x128xf32, #tpu.memory_space<hbm>>) dst(%dma_wait3A_100 : memref<128x128xf32, #tpu.memory_space<vmem>>)
      %ge3A = arith.constant 1 : i32
      %ge3A_109 = arith.cmpi sge, %scan3A_95, %ge3A : i32
      %convert_element_type3A_110 = arith.extui %ge3A_109 : i1 to i32
      %cond3A_111 = arith.constant 0 : i32
      %cond3A_112 = arith.cmpi ne, %convert_element_type3A_110, %cond3A_111 : i32
      scf.if %cond3A_112 {
        %sub3A = arith.constant 1 : i32
        %sub3A_131 = arith.subi %sub3A, %rem3A_96 : i32
        %sub3A_132 = arith.constant 1 : i32
        %sub3A_133 = arith.subi %scan3A_95, %sub3A_132 : i32
        %sub3A_134 = arith.constant 1 : i32
        %sub3A_135 = arith.subi %sub3A_134, %rem3A_96 : i32
        %dma_wait3A_136 = arith.constant 0 : i32
        %dma_wait3A_137 = arith.constant 0 : i32
        %dma_wait3A_138 = tpu.memref_slice %arg10[%sub3A_131, %dma_wait3A_136, %dma_wait3A_137] : memref<2x128x128xf32, #tpu.memory_space<vmem>> -> memref<1x128x128xf32, #tpu.memory_space<vmem>>
        %dma_wait3A_139 = tpu.memref_squeeze %dma_wait3A_138 : memref<1x128x128xf32, #tpu.memory_space<vmem>> -> memref<128x128xf32, #tpu.memory_space<vmem>>
        %dma_wait3A_140 = arith.constant 0 : i32
        %dma_wait3A_141 = tpu.memref_slice %arg9[%sub3A_133, %dma_wait3A_140] : memref<40x128xi32, #tpu.memory_space<vmem>> -> memref<1x128xi32, #tpu.memory_space<vmem>>
        %dma_wait3A_142 = tpu.memref_squeeze %dma_wait3A_141 : memref<1x128xi32, #tpu.memory_space<vmem>> -> memref<128xi32, #tpu.memory_space<vmem>>
        %dma_wait3A_143 = arith.constant 0 : i32
        %dma_wait3A_144 = arith.constant 0 : i32
        %dma_wait3A_145 = tpu.memref_slice %arg7[%dma_wait3A_143, %dma_wait3A_144] : memref<10240x128xf32, #tpu.memory_space<vmem_shared>> -> memref<10240x128xf32, #tpu.memory_space<vmem_shared>>
        %dma_wait3A_146 = tpu.memref_slice %arg12[%sub3A_135] : memref<2x!tpu.dma_semaphore, #tpu.memory_space<semaphore_mem>> -> memref<1x!tpu.dma_semaphore, #tpu.memory_space<semaphore_mem>>
        %dma_wait3A_147 = tpu.memref_squeeze %dma_wait3A_146 : memref<1x!tpu.dma_semaphore, #tpu.memory_space<semaphore_mem>> -> memref<!tpu.dma_semaphore, #tpu.memory_space<semaphore_mem>>
        tpu.wait_indirect_dma semaphore(%dma_wait3A_147 : memref<!tpu.dma_semaphore, #tpu.memory_space<semaphore_mem>>) src(%dma_wait3A_139 : memref<128x128xf32, #tpu.memory_space<vmem>>) dst(%dma_wait3A_145 : memref<10240x128xf32, #tpu.memory_space<vmem_shared>>)
      } else {
      }
      %add3A_113 = arith.constant 1 : i32
      %add3A_114 = arith.addi %scan3A_95, %add3A_113 : i32
      %lt3A = arith.constant 40 : i32
      %lt3A_115 = arith.cmpi slt, %add3A_114, %lt3A : i32
      %convert_element_type3A_116 = arith.extui %lt3A_115 : i1 to i32
      %cond3A_117 = arith.constant 0 : i32
      %cond3A_118 = arith.cmpi ne, %convert_element_type3A_116, %cond3A_117 : i32
      scf.if %cond3A_118 {
        %add3A_131 = arith.constant 1 : i32
        %add3A_132 = arith.addi %scan3A_95, %add3A_131 : i32
        %sub3A = arith.constant 1 : i32
        %sub3A_133 = arith.subi %sub3A, %rem3A_96 : i32
        %sub3A_134 = arith.constant 1 : i32
        %sub3A_135 = arith.subi %sub3A_134, %rem3A_96 : i32
        %dma_start3A_136 = arith.constant 0 : i32
        %dma_start3A_137 = arith.constant 0 : i32
        %dma_start3A_138 = tpu.memref_slice %arg10[%sub3A_133, %dma_start3A_136, %dma_start3A_137] : memref<2x128x128xf32, #tpu.memory_space<vmem>> -> memref<1x128x128xf32, #tpu.memory_space<vmem>>
        %dma_start3A_139 = tpu.memref_squeeze %dma_start3A_138 : memref<1x128x128xf32, #tpu.memory_space<vmem>> -> memref<128x128xf32, #tpu.memory_space<vmem>>
        %dma_start3A_140 = arith.constant 0 : i32
        %dma_start3A_141 = tpu.memref_slice %arg8[%add3A_132, %dma_start3A_140] : memref<40x128xi32, #tpu.memory_space<vmem>> -> memref<1x128xi32, #tpu.memory_space<vmem>>
        %dma_start3A_142 = tpu.memref_squeeze %dma_start3A_141 : memref<1x128xi32, #tpu.memory_space<vmem>> -> memref<128xi32, #tpu.memory_space<vmem>>
        %dma_start3A_143 = arith.constant 0 : i32
        %dma_start3A_144 = arith.constant 0 : i32
        %dma_start3A_145 = tpu.memref_slice %arg2[%dma_start3A_143, %dma_start3A_144] : memref<10240x128xf32, #tpu.memory_space<hbm>> -> memref<10240x128xf32, #tpu.memory_space<hbm>>
        %dma_start3A_146 = tpu.memref_slice %arg11[%sub3A_135] : memref<2x!tpu.dma_semaphore, #tpu.memory_space<semaphore_mem>> -> memref<1x!tpu.dma_semaphore, #tpu.memory_space<semaphore_mem>>
        %dma_start3A_147 = tpu.memref_squeeze %dma_start3A_146 : memref<1x!tpu.dma_semaphore, #tpu.memory_space<semaphore_mem>> -> memref<!tpu.dma_semaphore, #tpu.memory_space<semaphore_mem>>
        tpu.enqueue_indirect_dma source(%dma_start3A_145 : memref<10240x128xf32, #tpu.memory_space<hbm>>) target(%dma_start3A_139 : memref<128x128xf32, #tpu.memory_space<vmem>>) offsets(%dma_start3A_142 : memref<128xi32, #tpu.memory_space<vmem>>) semaphore(%dma_start3A_147 : memref<!tpu.dma_semaphore, #tpu.memory_space<semaphore_mem>>)
      } else {
      }
      %dma_start3A_119 = arith.constant 0 : i32
      %dma_start3A_120 = arith.constant 0 : i32
      %dma_start3A_121 = tpu.memref_slice %arg10[%rem3A_96, %dma_start3A_119, %dma_start3A_120] : memref<2x128x128xf32, #tpu.memory_space<vmem>> -> memref<1x128x128xf32, #tpu.memory_space<vmem>>
      %dma_start3A_122 = tpu.memref_squeeze %dma_start3A_121 : memref<1x128x128xf32, #tpu.memory_space<vmem>> -> memref<128x128xf32, #tpu.memory_space<vmem>>
      %dma_start3A_123 = arith.constant 0 : i32
      %dma_start3A_124 = tpu.memref_slice %arg9[%scan3A_95, %dma_start3A_123] : memref<40x128xi32, #tpu.memory_space<vmem>> -> memref<1x128xi32, #tpu.memory_space<vmem>>
      %dma_start3A_125 = tpu.memref_squeeze %dma_start3A_124 : memref<1x128xi32, #tpu.memory_space<vmem>> -> memref<128xi32, #tpu.memory_space<vmem>>
      %dma_start3A_126 = arith.constant 0 : i32
      %dma_start3A_127 = arith.constant 0 : i32
      %dma_start3A_128 = tpu.memref_slice %arg7[%dma_start3A_126, %dma_start3A_127] : memref<10240x128xf32, #tpu.memory_space<vmem_shared>> -> memref<10240x128xf32, #tpu.memory_space<vmem_shared>>
      %dma_start3A_129 = tpu.memref_slice %arg12[%rem3A_96] : memref<2x!tpu.dma_semaphore, #tpu.memory_space<semaphore_mem>> -> memref<1x!tpu.dma_semaphore, #tpu.memory_space<semaphore_mem>>
      %dma_start3A_130 = tpu.memref_squeeze %dma_start3A_129 : memref<1x!tpu.dma_semaphore, #tpu.memory_space<semaphore_mem>> -> memref<!tpu.dma_semaphore, #tpu.memory_space<semaphore_mem>>
      tpu.enqueue_indirect_dma source(%dma_start3A_122 : memref<128x128xf32, #tpu.memory_space<vmem>>) target(%dma_start3A_128 : memref<10240x128xf32, #tpu.memory_space<vmem_shared>>) offsets(%dma_start3A_125 : memref<128xi32, #tpu.memory_space<vmem>>) semaphore(%dma_start3A_130 : memref<!tpu.dma_semaphore, #tpu.memory_space<semaphore_mem>>) {add = true}
    }
    %scan3A_35 = arith.constant 40 : i32
    %dma_wait3A = arith.constant 1 : i32
    %dma_wait3A_36 = arith.constant 39 : i32
    %dma_wait3A_37 = arith.constant 1 : i32
    %dma_wait3A_38 = arith.constant 0 : i32
    %dma_wait3A_39 = arith.constant 0 : i32
    %dma_wait3A_40 = tpu.memref_slice %arg10[%dma_wait3A, %dma_wait3A_38, %dma_wait3A_39] : memref<2x128x128xf32, #tpu.memory_space<vmem>> -> memref<1x128x128xf32, #tpu.memory_space<vmem>>
    %dma_wait3A_41 = tpu.memref_squeeze %dma_wait3A_40 : memref<1x128x128xf32, #tpu.memory_space<vmem>> -> memref<128x128xf32, #tpu.memory_space<vmem>>
    %dma_wait3A_42 = arith.constant 0 : i32
    %dma_wait3A_43 = tpu.memref_slice %arg9[%dma_wait3A_36, %dma_wait3A_42] : memref<40x128xi32, #tpu.memory_space<vmem>> -> memref<1x128xi32, #tpu.memory_space<vmem>>
    %dma_wait3A_44 = tpu.memref_squeeze %dma_wait3A_43 : memref<1x128xi32, #tpu.memory_space<vmem>> -> memref<128xi32, #tpu.memory_space<vmem>>
    %dma_wait3A_45 = arith.constant 0 : i32
    %dma_wait3A_46 = arith.constant 0 : i32
    %dma_wait3A_47 = tpu.memref_slice %arg7[%dma_wait3A_45, %dma_wait3A_46] : memref<10240x128xf32, #tpu.memory_space<vmem_shared>> -> memref<10240x128xf32, #tpu.memory_space<vmem_shared>>
    %dma_wait3A_48 = tpu.memref_slice %arg12[%dma_wait3A_37] : memref<2x!tpu.dma_semaphore, #tpu.memory_space<semaphore_mem>> -> memref<1x!tpu.dma_semaphore, #tpu.memory_space<semaphore_mem>>
    %dma_wait3A_49 = tpu.memref_squeeze %dma_wait3A_48 : memref<1x!tpu.dma_semaphore, #tpu.memory_space<semaphore_mem>> -> memref<!tpu.dma_semaphore, #tpu.memory_space<semaphore_mem>>
    tpu.wait_indirect_dma semaphore(%dma_wait3A_49 : memref<!tpu.dma_semaphore, #tpu.memory_space<semaphore_mem>>) src(%dma_wait3A_41 : memref<128x128xf32, #tpu.memory_space<vmem>>) dst(%dma_wait3A_47 : memref<10240x128xf32, #tpu.memory_space<vmem_shared>>)
    %mul3A_50 = arith.constant 80 : i32
    %mul3A_51 = arith.muli %add3A, %mul3A_50 : i32
    %add3A_52 = arith.constant 40 : i32
    %add3A_53 = arith.addi %mul3A_51, %add3A_52 : i32
    "tpu.region"() ({
      %run_scoped3A = tpu.sem_alloc : memref<!tpu.dma_semaphore, #tpu.memory_space<semaphore_mem>>
      %dma_start3A_95 = arith.constant 0 : i32
      %dma_start3A_96 = tpu.memref_slice %arg3[%add3A_53, %dma_start3A_95] : memref<2560x128xi32, #tpu.memory_space<hbm>> -> memref<40x128xi32, #tpu.memory_space<hbm>>
      %dma_start3A_97 = arith.constant 0 : i32
      %dma_start3A_98 = tpu.memref_slice %arg3[%add3A_53, %dma_start3A_97] : memref<2560x128xi32, #tpu.memory_space<hbm>> -> memref<40x128xi32, #tpu.memory_space<hbm>>
      tpu.enqueue_dma source(%dma_start3A_98 : memref<40x128xi32, #tpu.memory_space<hbm>>) target(%arg8 : memref<40x128xi32, #tpu.memory_space<vmem>>) target_semaphore(%run_scoped3A : memref<!tpu.dma_semaphore, #tpu.memory_space<semaphore_mem>>)
      %dma_wait3A_99 = arith.constant 0 : i32
      %dma_wait3A_100 = tpu.memref_slice %arg3[%add3A_53, %dma_wait3A_99] : memref<2560x128xi32, #tpu.memory_space<hbm>> -> memref<40x128xi32, #tpu.memory_space<hbm>>
      %dma_wait3A_101 = arith.constant 0 : i32
      %dma_wait3A_102 = tpu.memref_slice %arg3[%add3A_53, %dma_wait3A_101] : memref<2560x128xi32, #tpu.memory_space<hbm>> -> memref<40x128xi32, #tpu.memory_space<hbm>>
      tpu.wait_dma2 semaphore(%run_scoped3A : memref<!tpu.dma_semaphore, #tpu.memory_space<semaphore_mem>>) src(%dma_wait3A_102 : memref<40x128xi32, #tpu.memory_space<hbm>>) dst(%arg8 : memref<40x128xi32, #tpu.memory_space<vmem>>)
      tpu.yield
    }) : () -> ()
    %mul3A_54 = arith.constant 80 : i32
    %mul3A_55 = arith.muli %add3A, %mul3A_54 : i32
    %add3A_56 = arith.constant 40 : i32
    %add3A_57 = arith.addi %mul3A_55, %add3A_56 : i32
    "tpu.region"() ({
      %run_scoped3A = tpu.sem_alloc : memref<!tpu.dma_semaphore, #tpu.memory_space<semaphore_mem>>
      %dma_start3A_95 = arith.constant 0 : i32
      %dma_start3A_96 = tpu.memref_slice %arg4[%add3A_57, %dma_start3A_95] : memref<2560x128xi32, #tpu.memory_space<hbm>> -> memref<40x128xi32, #tpu.memory_space<hbm>>
      %dma_start3A_97 = arith.constant 0 : i32
      %dma_start3A_98 = tpu.memref_slice %arg4[%add3A_57, %dma_start3A_97] : memref<2560x128xi32, #tpu.memory_space<hbm>> -> memref<40x128xi32, #tpu.memory_space<hbm>>
      tpu.enqueue_dma source(%dma_start3A_98 : memref<40x128xi32, #tpu.memory_space<hbm>>) target(%arg9 : memref<40x128xi32, #tpu.memory_space<vmem>>) target_semaphore(%run_scoped3A : memref<!tpu.dma_semaphore, #tpu.memory_space<semaphore_mem>>)
      %dma_wait3A_99 = arith.constant 0 : i32
      %dma_wait3A_100 = tpu.memref_slice %arg4[%add3A_57, %dma_wait3A_99] : memref<2560x128xi32, #tpu.memory_space<hbm>> -> memref<40x128xi32, #tpu.memory_space<hbm>>
      %dma_wait3A_101 = arith.constant 0 : i32
      %dma_wait3A_102 = tpu.memref_slice %arg4[%add3A_57, %dma_wait3A_101] : memref<2560x128xi32, #tpu.memory_space<hbm>> -> memref<40x128xi32, #tpu.memory_space<hbm>>
      tpu.wait_dma2 semaphore(%run_scoped3A : memref<!tpu.dma_semaphore, #tpu.memory_space<semaphore_mem>>) src(%dma_wait3A_102 : memref<40x128xi32, #tpu.memory_space<hbm>>) dst(%arg9 : memref<40x128xi32, #tpu.memory_space<vmem>>)
      tpu.yield
    }) : () -> ()
    %dma_start3A_58 = arith.constant 0 : i32
    %dma_start3A_59 = arith.constant 0 : i32
    %dma_start3A_60 = arith.constant 0 : i32
    %dma_start3A_61 = arith.constant 0 : i32
    %dma_start3A_62 = arith.constant 0 : i32
    %dma_start3A_63 = tpu.memref_slice %arg10[%dma_start3A_59, %dma_start3A_61, %dma_start3A_62] : memref<2x128x128xf32, #tpu.memory_space<vmem>> -> memref<1x128x128xf32, #tpu.memory_space<vmem>>
    %dma_start3A_64 = tpu.memref_squeeze %dma_start3A_63 : memref<1x128x128xf32, #tpu.memory_space<vmem>> -> memref<128x128xf32, #tpu.memory_space<vmem>>
    %dma_start3A_65 = arith.constant 0 : i32
    %dma_start3A_66 = tpu.memref_slice %arg8[%dma_start3A_58, %dma_start3A_65] : memref<40x128xi32, #tpu.memory_space<vmem>> -> memref<1x128xi32, #tpu.memory_space<vmem>>
    %dma_start3A_67 = tpu.memref_squeeze %dma_start3A_66 : memref<1x128xi32, #tpu.memory_space<vmem>> -> memref<128xi32, #tpu.memory_space<vmem>>
    %dma_start3A_68 = arith.constant 0 : i32
    %dma_start3A_69 = arith.constant 0 : i32
    %dma_start3A_70 = tpu.memref_slice %arg2[%dma_start3A_68, %dma_start3A_69] : memref<10240x128xf32, #tpu.memory_space<hbm>> -> memref<10240x128xf32, #tpu.memory_space<hbm>>
    %dma_start3A_71 = tpu.memref_slice %arg11[%dma_start3A_60] : memref<2x!tpu.dma_semaphore, #tpu.memory_space<semaphore_mem>> -> memref<1x!tpu.dma_semaphore, #tpu.memory_space<semaphore_mem>>
    %dma_start3A_72 = tpu.memref_squeeze %dma_start3A_71 : memref<1x!tpu.dma_semaphore, #tpu.memory_space<semaphore_mem>> -> memref<!tpu.dma_semaphore, #tpu.memory_space<semaphore_mem>>
    tpu.enqueue_indirect_dma source(%dma_start3A_70 : memref<10240x128xf32, #tpu.memory_space<hbm>>) target(%dma_start3A_64 : memref<128x128xf32, #tpu.memory_space<vmem>>) offsets(%dma_start3A_67 : memref<128xi32, #tpu.memory_space<vmem>>) semaphore(%dma_start3A_72 : memref<!tpu.dma_semaphore, #tpu.memory_space<semaphore_mem>>)
    %scan3A_73 = arith.constant 0 : i32
    %scan3A_74 = arith.constant 0 : i32
    %scan3A_75 = arith.constant 40 : i32
    %scan3A_76 = arith.addi %scan3A_74, %scan3A_75 : i32
    %scan3A_77 = arith.constant 1 : i32
    scf.for %scan3A_95 = %scan3A_74 to %scan3A_76 step %scan3A_77  : i32 {
      %rem3A = arith.constant 2 : i32
      %rem3A_96 = arith.remsi %scan3A_95, %rem3A : i32
      %dma_wait3A_97 = arith.constant 0 : i32
      %dma_wait3A_98 = arith.constant 0 : i32
      %dma_wait3A_99 = tpu.memref_slice %arg10[%rem3A_96, %dma_wait3A_97, %dma_wait3A_98] : memref<2x128x128xf32, #tpu.memory_space<vmem>> -> memref<1x128x128xf32, #tpu.memory_space<vmem>>
      %dma_wait3A_100 = tpu.memref_squeeze %dma_wait3A_99 : memref<1x128x128xf32, #tpu.memory_space<vmem>> -> memref<128x128xf32, #tpu.memory_space<vmem>>
      %dma_wait3A_101 = arith.constant 0 : i32
      %dma_wait3A_102 = tpu.memref_slice %arg8[%scan3A_95, %dma_wait3A_101] : memref<40x128xi32, #tpu.memory_space<vmem>> -> memref<1x128xi32, #tpu.memory_space<vmem>>
      %dma_wait3A_103 = tpu.memref_squeeze %dma_wait3A_102 : memref<1x128xi32, #tpu.memory_space<vmem>> -> memref<128xi32, #tpu.memory_space<vmem>>
      %dma_wait3A_104 = arith.constant 0 : i32
      %dma_wait3A_105 = arith.constant 0 : i32
      %dma_wait3A_106 = tpu.memref_slice %arg2[%dma_wait3A_104, %dma_wait3A_105] : memref<10240x128xf32, #tpu.memory_space<hbm>> -> memref<10240x128xf32, #tpu.memory_space<hbm>>
      %dma_wait3A_107 = tpu.memref_slice %arg11[%rem3A_96] : memref<2x!tpu.dma_semaphore, #tpu.memory_space<semaphore_mem>> -> memref<1x!tpu.dma_semaphore, #tpu.memory_space<semaphore_mem>>
      %dma_wait3A_108 = tpu.memref_squeeze %dma_wait3A_107 : memref<1x!tpu.dma_semaphore, #tpu.memory_space<semaphore_mem>> -> memref<!tpu.dma_semaphore, #tpu.memory_space<semaphore_mem>>
      tpu.wait_indirect_dma semaphore(%dma_wait3A_108 : memref<!tpu.dma_semaphore, #tpu.memory_space<semaphore_mem>>) src(%dma_wait3A_106 : memref<10240x128xf32, #tpu.memory_space<hbm>>) dst(%dma_wait3A_100 : memref<128x128xf32, #tpu.memory_space<vmem>>)
      %ge3A = arith.constant 1 : i32
      %ge3A_109 = arith.cmpi sge, %scan3A_95, %ge3A : i32
      %convert_element_type3A_110 = arith.extui %ge3A_109 : i1 to i32
      %cond3A_111 = arith.constant 0 : i32
      %cond3A_112 = arith.cmpi ne, %convert_element_type3A_110, %cond3A_111 : i32
      scf.if %cond3A_112 {
        %sub3A = arith.constant 1 : i32
        %sub3A_131 = arith.subi %sub3A, %rem3A_96 : i32
        %sub3A_132 = arith.constant 1 : i32
        %sub3A_133 = arith.subi %scan3A_95, %sub3A_132 : i32
        %sub3A_134 = arith.constant 1 : i32
        %sub3A_135 = arith.subi %sub3A_134, %rem3A_96 : i32
        %dma_wait3A_136 = arith.constant 0 : i32
        %dma_wait3A_137 = arith.constant 0 : i32
        %dma_wait3A_138 = tpu.memref_slice %arg10[%sub3A_131, %dma_wait3A_136, %dma_wait3A_137] : memref<2x128x128xf32, #tpu.memory_space<vmem>> -> memref<1x128x128xf32, #tpu.memory_space<vmem>>
        %dma_wait3A_139 = tpu.memref_squeeze %dma_wait3A_138 : memref<1x128x128xf32, #tpu.memory_space<vmem>> -> memref<128x128xf32, #tpu.memory_space<vmem>>
        %dma_wait3A_140 = arith.constant 0 : i32
        %dma_wait3A_141 = tpu.memref_slice %arg9[%sub3A_133, %dma_wait3A_140] : memref<40x128xi32, #tpu.memory_space<vmem>> -> memref<1x128xi32, #tpu.memory_space<vmem>>
        %dma_wait3A_142 = tpu.memref_squeeze %dma_wait3A_141 : memref<1x128xi32, #tpu.memory_space<vmem>> -> memref<128xi32, #tpu.memory_space<vmem>>
        %dma_wait3A_143 = arith.constant 0 : i32
        %dma_wait3A_144 = arith.constant 0 : i32
        %dma_wait3A_145 = tpu.memref_slice %arg7[%dma_wait3A_143, %dma_wait3A_144] : memref<10240x128xf32, #tpu.memory_space<vmem_shared>> -> memref<10240x128xf32, #tpu.memory_space<vmem_shared>>
        %dma_wait3A_146 = tpu.memref_slice %arg12[%sub3A_135] : memref<2x!tpu.dma_semaphore, #tpu.memory_space<semaphore_mem>> -> memref<1x!tpu.dma_semaphore, #tpu.memory_space<semaphore_mem>>
        %dma_wait3A_147 = tpu.memref_squeeze %dma_wait3A_146 : memref<1x!tpu.dma_semaphore, #tpu.memory_space<semaphore_mem>> -> memref<!tpu.dma_semaphore, #tpu.memory_space<semaphore_mem>>
        tpu.wait_indirect_dma semaphore(%dma_wait3A_147 : memref<!tpu.dma_semaphore, #tpu.memory_space<semaphore_mem>>) src(%dma_wait3A_139 : memref<128x128xf32, #tpu.memory_space<vmem>>) dst(%dma_wait3A_145 : memref<10240x128xf32, #tpu.memory_space<vmem_shared>>)
      } else {
      }
      %add3A_113 = arith.constant 1 : i32
      %add3A_114 = arith.addi %scan3A_95, %add3A_113 : i32
      %lt3A = arith.constant 40 : i32
      %lt3A_115 = arith.cmpi slt, %add3A_114, %lt3A : i32
      %convert_element_type3A_116 = arith.extui %lt3A_115 : i1 to i32
      %cond3A_117 = arith.constant 0 : i32
      %cond3A_118 = arith.cmpi ne, %convert_element_type3A_116, %cond3A_117 : i32
      scf.if %cond3A_118 {
        %add3A_131 = arith.constant 1 : i32
        %add3A_132 = arith.addi %scan3A_95, %add3A_131 : i32
        %sub3A = arith.constant 1 : i32
        %sub3A_133 = arith.subi %sub3A, %rem3A_96 : i32
        %sub3A_134 = arith.constant 1 : i32
        %sub3A_135 = arith.subi %sub3A_134, %rem3A_96 : i32
        %dma_start3A_136 = arith.constant 0 : i32
        %dma_start3A_137 = arith.constant 0 : i32
        %dma_start3A_138 = tpu.memref_slice %arg10[%sub3A_133, %dma_start3A_136, %dma_start3A_137] : memref<2x128x128xf32, #tpu.memory_space<vmem>> -> memref<1x128x128xf32, #tpu.memory_space<vmem>>
        %dma_start3A_139 = tpu.memref_squeeze %dma_start3A_138 : memref<1x128x128xf32, #tpu.memory_space<vmem>> -> memref<128x128xf32, #tpu.memory_space<vmem>>
        %dma_start3A_140 = arith.constant 0 : i32
        %dma_start3A_141 = tpu.memref_slice %arg8[%add3A_132, %dma_start3A_140] : memref<40x128xi32, #tpu.memory_space<vmem>> -> memref<1x128xi32, #tpu.memory_space<vmem>>
        %dma_start3A_142 = tpu.memref_squeeze %dma_start3A_141 : memref<1x128xi32, #tpu.memory_space<vmem>> -> memref<128xi32, #tpu.memory_space<vmem>>
        %dma_start3A_143 = arith.constant 0 : i32
        %dma_start3A_144 = arith.constant 0 : i32
        %dma_start3A_145 = tpu.memref_slice %arg2[%dma_start3A_143, %dma_start3A_144] : memref<10240x128xf32, #tpu.memory_space<hbm>> -> memref<10240x128xf32, #tpu.memory_space<hbm>>
        %dma_start3A_146 = tpu.memref_slice %arg11[%sub3A_135] : memref<2x!tpu.dma_semaphore, #tpu.memory_space<semaphore_mem>> -> memref<1x!tpu.dma_semaphore, #tpu.memory_space<semaphore_mem>>
        %dma_start3A_147 = tpu.memref_squeeze %dma_start3A_146 : memref<1x!tpu.dma_semaphore, #tpu.memory_space<semaphore_mem>> -> memref<!tpu.dma_semaphore, #tpu.memory_space<semaphore_mem>>
        tpu.enqueue_indirect_dma source(%dma_start3A_145 : memref<10240x128xf32, #tpu.memory_space<hbm>>) target(%dma_start3A_139 : memref<128x128xf32, #tpu.memory_space<vmem>>) offsets(%dma_start3A_142 : memref<128xi32, #tpu.memory_space<vmem>>) semaphore(%dma_start3A_147 : memref<!tpu.dma_semaphore, #tpu.memory_space<semaphore_mem>>)
      } else {
      }
      %dma_start3A_119 = arith.constant 0 : i32
      %dma_start3A_120 = arith.constant 0 : i32
      %dma_start3A_121 = tpu.memref_slice %arg10[%rem3A_96, %dma_start3A_119, %dma_start3A_120] : memref<2x128x128xf32, #tpu.memory_space<vmem>> -> memref<1x128x128xf32, #tpu.memory_space<vmem>>
      %dma_start3A_122 = tpu.memref_squeeze %dma_start3A_121 : memref<1x128x128xf32, #tpu.memory_space<vmem>> -> memref<128x128xf32, #tpu.memory_space<vmem>>
      %dma_start3A_123 = arith.constant 0 : i32
      %dma_start3A_124 = tpu.memref_slice %arg9[%scan3A_95, %dma_start3A_123] : memref<40x128xi32, #tpu.memory_space<vmem>> -> memref<1x128xi32, #tpu.memory_space<vmem>>
      %dma_start3A_125 = tpu.memref_squeeze %dma_start3A_124 : memref<1x128xi32, #tpu.memory_space<vmem>> -> memref<128xi32, #tpu.memory_space<vmem>>
      %dma_start3A_126 = arith.constant 0 : i32
      %dma_start3A_127 = arith.constant 0 : i32
      %dma_start3A_128 = tpu.memref_slice %arg7[%dma_start3A_126, %dma_start3A_127] : memref<10240x128xf32, #tpu.memory_space<vmem_shared>> -> memref<10240x128xf32, #tpu.memory_space<vmem_shared>>
      %dma_start3A_129 = tpu.memref_slice %arg12[%rem3A_96] : memref<2x!tpu.dma_semaphore, #tpu.memory_space<semaphore_mem>> -> memref<1x!tpu.dma_semaphore, #tpu.memory_space<semaphore_mem>>
      %dma_start3A_130 = tpu.memref_squeeze %dma_start3A_129 : memref<1x!tpu.dma_semaphore, #tpu.memory_space<semaphore_mem>> -> memref<!tpu.dma_semaphore, #tpu.memory_space<semaphore_mem>>
      tpu.enqueue_indirect_dma source(%dma_start3A_122 : memref<128x128xf32, #tpu.memory_space<vmem>>) target(%dma_start3A_128 : memref<10240x128xf32, #tpu.memory_space<vmem_shared>>) offsets(%dma_start3A_125 : memref<128xi32, #tpu.memory_space<vmem>>) semaphore(%dma_start3A_130 : memref<!tpu.dma_semaphore, #tpu.memory_space<semaphore_mem>>) {add = true}
    }
    %scan3A_78 = arith.constant 40 : i32
    %dma_wait3A_79 = arith.constant 1 : i32
    %dma_wait3A_80 = arith.constant 39 : i32
    %dma_wait3A_81 = arith.constant 1 : i32
    %dma_wait3A_82 = arith.constant 0 : i32
    %dma_wait3A_83 = arith.constant 0 : i32
    %dma_wait3A_84 = tpu.memref_slice %arg10[%dma_wait3A_79, %dma_wait3A_82, %dma_wait3A_83] : memref<2x128x128xf32, #tpu.memory_space<vmem>> -> memref<1x128x128xf32, #tpu.memory_space<vmem>>
    %dma_wait3A_85 = tpu.memref_squeeze %dma_wait3A_84 : memref<1x128x128xf32, #tpu.memory_space<vmem>> -> memref<128x128xf32, #tpu.memory_space<vmem>>
    %dma_wait3A_86 = arith.constant 0 : i32
    %dma_wait3A_87 = tpu.memref_slice %arg9[%dma_wait3A_80, %dma_wait3A_86] : memref<40x128xi32, #tpu.memory_space<vmem>> -> memref<1x128xi32, #tpu.memory_space<vmem>>
    %dma_wait3A_88 = tpu.memref_squeeze %dma_wait3A_87 : memref<1x128xi32, #tpu.memory_space<vmem>> -> memref<128xi32, #tpu.memory_space<vmem>>
    %dma_wait3A_89 = arith.constant 0 : i32
    %dma_wait3A_90 = arith.constant 0 : i32
    %dma_wait3A_91 = tpu.memref_slice %arg7[%dma_wait3A_89, %dma_wait3A_90] : memref<10240x128xf32, #tpu.memory_space<vmem_shared>> -> memref<10240x128xf32, #tpu.memory_space<vmem_shared>>
    %dma_wait3A_92 = tpu.memref_slice %arg12[%dma_wait3A_81] : memref<2x!tpu.dma_semaphore, #tpu.memory_space<semaphore_mem>> -> memref<1x!tpu.dma_semaphore, #tpu.memory_space<semaphore_mem>>
    %dma_wait3A_93 = tpu.memref_squeeze %dma_wait3A_92 : memref<1x!tpu.dma_semaphore, #tpu.memory_space<semaphore_mem>> -> memref<!tpu.dma_semaphore, #tpu.memory_space<semaphore_mem>>
    tpu.wait_indirect_dma semaphore(%dma_wait3A_93 : memref<!tpu.dma_semaphore, #tpu.memory_space<semaphore_mem>>) src(%dma_wait3A_85 : memref<128x128xf32, #tpu.memory_space<vmem>>) dst(%dma_wait3A_91 : memref<10240x128xf32, #tpu.memory_space<vmem_shared>>)
    %barrier3A_94 = arith.constant 0 : index
    tpu.barrier barrier_id(%barrier3A_94)
    "tpu.region"() ({
      %run_scoped3A = tpu.sem_alloc : memref<!tpu.dma_semaphore, #tpu.memory_space<semaphore_mem>>
      %dma_start3A_95 = arith.constant 0 : i32
      %dma_start3A_96 = tpu.memref_slice %arg6[%arg0, %mul3A_2, %dma_start3A_95] : memref<2x10240x128xf32, #tpu.memory_space<hbm>> -> memref<1x640x128xf32, #tpu.memory_space<hbm>>
      %dma_start3A_97 = tpu.memref_squeeze %dma_start3A_96 : memref<1x640x128xf32, #tpu.memory_space<hbm>> -> memref<640x128xf32, #tpu.memory_space<hbm>>
      %dma_start3A_98 = arith.constant 0 : i32
      %dma_start3A_99 = tpu.memref_slice %arg7[%mul3A_2, %dma_start3A_98] : memref<10240x128xf32, #tpu.memory_space<vmem_shared>> -> memref<640x128xf32, #tpu.memory_space<vmem_shared>>
      tpu.enqueue_dma source(%dma_start3A_99 : memref<640x128xf32, #tpu.memory_space<vmem_shared>>) target(%dma_start3A_97 : memref<640x128xf32, #tpu.memory_space<hbm>>) target_semaphore(%run_scoped3A : memref<!tpu.dma_semaphore, #tpu.memory_space<semaphore_mem>>)
      %dma_wait3A_100 = arith.constant 0 : i32
      %dma_wait3A_101 = tpu.memref_slice %arg6[%arg0, %mul3A_2, %dma_wait3A_100] : memref<2x10240x128xf32, #tpu.memory_space<hbm>> -> memref<1x640x128xf32, #tpu.memory_space<hbm>>
      %dma_wait3A_102 = tpu.memref_squeeze %dma_wait3A_101 : memref<1x640x128xf32, #tpu.memory_space<hbm>> -> memref<640x128xf32, #tpu.memory_space<hbm>>
      %dma_wait3A_103 = arith.constant 0 : i32
      %dma_wait3A_104 = tpu.memref_slice %arg7[%mul3A_2, %dma_wait3A_103] : memref<10240x128xf32, #tpu.memory_space<vmem_shared>> -> memref<640x128xf32, #tpu.memory_space<vmem_shared>>
      tpu.wait_dma2 semaphore(%run_scoped3A : memref<!tpu.dma_semaphore, #tpu.memory_space<semaphore_mem>>) src(%dma_wait3A_104 : memref<640x128xf32, #tpu.memory_space<vmem_shared>>) dst(%dma_wait3A_102 : memref<640x128xf32, #tpu.memory_space<hbm>>)
      tpu.yield
    }) : () -> ()
    return
  }
}

#map = affine_map<(d0, d1) -> (0, 0)>
#map1 = affine_map<(d0, d1) -> (0, 0, 0)>
module attributes {stable_mosaic.version = 14 : i64} {
  func.func @_sc_agg_body(%arg0: i32, %arg1: i32, %arg2: memref<10240x128xf32, #tpu.memory_space<hbm>>, %arg3: memref<2560x128xi32, #tpu.memory_space<hbm>>, %arg4: memref<2560x128xi32, #tpu.memory_space<hbm>>, %arg5: memref<10240x128xf32, #tpu.memory_space<hbm>>, %arg6: memref<2x10240x128xf32, #tpu.memory_space<hbm>>, %arg7: memref<10240x128xf32, #tpu.memory_space<vmem_shared>>, %arg8: memref<40x128xi32, #tpu.memory_space<vmem>>, %arg9: memref<40x128xi32, #tpu.memory_space<vmem>>, %arg10: memref<2x128x128xf32, #tpu.memory_space<vmem>>, %arg11: memref<2x!tpu.dma_semaphore, #tpu.memory_space<semaphore_mem>>, %arg12: memref<2x!tpu.dma_semaphore, #tpu.memory_space<semaphore_mem>>) attributes {dimension_semantics = [#tpu.dimension_semantics<core_parallel>, #tpu.dimension_semantics<subcore_parallel>], iteration_bounds = array<i64: 2, 16>, scalar_prefetch = 0 : i64, scratch_operands = 6 : i64, tpu.core_type = #tpu.core_type<sc_vector_subcore>, window_params = [{transform_indices = #map}, {transform_indices = #map}, {transform_indices = #map}, {transform_indices = #map}, {transform_indices = #map1}]} {
    %mul3A = arith.constant 16 : i32
    %mul3A_0 = arith.muli %arg0, %mul3A : i32
    %add3A = arith.addi %mul3A_0, %arg1 : i32
    %mul3A_1 = arith.constant 640 : i32
    %mul3A_2 = arith.muli %arg1, %mul3A_1 : i32
    %eq3A = arith.constant 0 : i32
    %eq3A_3 = arith.cmpi eq, %arg0, %eq3A : i32
    %convert_element_type3A = arith.extui %eq3A_3 : i1 to i32
    %cond3A = arith.constant 0 : i32
    %cond3A_4 = arith.cmpi ne, %convert_element_type3A, %cond3A : i32
    scf.if %cond3A_4 {
      "tpu.region"() ({
        %run_scoped3A = tpu.sem_alloc : memref<!tpu.dma_semaphore, #tpu.memory_space<semaphore_mem>>
        %dma_start3A_95 = arith.constant 0 : i32
        %dma_start3A_96 = tpu.memref_slice %arg7[%mul3A_2, %dma_start3A_95] : memref<10240x128xf32, #tpu.memory_space<vmem_shared>> -> memref<640x128xf32, #tpu.memory_space<vmem_shared>>
        %dma_start3A_97 = arith.constant 0 : i32
        %dma_start3A_98 = tpu.memref_slice %arg2[%mul3A_2, %dma_start3A_97] : memref<10240x128xf32, #tpu.memory_space<hbm>> -> memref<640x128xf32, #tpu.memory_space<hbm>>
        tpu.enqueue_dma source(%dma_start3A_98 : memref<640x128xf32, #tpu.memory_space<hbm>>) target(%dma_start3A_96 : memref<640x128xf32, #tpu.memory_space<vmem_shared>>) target_semaphore(%run_scoped3A : memref<!tpu.dma_semaphore, #tpu.memory_space<semaphore_mem>>)
        %dma_wait3A_99 = arith.constant 0 : i32
        %dma_wait3A_100 = tpu.memref_slice %arg7[%mul3A_2, %dma_wait3A_99] : memref<10240x128xf32, #tpu.memory_space<vmem_shared>> -> memref<640x128xf32, #tpu.memory_space<vmem_shared>>
        %dma_wait3A_101 = arith.constant 0 : i32
        %dma_wait3A_102 = tpu.memref_slice %arg2[%mul3A_2, %dma_wait3A_101] : memref<10240x128xf32, #tpu.memory_space<hbm>> -> memref<640x128xf32, #tpu.memory_space<hbm>>
        tpu.wait_dma2 semaphore(%run_scoped3A : memref<!tpu.dma_semaphore, #tpu.memory_space<semaphore_mem>>) src(%dma_wait3A_102 : memref<640x128xf32, #tpu.memory_space<hbm>>) dst(%dma_wait3A_100 : memref<640x128xf32, #tpu.memory_space<vmem_shared>>)
        tpu.yield
      }) : () -> ()
    } else {
    }
    %ne3A = arith.constant 0 : i32
    %ne3A_5 = arith.cmpi ne, %arg0, %ne3A : i32
    %convert_element_type3A_6 = arith.extui %ne3A_5 : i1 to i32
    %cond3A_7 = arith.constant 0 : i32
    %cond3A_8 = arith.cmpi ne, %convert_element_type3A_6, %cond3A_7 : i32
    scf.if %cond3A_8 {
      "tpu.region"() ({
        %run_scoped3A = tpu.sem_alloc : memref<!tpu.dma_semaphore, #tpu.memory_space<semaphore_mem>>
        %dma_start3A_95 = arith.constant 0 : i32
        %dma_start3A_96 = tpu.memref_slice %arg7[%mul3A_2, %dma_start3A_95] : memref<10240x128xf32, #tpu.memory_space<vmem_shared>> -> memref<640x128xf32, #tpu.memory_space<vmem_shared>>
        %dma_start3A_97 = arith.constant 0 : i32
        %dma_start3A_98 = tpu.memref_slice %arg5[%mul3A_2, %dma_start3A_97] : memref<10240x128xf32, #tpu.memory_space<hbm>> -> memref<640x128xf32, #tpu.memory_space<hbm>>
        tpu.enqueue_dma source(%dma_start3A_98 : memref<640x128xf32, #tpu.memory_space<hbm>>) target(%dma_start3A_96 : memref<640x128xf32, #tpu.memory_space<vmem_shared>>) target_semaphore(%run_scoped3A : memref<!tpu.dma_semaphore, #tpu.memory_space<semaphore_mem>>)
        %dma_wait3A_99 = arith.constant 0 : i32
        %dma_wait3A_100 = tpu.memref_slice %arg7[%mul3A_2, %dma_wait3A_99] : memref<10240x128xf32, #tpu.memory_space<vmem_shared>> -> memref<640x128xf32, #tpu.memory_space<vmem_shared>>
        %dma_wait3A_101 = arith.constant 0 : i32
        %dma_wait3A_102 = tpu.memref_slice %arg5[%mul3A_2, %dma_wait3A_101] : memref<10240x128xf32, #tpu.memory_space<hbm>> -> memref<640x128xf32, #tpu.memory_space<hbm>>
        tpu.wait_dma2 semaphore(%run_scoped3A : memref<!tpu.dma_semaphore, #tpu.memory_space<semaphore_mem>>) src(%dma_wait3A_102 : memref<640x128xf32, #tpu.memory_space<hbm>>) dst(%dma_wait3A_100 : memref<640x128xf32, #tpu.memory_space<vmem_shared>>)
        tpu.yield
      }) : () -> ()
    } else {
    }
    %barrier3A = arith.constant 0 : index
    tpu.barrier barrier_id(%barrier3A)
    %mul3A_9 = arith.constant 80 : i32
    %mul3A_10 = arith.muli %add3A, %mul3A_9 : i32
    %add3A_11 = arith.constant 0 : i32
    %add3A_12 = arith.addi %mul3A_10, %add3A_11 : i32
    "tpu.region"() ({
      %run_scoped3A = tpu.sem_alloc : memref<!tpu.dma_semaphore, #tpu.memory_space<semaphore_mem>>
      %dma_start3A_95 = arith.constant 0 : i32
      %dma_start3A_96 = tpu.memref_slice %arg3[%add3A_12, %dma_start3A_95] : memref<2560x128xi32, #tpu.memory_space<hbm>> -> memref<40x128xi32, #tpu.memory_space<hbm>>
      %dma_start3A_97 = arith.constant 0 : i32
      %dma_start3A_98 = tpu.memref_slice %arg3[%add3A_12, %dma_start3A_97] : memref<2560x128xi32, #tpu.memory_space<hbm>> -> memref<40x128xi32, #tpu.memory_space<hbm>>
      tpu.enqueue_dma source(%dma_start3A_98 : memref<40x128xi32, #tpu.memory_space<hbm>>) target(%arg8 : memref<40x128xi32, #tpu.memory_space<vmem>>) target_semaphore(%run_scoped3A : memref<!tpu.dma_semaphore, #tpu.memory_space<semaphore_mem>>)
      %dma_wait3A_99 = arith.constant 0 : i32
      %dma_wait3A_100 = tpu.memref_slice %arg3[%add3A_12, %dma_wait3A_99] : memref<2560x128xi32, #tpu.memory_space<hbm>> -> memref<40x128xi32, #tpu.memory_space<hbm>>
      %dma_wait3A_101 = arith.constant 0 : i32
      %dma_wait3A_102 = tpu.memref_slice %arg3[%add3A_12, %dma_wait3A_101] : memref<2560x128xi32, #tpu.memory_space<hbm>> -> memref<40x128xi32, #tpu.memory_space<hbm>>
      tpu.wait_dma2 semaphore(%run_scoped3A : memref<!tpu.dma_semaphore, #tpu.memory_space<semaphore_mem>>) src(%dma_wait3A_102 : memref<40x128xi32, #tpu.memory_space<hbm>>) dst(%arg8 : memref<40x128xi32, #tpu.memory_space<vmem>>)
      tpu.yield
    }) : () -> ()
    %mul3A_13 = arith.constant 80 : i32
    %mul3A_14 = arith.muli %add3A, %mul3A_13 : i32
    %add3A_15 = arith.constant 0 : i32
    %add3A_16 = arith.addi %mul3A_14, %add3A_15 : i32
    "tpu.region"() ({
      %run_scoped3A = tpu.sem_alloc : memref<!tpu.dma_semaphore, #tpu.memory_space<semaphore_mem>>
      %dma_start3A_95 = arith.constant 0 : i32
      %dma_start3A_96 = tpu.memref_slice %arg4[%add3A_16, %dma_start3A_95] : memref<2560x128xi32, #tpu.memory_space<hbm>> -> memref<40x128xi32, #tpu.memory_space<hbm>>
      %dma_start3A_97 = arith.constant 0 : i32
      %dma_start3A_98 = tpu.memref_slice %arg4[%add3A_16, %dma_start3A_97] : memref<2560x128xi32, #tpu.memory_space<hbm>> -> memref<40x128xi32, #tpu.memory_space<hbm>>
      tpu.enqueue_dma source(%dma_start3A_98 : memref<40x128xi32, #tpu.memory_space<hbm>>) target(%arg9 : memref<40x128xi32, #tpu.memory_space<vmem>>) target_semaphore(%run_scoped3A : memref<!tpu.dma_semaphore, #tpu.memory_space<semaphore_mem>>)
      %dma_wait3A_99 = arith.constant 0 : i32
      %dma_wait3A_100 = tpu.memref_slice %arg4[%add3A_16, %dma_wait3A_99] : memref<2560x128xi32, #tpu.memory_space<hbm>> -> memref<40x128xi32, #tpu.memory_space<hbm>>
      %dma_wait3A_101 = arith.constant 0 : i32
      %dma_wait3A_102 = tpu.memref_slice %arg4[%add3A_16, %dma_wait3A_101] : memref<2560x128xi32, #tpu.memory_space<hbm>> -> memref<40x128xi32, #tpu.memory_space<hbm>>
      tpu.wait_dma2 semaphore(%run_scoped3A : memref<!tpu.dma_semaphore, #tpu.memory_space<semaphore_mem>>) src(%dma_wait3A_102 : memref<40x128xi32, #tpu.memory_space<hbm>>) dst(%arg9 : memref<40x128xi32, #tpu.memory_space<vmem>>)
      tpu.yield
    }) : () -> ()
    %dma_start3A = arith.constant 0 : i32
    %dma_start3A_17 = arith.constant 0 : i32
    %dma_start3A_18 = arith.constant 0 : i32
    %dma_start3A_19 = arith.constant 0 : i32
    %dma_start3A_20 = arith.constant 0 : i32
    %dma_start3A_21 = tpu.memref_slice %arg10[%dma_start3A_17, %dma_start3A_19, %dma_start3A_20] : memref<2x128x128xf32, #tpu.memory_space<vmem>> -> memref<1x128x128xf32, #tpu.memory_space<vmem>>
    %dma_start3A_22 = tpu.memref_squeeze %dma_start3A_21 : memref<1x128x128xf32, #tpu.memory_space<vmem>> -> memref<128x128xf32, #tpu.memory_space<vmem>>
    %dma_start3A_23 = arith.constant 0 : i32
    %dma_start3A_24 = tpu.memref_slice %arg8[%dma_start3A, %dma_start3A_23] : memref<40x128xi32, #tpu.memory_space<vmem>> -> memref<1x128xi32, #tpu.memory_space<vmem>>
    %dma_start3A_25 = tpu.memref_squeeze %dma_start3A_24 : memref<1x128xi32, #tpu.memory_space<vmem>> -> memref<128xi32, #tpu.memory_space<vmem>>
    %dma_start3A_26 = arith.constant 0 : i32
    %dma_start3A_27 = arith.constant 0 : i32
    %dma_start3A_28 = tpu.memref_slice %arg2[%dma_start3A_26, %dma_start3A_27] : memref<10240x128xf32, #tpu.memory_space<hbm>> -> memref<10240x128xf32, #tpu.memory_space<hbm>>
    %dma_start3A_29 = tpu.memref_slice %arg11[%dma_start3A_18] : memref<2x!tpu.dma_semaphore, #tpu.memory_space<semaphore_mem>> -> memref<1x!tpu.dma_semaphore, #tpu.memory_space<semaphore_mem>>
    %dma_start3A_30 = tpu.memref_squeeze %dma_start3A_29 : memref<1x!tpu.dma_semaphore, #tpu.memory_space<semaphore_mem>> -> memref<!tpu.dma_semaphore, #tpu.memory_space<semaphore_mem>>
    tpu.enqueue_indirect_dma source(%dma_start3A_28 : memref<10240x128xf32, #tpu.memory_space<hbm>>) target(%dma_start3A_22 : memref<128x128xf32, #tpu.memory_space<vmem>>) offsets(%dma_start3A_25 : memref<128xi32, #tpu.memory_space<vmem>>) semaphore(%dma_start3A_30 : memref<!tpu.dma_semaphore, #tpu.memory_space<semaphore_mem>>)
    %scan3A = arith.constant 0 : i32
    %scan3A_31 = arith.constant 0 : i32
    %scan3A_32 = arith.constant 40 : i32
    %scan3A_33 = arith.addi %scan3A_31, %scan3A_32 : i32
    %scan3A_34 = arith.constant 1 : i32
    scf.for %scan3A_95 = %scan3A_31 to %scan3A_33 step %scan3A_34  : i32 {
      %rem3A = arith.constant 2 : i32
      %rem3A_96 = arith.remsi %scan3A_95, %rem3A : i32
      %dma_wait3A_97 = arith.constant 0 : i32
      %dma_wait3A_98 = arith.constant 0 : i32
      %dma_wait3A_99 = tpu.memref_slice %arg10[%rem3A_96, %dma_wait3A_97, %dma_wait3A_98] : memref<2x128x128xf32, #tpu.memory_space<vmem>> -> memref<1x128x128xf32, #tpu.memory_space<vmem>>
      %dma_wait3A_100 = tpu.memref_squeeze %dma_wait3A_99 : memref<1x128x128xf32, #tpu.memory_space<vmem>> -> memref<128x128xf32, #tpu.memory_space<vmem>>
      %dma_wait3A_101 = arith.constant 0 : i32
      %dma_wait3A_102 = tpu.memref_slice %arg8[%scan3A_95, %dma_wait3A_101] : memref<40x128xi32, #tpu.memory_space<vmem>> -> memref<1x128xi32, #tpu.memory_space<vmem>>
      %dma_wait3A_103 = tpu.memref_squeeze %dma_wait3A_102 : memref<1x128xi32, #tpu.memory_space<vmem>> -> memref<128xi32, #tpu.memory_space<vmem>>
      %dma_wait3A_104 = arith.constant 0 : i32
      %dma_wait3A_105 = arith.constant 0 : i32
      %dma_wait3A_106 = tpu.memref_slice %arg2[%dma_wait3A_104, %dma_wait3A_105] : memref<10240x128xf32, #tpu.memory_space<hbm>> -> memref<10240x128xf32, #tpu.memory_space<hbm>>
      %dma_wait3A_107 = tpu.memref_slice %arg11[%rem3A_96] : memref<2x!tpu.dma_semaphore, #tpu.memory_space<semaphore_mem>> -> memref<1x!tpu.dma_semaphore, #tpu.memory_space<semaphore_mem>>
      %dma_wait3A_108 = tpu.memref_squeeze %dma_wait3A_107 : memref<1x!tpu.dma_semaphore, #tpu.memory_space<semaphore_mem>> -> memref<!tpu.dma_semaphore, #tpu.memory_space<semaphore_mem>>
      tpu.wait_indirect_dma semaphore(%dma_wait3A_108 : memref<!tpu.dma_semaphore, #tpu.memory_space<semaphore_mem>>) src(%dma_wait3A_106 : memref<10240x128xf32, #tpu.memory_space<hbm>>) dst(%dma_wait3A_100 : memref<128x128xf32, #tpu.memory_space<vmem>>)
      %ge3A = arith.constant 1 : i32
      %ge3A_109 = arith.cmpi sge, %scan3A_95, %ge3A : i32
      %convert_element_type3A_110 = arith.extui %ge3A_109 : i1 to i32
      %cond3A_111 = arith.constant 0 : i32
      %cond3A_112 = arith.cmpi ne, %convert_element_type3A_110, %cond3A_111 : i32
      scf.if %cond3A_112 {
        %sub3A = arith.constant 1 : i32
        %sub3A_131 = arith.subi %sub3A, %rem3A_96 : i32
        %sub3A_132 = arith.constant 1 : i32
        %sub3A_133 = arith.subi %scan3A_95, %sub3A_132 : i32
        %sub3A_134 = arith.constant 1 : i32
        %sub3A_135 = arith.subi %sub3A_134, %rem3A_96 : i32
        %dma_wait3A_136 = arith.constant 0 : i32
        %dma_wait3A_137 = arith.constant 0 : i32
        %dma_wait3A_138 = tpu.memref_slice %arg10[%sub3A_131, %dma_wait3A_136, %dma_wait3A_137] : memref<2x128x128xf32, #tpu.memory_space<vmem>> -> memref<1x128x128xf32, #tpu.memory_space<vmem>>
        %dma_wait3A_139 = tpu.memref_squeeze %dma_wait3A_138 : memref<1x128x128xf32, #tpu.memory_space<vmem>> -> memref<128x128xf32, #tpu.memory_space<vmem>>
        %dma_wait3A_140 = arith.constant 0 : i32
        %dma_wait3A_141 = tpu.memref_slice %arg9[%sub3A_133, %dma_wait3A_140] : memref<40x128xi32, #tpu.memory_space<vmem>> -> memref<1x128xi32, #tpu.memory_space<vmem>>
        %dma_wait3A_142 = tpu.memref_squeeze %dma_wait3A_141 : memref<1x128xi32, #tpu.memory_space<vmem>> -> memref<128xi32, #tpu.memory_space<vmem>>
        %dma_wait3A_143 = arith.constant 0 : i32
        %dma_wait3A_144 = arith.constant 0 : i32
        %dma_wait3A_145 = tpu.memref_slice %arg7[%dma_wait3A_143, %dma_wait3A_144] : memref<10240x128xf32, #tpu.memory_space<vmem_shared>> -> memref<10240x128xf32, #tpu.memory_space<vmem_shared>>
        %dma_wait3A_146 = tpu.memref_slice %arg12[%sub3A_135] : memref<2x!tpu.dma_semaphore, #tpu.memory_space<semaphore_mem>> -> memref<1x!tpu.dma_semaphore, #tpu.memory_space<semaphore_mem>>
        %dma_wait3A_147 = tpu.memref_squeeze %dma_wait3A_146 : memref<1x!tpu.dma_semaphore, #tpu.memory_space<semaphore_mem>> -> memref<!tpu.dma_semaphore, #tpu.memory_space<semaphore_mem>>
        tpu.wait_indirect_dma semaphore(%dma_wait3A_147 : memref<!tpu.dma_semaphore, #tpu.memory_space<semaphore_mem>>) src(%dma_wait3A_139 : memref<128x128xf32, #tpu.memory_space<vmem>>) dst(%dma_wait3A_145 : memref<10240x128xf32, #tpu.memory_space<vmem_shared>>)
      } else {
      }
      %add3A_113 = arith.constant 1 : i32
      %add3A_114 = arith.addi %scan3A_95, %add3A_113 : i32
      %lt3A = arith.constant 40 : i32
      %lt3A_115 = arith.cmpi slt, %add3A_114, %lt3A : i32
      %convert_element_type3A_116 = arith.extui %lt3A_115 : i1 to i32
      %cond3A_117 = arith.constant 0 : i32
      %cond3A_118 = arith.cmpi ne, %convert_element_type3A_116, %cond3A_117 : i32
      scf.if %cond3A_118 {
        %add3A_131 = arith.constant 1 : i32
        %add3A_132 = arith.addi %scan3A_95, %add3A_131 : i32
        %sub3A = arith.constant 1 : i32
        %sub3A_133 = arith.subi %sub3A, %rem3A_96 : i32
        %sub3A_134 = arith.constant 1 : i32
        %sub3A_135 = arith.subi %sub3A_134, %rem3A_96 : i32
        %dma_start3A_136 = arith.constant 0 : i32
        %dma_start3A_137 = arith.constant 0 : i32
        %dma_start3A_138 = tpu.memref_slice %arg10[%sub3A_133, %dma_start3A_136, %dma_start3A_137] : memref<2x128x128xf32, #tpu.memory_space<vmem>> -> memref<1x128x128xf32, #tpu.memory_space<vmem>>
        %dma_start3A_139 = tpu.memref_squeeze %dma_start3A_138 : memref<1x128x128xf32, #tpu.memory_space<vmem>> -> memref<128x128xf32, #tpu.memory_space<vmem>>
        %dma_start3A_140 = arith.constant 0 : i32
        %dma_start3A_141 = tpu.memref_slice %arg8[%add3A_132, %dma_start3A_140] : memref<40x128xi32, #tpu.memory_space<vmem>> -> memref<1x128xi32, #tpu.memory_space<vmem>>
        %dma_start3A_142 = tpu.memref_squeeze %dma_start3A_141 : memref<1x128xi32, #tpu.memory_space<vmem>> -> memref<128xi32, #tpu.memory_space<vmem>>
        %dma_start3A_143 = arith.constant 0 : i32
        %dma_start3A_144 = arith.constant 0 : i32
        %dma_start3A_145 = tpu.memref_slice %arg2[%dma_start3A_143, %dma_start3A_144] : memref<10240x128xf32, #tpu.memory_space<hbm>> -> memref<10240x128xf32, #tpu.memory_space<hbm>>
        %dma_start3A_146 = tpu.memref_slice %arg11[%sub3A_135] : memref<2x!tpu.dma_semaphore, #tpu.memory_space<semaphore_mem>> -> memref<1x!tpu.dma_semaphore, #tpu.memory_space<semaphore_mem>>
        %dma_start3A_147 = tpu.memref_squeeze %dma_start3A_146 : memref<1x!tpu.dma_semaphore, #tpu.memory_space<semaphore_mem>> -> memref<!tpu.dma_semaphore, #tpu.memory_space<semaphore_mem>>
        tpu.enqueue_indirect_dma source(%dma_start3A_145 : memref<10240x128xf32, #tpu.memory_space<hbm>>) target(%dma_start3A_139 : memref<128x128xf32, #tpu.memory_space<vmem>>) offsets(%dma_start3A_142 : memref<128xi32, #tpu.memory_space<vmem>>) semaphore(%dma_start3A_147 : memref<!tpu.dma_semaphore, #tpu.memory_space<semaphore_mem>>)
      } else {
      }
      %dma_start3A_119 = arith.constant 0 : i32
      %dma_start3A_120 = arith.constant 0 : i32
      %dma_start3A_121 = tpu.memref_slice %arg10[%rem3A_96, %dma_start3A_119, %dma_start3A_120] : memref<2x128x128xf32, #tpu.memory_space<vmem>> -> memref<1x128x128xf32, #tpu.memory_space<vmem>>
      %dma_start3A_122 = tpu.memref_squeeze %dma_start3A_121 : memref<1x128x128xf32, #tpu.memory_space<vmem>> -> memref<128x128xf32, #tpu.memory_space<vmem>>
      %dma_start3A_123 = arith.constant 0 : i32
      %dma_start3A_124 = tpu.memref_slice %arg9[%scan3A_95, %dma_start3A_123] : memref<40x128xi32, #tpu.memory_space<vmem>> -> memref<1x128xi32, #tpu.memory_space<vmem>>
      %dma_start3A_125 = tpu.memref_squeeze %dma_start3A_124 : memref<1x128xi32, #tpu.memory_space<vmem>> -> memref<128xi32, #tpu.memory_space<vmem>>
      %dma_start3A_126 = arith.constant 0 : i32
      %dma_start3A_127 = arith.constant 0 : i32
      %dma_start3A_128 = tpu.memref_slice %arg7[%dma_start3A_126, %dma_start3A_127] : memref<10240x128xf32, #tpu.memory_space<vmem_shared>> -> memref<10240x128xf32, #tpu.memory_space<vmem_shared>>
      %dma_start3A_129 = tpu.memref_slice %arg12[%rem3A_96] : memref<2x!tpu.dma_semaphore, #tpu.memory_space<semaphore_mem>> -> memref<1x!tpu.dma_semaphore, #tpu.memory_space<semaphore_mem>>
      %dma_start3A_130 = tpu.memref_squeeze %dma_start3A_129 : memref<1x!tpu.dma_semaphore, #tpu.memory_space<semaphore_mem>> -> memref<!tpu.dma_semaphore, #tpu.memory_space<semaphore_mem>>
      tpu.enqueue_indirect_dma source(%dma_start3A_122 : memref<128x128xf32, #tpu.memory_space<vmem>>) target(%dma_start3A_128 : memref<10240x128xf32, #tpu.memory_space<vmem_shared>>) offsets(%dma_start3A_125 : memref<128xi32, #tpu.memory_space<vmem>>) semaphore(%dma_start3A_130 : memref<!tpu.dma_semaphore, #tpu.memory_space<semaphore_mem>>) {add = true}
    }
    %scan3A_35 = arith.constant 40 : i32
    %dma_wait3A = arith.constant 1 : i32
    %dma_wait3A_36 = arith.constant 39 : i32
    %dma_wait3A_37 = arith.constant 1 : i32
    %dma_wait3A_38 = arith.constant 0 : i32
    %dma_wait3A_39 = arith.constant 0 : i32
    %dma_wait3A_40 = tpu.memref_slice %arg10[%dma_wait3A, %dma_wait3A_38, %dma_wait3A_39] : memref<2x128x128xf32, #tpu.memory_space<vmem>> -> memref<1x128x128xf32, #tpu.memory_space<vmem>>
    %dma_wait3A_41 = tpu.memref_squeeze %dma_wait3A_40 : memref<1x128x128xf32, #tpu.memory_space<vmem>> -> memref<128x128xf32, #tpu.memory_space<vmem>>
    %dma_wait3A_42 = arith.constant 0 : i32
    %dma_wait3A_43 = tpu.memref_slice %arg9[%dma_wait3A_36, %dma_wait3A_42] : memref<40x128xi32, #tpu.memory_space<vmem>> -> memref<1x128xi32, #tpu.memory_space<vmem>>
    %dma_wait3A_44 = tpu.memref_squeeze %dma_wait3A_43 : memref<1x128xi32, #tpu.memory_space<vmem>> -> memref<128xi32, #tpu.memory_space<vmem>>
    %dma_wait3A_45 = arith.constant 0 : i32
    %dma_wait3A_46 = arith.constant 0 : i32
    %dma_wait3A_47 = tpu.memref_slice %arg7[%dma_wait3A_45, %dma_wait3A_46] : memref<10240x128xf32, #tpu.memory_space<vmem_shared>> -> memref<10240x128xf32, #tpu.memory_space<vmem_shared>>
    %dma_wait3A_48 = tpu.memref_slice %arg12[%dma_wait3A_37] : memref<2x!tpu.dma_semaphore, #tpu.memory_space<semaphore_mem>> -> memref<1x!tpu.dma_semaphore, #tpu.memory_space<semaphore_mem>>
    %dma_wait3A_49 = tpu.memref_squeeze %dma_wait3A_48 : memref<1x!tpu.dma_semaphore, #tpu.memory_space<semaphore_mem>> -> memref<!tpu.dma_semaphore, #tpu.memory_space<semaphore_mem>>
    tpu.wait_indirect_dma semaphore(%dma_wait3A_49 : memref<!tpu.dma_semaphore, #tpu.memory_space<semaphore_mem>>) src(%dma_wait3A_41 : memref<128x128xf32, #tpu.memory_space<vmem>>) dst(%dma_wait3A_47 : memref<10240x128xf32, #tpu.memory_space<vmem_shared>>)
    %mul3A_50 = arith.constant 80 : i32
    %mul3A_51 = arith.muli %add3A, %mul3A_50 : i32
    %add3A_52 = arith.constant 40 : i32
    %add3A_53 = arith.addi %mul3A_51, %add3A_52 : i32
    "tpu.region"() ({
      %run_scoped3A = tpu.sem_alloc : memref<!tpu.dma_semaphore, #tpu.memory_space<semaphore_mem>>
      %dma_start3A_95 = arith.constant 0 : i32
      %dma_start3A_96 = tpu.memref_slice %arg3[%add3A_53, %dma_start3A_95] : memref<2560x128xi32, #tpu.memory_space<hbm>> -> memref<40x128xi32, #tpu.memory_space<hbm>>
      %dma_start3A_97 = arith.constant 0 : i32
      %dma_start3A_98 = tpu.memref_slice %arg3[%add3A_53, %dma_start3A_97] : memref<2560x128xi32, #tpu.memory_space<hbm>> -> memref<40x128xi32, #tpu.memory_space<hbm>>
      tpu.enqueue_dma source(%dma_start3A_98 : memref<40x128xi32, #tpu.memory_space<hbm>>) target(%arg8 : memref<40x128xi32, #tpu.memory_space<vmem>>) target_semaphore(%run_scoped3A : memref<!tpu.dma_semaphore, #tpu.memory_space<semaphore_mem>>)
      %dma_wait3A_99 = arith.constant 0 : i32
      %dma_wait3A_100 = tpu.memref_slice %arg3[%add3A_53, %dma_wait3A_99] : memref<2560x128xi32, #tpu.memory_space<hbm>> -> memref<40x128xi32, #tpu.memory_space<hbm>>
      %dma_wait3A_101 = arith.constant 0 : i32
      %dma_wait3A_102 = tpu.memref_slice %arg3[%add3A_53, %dma_wait3A_101] : memref<2560x128xi32, #tpu.memory_space<hbm>> -> memref<40x128xi32, #tpu.memory_space<hbm>>
      tpu.wait_dma2 semaphore(%run_scoped3A : memref<!tpu.dma_semaphore, #tpu.memory_space<semaphore_mem>>) src(%dma_wait3A_102 : memref<40x128xi32, #tpu.memory_space<hbm>>) dst(%arg8 : memref<40x128xi32, #tpu.memory_space<vmem>>)
      tpu.yield
    }) : () -> ()
    %mul3A_54 = arith.constant 80 : i32
    %mul3A_55 = arith.muli %add3A, %mul3A_54 : i32
    %add3A_56 = arith.constant 40 : i32
    %add3A_57 = arith.addi %mul3A_55, %add3A_56 : i32
    "tpu.region"() ({
      %run_scoped3A = tpu.sem_alloc : memref<!tpu.dma_semaphore, #tpu.memory_space<semaphore_mem>>
      %dma_start3A_95 = arith.constant 0 : i32
      %dma_start3A_96 = tpu.memref_slice %arg4[%add3A_57, %dma_start3A_95] : memref<2560x128xi32, #tpu.memory_space<hbm>> -> memref<40x128xi32, #tpu.memory_space<hbm>>
      %dma_start3A_97 = arith.constant 0 : i32
      %dma_start3A_98 = tpu.memref_slice %arg4[%add3A_57, %dma_start3A_97] : memref<2560x128xi32, #tpu.memory_space<hbm>> -> memref<40x128xi32, #tpu.memory_space<hbm>>
      tpu.enqueue_dma source(%dma_start3A_98 : memref<40x128xi32, #tpu.memory_space<hbm>>) target(%arg9 : memref<40x128xi32, #tpu.memory_space<vmem>>) target_semaphore(%run_scoped3A : memref<!tpu.dma_semaphore, #tpu.memory_space<semaphore_mem>>)
      %dma_wait3A_99 = arith.constant 0 : i32
      %dma_wait3A_100 = tpu.memref_slice %arg4[%add3A_57, %dma_wait3A_99] : memref<2560x128xi32, #tpu.memory_space<hbm>> -> memref<40x128xi32, #tpu.memory_space<hbm>>
      %dma_wait3A_101 = arith.constant 0 : i32
      %dma_wait3A_102 = tpu.memref_slice %arg4[%add3A_57, %dma_wait3A_101] : memref<2560x128xi32, #tpu.memory_space<hbm>> -> memref<40x128xi32, #tpu.memory_space<hbm>>
      tpu.wait_dma2 semaphore(%run_scoped3A : memref<!tpu.dma_semaphore, #tpu.memory_space<semaphore_mem>>) src(%dma_wait3A_102 : memref<40x128xi32, #tpu.memory_space<hbm>>) dst(%arg9 : memref<40x128xi32, #tpu.memory_space<vmem>>)
      tpu.yield
    }) : () -> ()
    %dma_start3A_58 = arith.constant 0 : i32
    %dma_start3A_59 = arith.constant 0 : i32
    %dma_start3A_60 = arith.constant 0 : i32
    %dma_start3A_61 = arith.constant 0 : i32
    %dma_start3A_62 = arith.constant 0 : i32
    %dma_start3A_63 = tpu.memref_slice %arg10[%dma_start3A_59, %dma_start3A_61, %dma_start3A_62] : memref<2x128x128xf32, #tpu.memory_space<vmem>> -> memref<1x128x128xf32, #tpu.memory_space<vmem>>
    %dma_start3A_64 = tpu.memref_squeeze %dma_start3A_63 : memref<1x128x128xf32, #tpu.memory_space<vmem>> -> memref<128x128xf32, #tpu.memory_space<vmem>>
    %dma_start3A_65 = arith.constant 0 : i32
    %dma_start3A_66 = tpu.memref_slice %arg8[%dma_start3A_58, %dma_start3A_65] : memref<40x128xi32, #tpu.memory_space<vmem>> -> memref<1x128xi32, #tpu.memory_space<vmem>>
    %dma_start3A_67 = tpu.memref_squeeze %dma_start3A_66 : memref<1x128xi32, #tpu.memory_space<vmem>> -> memref<128xi32, #tpu.memory_space<vmem>>
    %dma_start3A_68 = arith.constant 0 : i32
    %dma_start3A_69 = arith.constant 0 : i32
    %dma_start3A_70 = tpu.memref_slice %arg2[%dma_start3A_68, %dma_start3A_69] : memref<10240x128xf32, #tpu.memory_space<hbm>> -> memref<10240x128xf32, #tpu.memory_space<hbm>>
    %dma_start3A_71 = tpu.memref_slice %arg11[%dma_start3A_60] : memref<2x!tpu.dma_semaphore, #tpu.memory_space<semaphore_mem>> -> memref<1x!tpu.dma_semaphore, #tpu.memory_space<semaphore_mem>>
    %dma_start3A_72 = tpu.memref_squeeze %dma_start3A_71 : memref<1x!tpu.dma_semaphore, #tpu.memory_space<semaphore_mem>> -> memref<!tpu.dma_semaphore, #tpu.memory_space<semaphore_mem>>
    tpu.enqueue_indirect_dma source(%dma_start3A_70 : memref<10240x128xf32, #tpu.memory_space<hbm>>) target(%dma_start3A_64 : memref<128x128xf32, #tpu.memory_space<vmem>>) offsets(%dma_start3A_67 : memref<128xi32, #tpu.memory_space<vmem>>) semaphore(%dma_start3A_72 : memref<!tpu.dma_semaphore, #tpu.memory_space<semaphore_mem>>)
    %scan3A_73 = arith.constant 0 : i32
    %scan3A_74 = arith.constant 0 : i32
    %scan3A_75 = arith.constant 40 : i32
    %scan3A_76 = arith.addi %scan3A_74, %scan3A_75 : i32
    %scan3A_77 = arith.constant 1 : i32
    scf.for %scan3A_95 = %scan3A_74 to %scan3A_76 step %scan3A_77  : i32 {
      %rem3A = arith.constant 2 : i32
      %rem3A_96 = arith.remsi %scan3A_95, %rem3A : i32
      %dma_wait3A_97 = arith.constant 0 : i32
      %dma_wait3A_98 = arith.constant 0 : i32
      %dma_wait3A_99 = tpu.memref_slice %arg10[%rem3A_96, %dma_wait3A_97, %dma_wait3A_98] : memref<2x128x128xf32, #tpu.memory_space<vmem>> -> memref<1x128x128xf32, #tpu.memory_space<vmem>>
      %dma_wait3A_100 = tpu.memref_squeeze %dma_wait3A_99 : memref<1x128x128xf32, #tpu.memory_space<vmem>> -> memref<128x128xf32, #tpu.memory_space<vmem>>
      %dma_wait3A_101 = arith.constant 0 : i32
      %dma_wait3A_102 = tpu.memref_slice %arg8[%scan3A_95, %dma_wait3A_101] : memref<40x128xi32, #tpu.memory_space<vmem>> -> memref<1x128xi32, #tpu.memory_space<vmem>>
      %dma_wait3A_103 = tpu.memref_squeeze %dma_wait3A_102 : memref<1x128xi32, #tpu.memory_space<vmem>> -> memref<128xi32, #tpu.memory_space<vmem>>
      %dma_wait3A_104 = arith.constant 0 : i32
      %dma_wait3A_105 = arith.constant 0 : i32
      %dma_wait3A_106 = tpu.memref_slice %arg2[%dma_wait3A_104, %dma_wait3A_105] : memref<10240x128xf32, #tpu.memory_space<hbm>> -> memref<10240x128xf32, #tpu.memory_space<hbm>>
      %dma_wait3A_107 = tpu.memref_slice %arg11[%rem3A_96] : memref<2x!tpu.dma_semaphore, #tpu.memory_space<semaphore_mem>> -> memref<1x!tpu.dma_semaphore, #tpu.memory_space<semaphore_mem>>
      %dma_wait3A_108 = tpu.memref_squeeze %dma_wait3A_107 : memref<1x!tpu.dma_semaphore, #tpu.memory_space<semaphore_mem>> -> memref<!tpu.dma_semaphore, #tpu.memory_space<semaphore_mem>>
      tpu.wait_indirect_dma semaphore(%dma_wait3A_108 : memref<!tpu.dma_semaphore, #tpu.memory_space<semaphore_mem>>) src(%dma_wait3A_106 : memref<10240x128xf32, #tpu.memory_space<hbm>>) dst(%dma_wait3A_100 : memref<128x128xf32, #tpu.memory_space<vmem>>)
      %ge3A = arith.constant 1 : i32
      %ge3A_109 = arith.cmpi sge, %scan3A_95, %ge3A : i32
      %convert_element_type3A_110 = arith.extui %ge3A_109 : i1 to i32
      %cond3A_111 = arith.constant 0 : i32
      %cond3A_112 = arith.cmpi ne, %convert_element_type3A_110, %cond3A_111 : i32
      scf.if %cond3A_112 {
        %sub3A = arith.constant 1 : i32
        %sub3A_131 = arith.subi %sub3A, %rem3A_96 : i32
        %sub3A_132 = arith.constant 1 : i32
        %sub3A_133 = arith.subi %scan3A_95, %sub3A_132 : i32
        %sub3A_134 = arith.constant 1 : i32
        %sub3A_135 = arith.subi %sub3A_134, %rem3A_96 : i32
        %dma_wait3A_136 = arith.constant 0 : i32
        %dma_wait3A_137 = arith.constant 0 : i32
        %dma_wait3A_138 = tpu.memref_slice %arg10[%sub3A_131, %dma_wait3A_136, %dma_wait3A_137] : memref<2x128x128xf32, #tpu.memory_space<vmem>> -> memref<1x128x128xf32, #tpu.memory_space<vmem>>
        %dma_wait3A_139 = tpu.memref_squeeze %dma_wait3A_138 : memref<1x128x128xf32, #tpu.memory_space<vmem>> -> memref<128x128xf32, #tpu.memory_space<vmem>>
        %dma_wait3A_140 = arith.constant 0 : i32
        %dma_wait3A_141 = tpu.memref_slice %arg9[%sub3A_133, %dma_wait3A_140] : memref<40x128xi32, #tpu.memory_space<vmem>> -> memref<1x128xi32, #tpu.memory_space<vmem>>
        %dma_wait3A_142 = tpu.memref_squeeze %dma_wait3A_141 : memref<1x128xi32, #tpu.memory_space<vmem>> -> memref<128xi32, #tpu.memory_space<vmem>>
        %dma_wait3A_143 = arith.constant 0 : i32
        %dma_wait3A_144 = arith.constant 0 : i32
        %dma_wait3A_145 = tpu.memref_slice %arg7[%dma_wait3A_143, %dma_wait3A_144] : memref<10240x128xf32, #tpu.memory_space<vmem_shared>> -> memref<10240x128xf32, #tpu.memory_space<vmem_shared>>
        %dma_wait3A_146 = tpu.memref_slice %arg12[%sub3A_135] : memref<2x!tpu.dma_semaphore, #tpu.memory_space<semaphore_mem>> -> memref<1x!tpu.dma_semaphore, #tpu.memory_space<semaphore_mem>>
        %dma_wait3A_147 = tpu.memref_squeeze %dma_wait3A_146 : memref<1x!tpu.dma_semaphore, #tpu.memory_space<semaphore_mem>> -> memref<!tpu.dma_semaphore, #tpu.memory_space<semaphore_mem>>
        tpu.wait_indirect_dma semaphore(%dma_wait3A_147 : memref<!tpu.dma_semaphore, #tpu.memory_space<semaphore_mem>>) src(%dma_wait3A_139 : memref<128x128xf32, #tpu.memory_space<vmem>>) dst(%dma_wait3A_145 : memref<10240x128xf32, #tpu.memory_space<vmem_shared>>)
      } else {
      }
      %add3A_113 = arith.constant 1 : i32
      %add3A_114 = arith.addi %scan3A_95, %add3A_113 : i32
      %lt3A = arith.constant 40 : i32
      %lt3A_115 = arith.cmpi slt, %add3A_114, %lt3A : i32
      %convert_element_type3A_116 = arith.extui %lt3A_115 : i1 to i32
      %cond3A_117 = arith.constant 0 : i32
      %cond3A_118 = arith.cmpi ne, %convert_element_type3A_116, %cond3A_117 : i32
      scf.if %cond3A_118 {
        %add3A_131 = arith.constant 1 : i32
        %add3A_132 = arith.addi %scan3A_95, %add3A_131 : i32
        %sub3A = arith.constant 1 : i32
        %sub3A_133 = arith.subi %sub3A, %rem3A_96 : i32
        %sub3A_134 = arith.constant 1 : i32
        %sub3A_135 = arith.subi %sub3A_134, %rem3A_96 : i32
        %dma_start3A_136 = arith.constant 0 : i32
        %dma_start3A_137 = arith.constant 0 : i32
        %dma_start3A_138 = tpu.memref_slice %arg10[%sub3A_133, %dma_start3A_136, %dma_start3A_137] : memref<2x128x128xf32, #tpu.memory_space<vmem>> -> memref<1x128x128xf32, #tpu.memory_space<vmem>>
        %dma_start3A_139 = tpu.memref_squeeze %dma_start3A_138 : memref<1x128x128xf32, #tpu.memory_space<vmem>> -> memref<128x128xf32, #tpu.memory_space<vmem>>
        %dma_start3A_140 = arith.constant 0 : i32
        %dma_start3A_141 = tpu.memref_slice %arg8[%add3A_132, %dma_start3A_140] : memref<40x128xi32, #tpu.memory_space<vmem>> -> memref<1x128xi32, #tpu.memory_space<vmem>>
        %dma_start3A_142 = tpu.memref_squeeze %dma_start3A_141 : memref<1x128xi32, #tpu.memory_space<vmem>> -> memref<128xi32, #tpu.memory_space<vmem>>
        %dma_start3A_143 = arith.constant 0 : i32
        %dma_start3A_144 = arith.constant 0 : i32
        %dma_start3A_145 = tpu.memref_slice %arg2[%dma_start3A_143, %dma_start3A_144] : memref<10240x128xf32, #tpu.memory_space<hbm>> -> memref<10240x128xf32, #tpu.memory_space<hbm>>
        %dma_start3A_146 = tpu.memref_slice %arg11[%sub3A_135] : memref<2x!tpu.dma_semaphore, #tpu.memory_space<semaphore_mem>> -> memref<1x!tpu.dma_semaphore, #tpu.memory_space<semaphore_mem>>
        %dma_start3A_147 = tpu.memref_squeeze %dma_start3A_146 : memref<1x!tpu.dma_semaphore, #tpu.memory_space<semaphore_mem>> -> memref<!tpu.dma_semaphore, #tpu.memory_space<semaphore_mem>>
        tpu.enqueue_indirect_dma source(%dma_start3A_145 : memref<10240x128xf32, #tpu.memory_space<hbm>>) target(%dma_start3A_139 : memref<128x128xf32, #tpu.memory_space<vmem>>) offsets(%dma_start3A_142 : memref<128xi32, #tpu.memory_space<vmem>>) semaphore(%dma_start3A_147 : memref<!tpu.dma_semaphore, #tpu.memory_space<semaphore_mem>>)
      } else {
      }
      %dma_start3A_119 = arith.constant 0 : i32
      %dma_start3A_120 = arith.constant 0 : i32
      %dma_start3A_121 = tpu.memref_slice %arg10[%rem3A_96, %dma_start3A_119, %dma_start3A_120] : memref<2x128x128xf32, #tpu.memory_space<vmem>> -> memref<1x128x128xf32, #tpu.memory_space<vmem>>
      %dma_start3A_122 = tpu.memref_squeeze %dma_start3A_121 : memref<1x128x128xf32, #tpu.memory_space<vmem>> -> memref<128x128xf32, #tpu.memory_space<vmem>>
      %dma_start3A_123 = arith.constant 0 : i32
      %dma_start3A_124 = tpu.memref_slice %arg9[%scan3A_95, %dma_start3A_123] : memref<40x128xi32, #tpu.memory_space<vmem>> -> memref<1x128xi32, #tpu.memory_space<vmem>>
      %dma_start3A_125 = tpu.memref_squeeze %dma_start3A_124 : memref<1x128xi32, #tpu.memory_space<vmem>> -> memref<128xi32, #tpu.memory_space<vmem>>
      %dma_start3A_126 = arith.constant 0 : i32
      %dma_start3A_127 = arith.constant 0 : i32
      %dma_start3A_128 = tpu.memref_slice %arg7[%dma_start3A_126, %dma_start3A_127] : memref<10240x128xf32, #tpu.memory_space<vmem_shared>> -> memref<10240x128xf32, #tpu.memory_space<vmem_shared>>
      %dma_start3A_129 = tpu.memref_slice %arg12[%rem3A_96] : memref<2x!tpu.dma_semaphore, #tpu.memory_space<semaphore_mem>> -> memref<1x!tpu.dma_semaphore, #tpu.memory_space<semaphore_mem>>
      %dma_start3A_130 = tpu.memref_squeeze %dma_start3A_129 : memref<1x!tpu.dma_semaphore, #tpu.memory_space<semaphore_mem>> -> memref<!tpu.dma_semaphore, #tpu.memory_space<semaphore_mem>>
      tpu.enqueue_indirect_dma source(%dma_start3A_122 : memref<128x128xf32, #tpu.memory_space<vmem>>) target(%dma_start3A_128 : memref<10240x128xf32, #tpu.memory_space<vmem_shared>>) offsets(%dma_start3A_125 : memref<128xi32, #tpu.memory_space<vmem>>) semaphore(%dma_start3A_130 : memref<!tpu.dma_semaphore, #tpu.memory_space<semaphore_mem>>) {add = true}
    }
    %scan3A_78 = arith.constant 40 : i32
    %dma_wait3A_79 = arith.constant 1 : i32
    %dma_wait3A_80 = arith.constant 39 : i32
    %dma_wait3A_81 = arith.constant 1 : i32
    %dma_wait3A_82 = arith.constant 0 : i32
    %dma_wait3A_83 = arith.constant 0 : i32
    %dma_wait3A_84 = tpu.memref_slice %arg10[%dma_wait3A_79, %dma_wait3A_82, %dma_wait3A_83] : memref<2x128x128xf32, #tpu.memory_space<vmem>> -> memref<1x128x128xf32, #tpu.memory_space<vmem>>
    %dma_wait3A_85 = tpu.memref_squeeze %dma_wait3A_84 : memref<1x128x128xf32, #tpu.memory_space<vmem>> -> memref<128x128xf32, #tpu.memory_space<vmem>>
    %dma_wait3A_86 = arith.constant 0 : i32
    %dma_wait3A_87 = tpu.memref_slice %arg9[%dma_wait3A_80, %dma_wait3A_86] : memref<40x128xi32, #tpu.memory_space<vmem>> -> memref<1x128xi32, #tpu.memory_space<vmem>>
    %dma_wait3A_88 = tpu.memref_squeeze %dma_wait3A_87 : memref<1x128xi32, #tpu.memory_space<vmem>> -> memref<128xi32, #tpu.memory_space<vmem>>
    %dma_wait3A_89 = arith.constant 0 : i32
    %dma_wait3A_90 = arith.constant 0 : i32
    %dma_wait3A_91 = tpu.memref_slice %arg7[%dma_wait3A_89, %dma_wait3A_90] : memref<10240x128xf32, #tpu.memory_space<vmem_shared>> -> memref<10240x128xf32, #tpu.memory_space<vmem_shared>>
    %dma_wait3A_92 = tpu.memref_slice %arg12[%dma_wait3A_81] : memref<2x!tpu.dma_semaphore, #tpu.memory_space<semaphore_mem>> -> memref<1x!tpu.dma_semaphore, #tpu.memory_space<semaphore_mem>>
    %dma_wait3A_93 = tpu.memref_squeeze %dma_wait3A_92 : memref<1x!tpu.dma_semaphore, #tpu.memory_space<semaphore_mem>> -> memref<!tpu.dma_semaphore, #tpu.memory_space<semaphore_mem>>
    tpu.wait_indirect_dma semaphore(%dma_wait3A_93 : memref<!tpu.dma_semaphore, #tpu.memory_space<semaphore_mem>>) src(%dma_wait3A_85 : memref<128x128xf32, #tpu.memory_space<vmem>>) dst(%dma_wait3A_91 : memref<10240x128xf32, #tpu.memory_space<vmem_shared>>)
    %barrier3A_94 = arith.constant 0 : index
    tpu.barrier barrier_id(%barrier3A_94)
    "tpu.region"() ({
      %run_scoped3A = tpu.sem_alloc : memref<!tpu.dma_semaphore, #tpu.memory_space<semaphore_mem>>
      %dma_start3A_95 = arith.constant 0 : i32
      %dma_start3A_96 = tpu.memref_slice %arg6[%arg0, %mul3A_2, %dma_start3A_95] : memref<2x10240x128xf32, #tpu.memory_space<hbm>> -> memref<1x640x128xf32, #tpu.memory_space<hbm>>
      %dma_start3A_97 = tpu.memref_squeeze %dma_start3A_96 : memref<1x640x128xf32, #tpu.memory_space<hbm>> -> memref<640x128xf32, #tpu.memory_space<hbm>>
      %dma_start3A_98 = arith.constant 0 : i32
      %dma_start3A_99 = tpu.memref_slice %arg7[%mul3A_2, %dma_start3A_98] : memref<10240x128xf32, #tpu.memory_space<vmem_shared>> -> memref<640x128xf32, #tpu.memory_space<vmem_shared>>
      tpu.enqueue_dma source(%dma_start3A_99 : memref<640x128xf32, #tpu.memory_space<vmem_shared>>) target(%dma_start3A_97 : memref<640x128xf32, #tpu.memory_space<hbm>>) target_semaphore(%run_scoped3A : memref<!tpu.dma_semaphore, #tpu.memory_space<semaphore_mem>>)
      %dma_wait3A_100 = arith.constant 0 : i32
      %dma_wait3A_101 = tpu.memref_slice %arg6[%arg0, %mul3A_2, %dma_wait3A_100] : memref<2x10240x128xf32, #tpu.memory_space<hbm>> -> memref<1x640x128xf32, #tpu.memory_space<hbm>>
      %dma_wait3A_102 = tpu.memref_squeeze %dma_wait3A_101 : memref<1x640x128xf32, #tpu.memory_space<hbm>> -> memref<640x128xf32, #tpu.memory_space<hbm>>
      %dma_wait3A_103 = arith.constant 0 : i32
      %dma_wait3A_104 = tpu.memref_slice %arg7[%mul3A_2, %dma_wait3A_103] : memref<10240x128xf32, #tpu.memory_space<vmem_shared>> -> memref<640x128xf32, #tpu.memory_space<vmem_shared>>
      tpu.wait_dma2 semaphore(%run_scoped3A : memref<!tpu.dma_semaphore, #tpu.memory_space<semaphore_mem>>) src(%dma_wait3A_104 : memref<640x128xf32, #tpu.memory_space<vmem_shared>>) dst(%dma_wait3A_102 : memref<640x128xf32, #tpu.memory_space<hbm>>)
      tpu.yield
    }) : () -> ()
    return
  }
}

module attributes {stable_mosaic.version = 14 : i64} {
  func.func @_tc_mm_body(%arg0: i32, %arg1: memref<1000x128xf32, #tpu.memory_space<vmem>>, %arg2: memref<128x128xf32, #tpu.memory_space<vmem>>, %arg3: memref<1000x128xf32, #tpu.memory_space<vmem>>) attributes {dimension_semantics = [#tpu.dimension_semantics<arbitrary>], iteration_bounds = array<i64: 10>, scalar_prefetch = 0 : i64, scratch_operands = 0 : i64, tpu.core_type = #tpu.core_type<tc>, window_params = [{transform_indices = @transform_0, window_bounds = array<i64: 1000, 128>}, {pipeline_mode = #tpu.pipeline_mode<synchronous>, transform_indices = @transform_1, window_bounds = array<i64: 128, 128>}, {transform_indices = @transform_2, window_bounds = array<i64: 1000, 128>}]} {
    %get3A = arith.constant 0 : index
    %get3A_0 = arith.constant 0 : index
    %get3A_1 = vector.load %arg1[%get3A, %get3A_0] : memref<1000x128xf32, #tpu.memory_space<vmem>>, vector<1000x128xf32>
    %get3A_2 = arith.constant 0 : index
    %get3A_3 = arith.constant 0 : index
    %get3A_4 = vector.load %arg2[%get3A_2, %get3A_3] : memref<128x128xf32, #tpu.memory_space<vmem>>, vector<128x128xf32>
    %dot_general3A = arith.constant dense<0.000000e+00> : vector<1000x128xf32>
    %dot_general3A_5 = tpu.matmul %get3A_1, %get3A_4, %dot_general3A {dimension_numbers = #tpu.dot_dimension_numbers<[1], [0], [0], [1], [0, 0, 1, 1], [], []>, transpose_lhs_hint = false} : vector<1000x128xf32>, vector<128x128xf32>, vector<1000x128xf32> -> vector<1000x128xf32>
    %swap3A = arith.constant 0 : index
    %swap3A_6 = arith.constant 0 : index
    %swap3A_7 = vector.load %arg3[%swap3A, %swap3A_6] : memref<1000x128xf32, #tpu.memory_space<vmem>>, vector<1000x128xf32>
    tpu.vector_store %arg3[%swap3A, %swap3A_6], %dot_general3A_5 {strides = array<i32>} : memref<1000x128xf32, #tpu.memory_space<vmem>>, vector<1000x128xf32>,
    return
  }
  func.func @transform_0(%arg0: i32) -> (i32, i32) {
    %c0_i32 = arith.constant 0 : i32
    %c0_i32_0 = arith.constant 0 : i32
    return %arg0, %c0_i32 : i32, i32
  }
  func.func @transform_1(%arg0: i32) -> (i32, i32) {
    %c0_i32 = arith.constant 0 : i32
    %c0_i32_0 = arith.constant 0 : i32
    %c0_i32_1 = arith.constant 0 : i32
    return %c0_i32, %c0_i32_0 : i32, i32
  }
  func.func @transform_2(%arg0: i32) -> (i32, i32) {
    %c0_i32 = arith.constant 0 : i32
    %c0_i32_0 = arith.constant 0 : i32
    return %arg0, %c0_i32 : i32, i32
  }
}

module attributes {stable_mosaic.version = 14 : i64} {
  func.func @_tc_degsum_body(%arg0: i32, %arg1: memref<32x2048xf32, #tpu.memory_space<vmem>>, %arg2: memref<1x2048xf32, #tpu.memory_space<vmem>>) attributes {dimension_semantics = [#tpu.dimension_semantics<arbitrary>], iteration_bounds = array<i64: 5>, scalar_prefetch = 0 : i64, scratch_operands = 0 : i64, tpu.core_type = #tpu.core_type<tc>, window_params = [{transform_indices = @transform_0, window_bounds = array<i64: 32, 2048>}, {transform_indices = @transform_1, window_bounds = array<i64: 1, 2048>}]} {
    %get3A = arith.constant 0 : index
    %get3A_0 = arith.constant 0 : index
    %get3A_1 = vector.load %arg1[%get3A, %get3A_0] : memref<32x2048xf32, #tpu.memory_space<vmem>>, vector<32x2048xf32>
    %reduce_sum3A = arith.constant dense<0.000000e+00> : vector<2048xf32>
    %reduce_sum3A_2 = vector.multi_reduction <add>, %get3A_1, %reduce_sum3A [0] : vector<32x2048xf32> to vector<2048xf32>
    %broadcast_in_dim3A = vector.shape_cast %reduce_sum3A_2 : vector<2048xf32> to vector<1x2048xf32>
    %swap3A = arith.constant 0 : index
    %swap3A_3 = arith.constant 0 : index
    %swap3A_4 = vector.load %arg2[%swap3A, %swap3A_3] : memref<1x2048xf32, #tpu.memory_space<vmem>>, vector<1x2048xf32>
    tpu.vector_store %arg2[%swap3A, %swap3A_3], %broadcast_in_dim3A {strides = array<i32>} : memref<1x2048xf32, #tpu.memory_space<vmem>>, vector<1x2048xf32>,
    return
  }
  func.func @transform_0(%arg0: i32) -> (i32, i32) {
    %c0_i32 = arith.constant 0 : i32
    %c0_i32_0 = arith.constant 0 : i32
    return %c0_i32, %arg0 : i32, i32
  }
  func.func @transform_1(%arg0: i32) -> (i32, i32) {
    %c0_i32 = arith.constant 0 : i32
    %c0_i32_0 = arith.constant 0 : i32
    return %c0_i32, %arg0 : i32, i32
  }
}

module attributes {stable_mosaic.version = 14 : i64} {
  func.func @_tc_prep_body(%arg0: i32, %arg1: memref<1000x128xf32, #tpu.memory_space<vmem>>, %arg2: memref<1000x1xf32, #tpu.memory_space<vmem>>, %arg3: memref<1000x128xf32, #tpu.memory_space<vmem>>, %arg4: memref<1000x1xf32, #tpu.memory_space<vmem>>) attributes {dimension_semantics = [#tpu.dimension_semantics<arbitrary>], iteration_bounds = array<i64: 10>, scalar_prefetch = 0 : i64, scratch_operands = 0 : i64, tpu.core_type = #tpu.core_type<tc>, window_params = [{transform_indices = @transform_0, window_bounds = array<i64: 1000, 128>}, {transform_indices = @transform_1, window_bounds = array<i64: 1000, 1>}, {transform_indices = @transform_2, window_bounds = array<i64: 1000, 128>}, {transform_indices = @transform_3, window_bounds = array<i64: 1000, 1>}]} {
    %get3A = arith.constant 0 : index
    %get3A_0 = arith.constant 0 : index
    %get3A_1 = vector.load %arg2[%get3A, %get3A_0] : memref<1000x1xf32, #tpu.memory_space<vmem>>, vector<1000x1xf32>
    %add3A = arith.constant 1.000000e+00 : f32
    %add3A_2 = vector.broadcast %add3A : f32 to vector<1000x1xf32>
    %add3A_3 = arith.addf %get3A_1, %add3A_2 : vector<1000x1xf32>
    %rsqrt3A = math.rsqrt %add3A_3 : vector<1000x1xf32>
    %get3A_4 = arith.constant 0 : index
    %get3A_5 = arith.constant 0 : index
    %get3A_6 = vector.load %arg1[%get3A_4, %get3A_5] : memref<1000x128xf32, #tpu.memory_space<vmem>>, vector<1000x128xf32>
    %mul3A = vector.broadcast %rsqrt3A : vector<1000x1xf32> to vector<1000x128xf32>
    %mul3A_7 = arith.mulf %get3A_6, %mul3A : vector<1000x128xf32>
    %swap3A = arith.constant 0 : index
    %swap3A_8 = arith.constant 0 : index
    %swap3A_9 = vector.load %arg3[%swap3A, %swap3A_8] : memref<1000x128xf32, #tpu.memory_space<vmem>>, vector<1000x128xf32>
    tpu.vector_store %arg3[%swap3A, %swap3A_8], %mul3A_7 {strides = array<i32>} : memref<1000x128xf32, #tpu.memory_space<vmem>>, vector<1000x128xf32>,
    %swap3A_10 = arith.constant 0 : index
    %swap3A_11 = arith.constant 0 : index
    %swap3A_12 = vector.load %arg4[%swap3A_10, %swap3A_11] : memref<1000x1xf32, #tpu.memory_space<vmem>>, vector<1000x1xf32>
    tpu.vector_store %arg4[%swap3A_10, %swap3A_11], %rsqrt3A {strides = array<i32>} : memref<1000x1xf32, #tpu.memory_space<vmem>>, vector<1000x1xf32>,
    return
  }
  func.func @transform_0(%arg0: i32) -> (i32, i32) {
    %c0_i32 = arith.constant 0 : i32
    %c0_i32_0 = arith.constant 0 : i32
    return %arg0, %c0_i32 : i32, i32
  }
  func.func @transform_1(%arg0: i32) -> (i32, i32) {
    %c0_i32 = arith.constant 0 : i32
    %c0_i32_0 = arith.constant 0 : i32
    return %arg0, %c0_i32 : i32, i32
  }
  func.func @transform_2(%arg0: i32) -> (i32, i32) {
    %c0_i32 = arith.constant 0 : i32
    %c0_i32_0 = arith.constant 0 : i32
    return %arg0, %c0_i32 : i32, i32
  }
  func.func @transform_3(%arg0: i32) -> (i32, i32) {
    %c0_i32 = arith.constant 0 : i32
    %c0_i32_0 = arith.constant 0 : i32
    return %arg0, %c0_i32 : i32, i32
  }
}

module attributes {stable_mosaic.version = 14 : i64} {
  func.func @_tc_fin_body(%arg0: i32, %arg1: memref<1x1000x128xf32, #tpu.memory_space<vmem>>, %arg2: memref<1x1000x128xf32, #tpu.memory_space<vmem>>, %arg3: memref<1000x1xf32, #tpu.memory_space<vmem>>, %arg4: memref<1x128xf32, #tpu.memory_space<vmem>>, %arg5: memref<1000x128xf32, #tpu.memory_space<vmem>>) attributes {dimension_semantics = [#tpu.dimension_semantics<arbitrary>], iteration_bounds = array<i64: 10>, scalar_prefetch = 0 : i64, scratch_operands = 0 : i64, tpu.core_type = #tpu.core_type<tc>, window_params = [{transform_indices = @transform_0, window_bounds = array<i64: 1, 1000, 128>}, {transform_indices = @transform_1, window_bounds = array<i64: 1, 1000, 128>}, {transform_indices = @transform_2, window_bounds = array<i64: 1000, 1>}, {pipeline_mode = #tpu.pipeline_mode<synchronous>, transform_indices = @transform_3, window_bounds = array<i64: 1, 128>}, {transform_indices = @transform_4, window_bounds = array<i64: 1000, 128>}]} {
    %get3A = arith.constant 0 : index
    %get3A_0 = arith.constant 0 : index
    %get3A_1 = arith.constant 0 : index
    %get3A_2 = vector.load %arg1[%get3A, %get3A_0, %get3A_1] : memref<1x1000x128xf32, #tpu.memory_space<vmem>>, vector<1x1000x128xf32>
    %get3A_3 = vector.shape_cast %get3A_2 : vector<1x1000x128xf32> to vector<1000x128xf32>
    %get3A_4 = arith.constant 0 : index
    %get3A_5 = arith.constant 0 : index
    %get3A_6 = arith.constant 0 : index
    %get3A_7 = vector.load %arg2[%get3A_4, %get3A_5, %get3A_6] : memref<1x1000x128xf32, #tpu.memory_space<vmem>>, vector<1x1000x128xf32>
    %get3A_8 = vector.shape_cast %get3A_7 : vector<1x1000x128xf32> to vector<1000x128xf32>
    %add3A = arith.addf %get3A_3, %get3A_8 : vector<1000x128xf32>
    %get3A_9 = arith.constant 0 : index
    %get3A_10 = arith.constant 0 : index
    %get3A_11 = vector.load %arg3[%get3A_9, %get3A_10] : memref<1000x1xf32, #tpu.memory_space<vmem>>, vector<1000x1xf32>
    %mul3A = vector.broadcast %get3A_11 : vector<1000x1xf32> to vector<1000x128xf32>
    %mul3A_12 = arith.mulf %add3A, %mul3A : vector<1000x128xf32>
    %get3A_13 = arith.constant 0 : index
    %get3A_14 = arith.constant 0 : index
    %get3A_15 = vector.load %arg4[%get3A_13, %get3A_14] : memref<1x128xf32, #tpu.memory_space<vmem>>, vector<1x128xf32>
    %add3A_16 = vector.broadcast %get3A_15 : vector<1x128xf32> to vector<1000x128xf32>
    %add3A_17 = arith.addf %mul3A_12, %add3A_16 : vector<1000x128xf32>
    %swap3A = arith.constant 0 : index
    %swap3A_18 = arith.constant 0 : index
    %swap3A_19 = vector.load %arg5[%swap3A, %swap3A_18] : memref<1000x128xf32, #tpu.memory_space<vmem>>, vector<1000x128xf32>
    tpu.vector_store %arg5[%swap3A, %swap3A_18], %add3A_17 {strides = array<i32>} : memref<1000x128xf32, #tpu.memory_space<vmem>>, vector<1000x128xf32>,
    return
  }
  func.func @transform_0(%arg0: i32) -> (i32, i32, i32) {
    %c0_i32 = arith.constant 0 : i32
    %c0_i32_0 = arith.constant 0 : i32
    %c0_i32_1 = arith.constant 0 : i32
    return %c0_i32, %arg0, %c0_i32_0 : i32, i32, i32
  }
  func.func @transform_1(%arg0: i32) -> (i32, i32, i32) {
    %c1_i32 = arith.constant 1 : i32
    %c0_i32 = arith.constant 0 : i32
    %c0_i32_0 = arith.constant 0 : i32
    return %c1_i32, %arg0, %c0_i32 : i32, i32, i32
  }
  func.func @transform_2(%arg0: i32) -> (i32, i32) {
    %c0_i32 = arith.constant 0 : i32
    %c0_i32_0 = arith.constant 0 : i32
    return %arg0, %c0_i32 : i32, i32
  }
  func.func @transform_3(%arg0: i32) -> (i32, i32) {
    %c0_i32 = arith.constant 0 : i32
    %c0_i32_0 = arith.constant 0 : i32
    %c0_i32_1 = arith.constant 0 : i32
    return %c0_i32, %c0_i32_0 : i32, i32
  }
  func.func @transform_4(%arg0: i32) -> (i32, i32) {
    %c0_i32 = arith.constant 0 : i32
    %c0_i32_0 = arith.constant 0 : i32
    return %arg0, %c0_i32 : i32, i32
  }
}

module attributes {stable_mosaic.version = 14 : i64} {
  func.func @_tc_mid_body(%arg0: i32, %arg1: memref<1x1000x128xf32, #tpu.memory_space<vmem>>, %arg2: memref<1x1000x128xf32, #tpu.memory_space<vmem>>, %arg3: memref<1000x1xf32, #tpu.memory_space<vmem>>, %arg4: memref<1x128xf32, #tpu.memory_space<vmem>>, %arg5: memref<128x128xf32, #tpu.memory_space<vmem>>, %arg6: memref<1000x128xf32, #tpu.memory_space<vmem>>) attributes {dimension_semantics = [#tpu.dimension_semantics<arbitrary>], iteration_bounds = array<i64: 10>, scalar_prefetch = 0 : i64, scratch_operands = 0 : i64, tpu.core_type = #tpu.core_type<tc>, window_params = [{transform_indices = @transform_0, window_bounds = array<i64: 1, 1000, 128>}, {transform_indices = @transform_1, window_bounds = array<i64: 1, 1000, 128>}, {transform_indices = @transform_2, window_bounds = array<i64: 1000, 1>}, {pipeline_mode = #tpu.pipeline_mode<synchronous>, transform_indices = @transform_3, window_bounds = array<i64: 1, 128>}, {pipeline_mode = #tpu.pipeline_mode<synchronous>, transform_indices = @transform_4, window_bounds = array<i64: 128, 128>}, {transform_indices = @transform_5, window_bounds = array<i64: 1000, 128>}]} {
    %get3A = arith.constant 0 : index
    %get3A_0 = arith.constant 0 : index
    %get3A_1 = vector.load %arg3[%get3A, %get3A_0] : memref<1000x1xf32, #tpu.memory_space<vmem>>, vector<1000x1xf32>
    %get3A_2 = arith.constant 0 : index
    %get3A_3 = arith.constant 0 : index
    %get3A_4 = arith.constant 0 : index
    %get3A_5 = vector.load %arg1[%get3A_2, %get3A_3, %get3A_4] : memref<1x1000x128xf32, #tpu.memory_space<vmem>>, vector<1x1000x128xf32>
    %get3A_6 = vector.shape_cast %get3A_5 : vector<1x1000x128xf32> to vector<1000x128xf32>
    %get3A_7 = arith.constant 0 : index
    %get3A_8 = arith.constant 0 : index
    %get3A_9 = arith.constant 0 : index
    %get3A_10 = vector.load %arg2[%get3A_7, %get3A_8, %get3A_9] : memref<1x1000x128xf32, #tpu.memory_space<vmem>>, vector<1x1000x128xf32>
    %get3A_11 = vector.shape_cast %get3A_10 : vector<1x1000x128xf32> to vector<1000x128xf32>
    %add3A = arith.addf %get3A_6, %get3A_11 : vector<1000x128xf32>
    %mul3A = vector.broadcast %get3A_1 : vector<1000x1xf32> to vector<1000x128xf32>
    %mul3A_12 = arith.mulf %add3A, %mul3A : vector<1000x128xf32>
    %get3A_13 = arith.constant 0 : index
    %get3A_14 = arith.constant 0 : index
    %get3A_15 = vector.load %arg4[%get3A_13, %get3A_14] : memref<1x128xf32, #tpu.memory_space<vmem>>, vector<1x128xf32>
    %add3A_16 = vector.broadcast %get3A_15 : vector<1x128xf32> to vector<1000x128xf32>
    %add3A_17 = arith.addf %mul3A_12, %add3A_16 : vector<1000x128xf32>
    %max3A = arith.constant 0.000000e+00 : f32
    %max3A_18 = vector.broadcast %max3A : f32 to vector<1000x128xf32>
    %max3A_19 = arith.maximumf %add3A_17, %max3A_18 : vector<1000x128xf32>
    %get3A_20 = arith.constant 0 : index
    %get3A_21 = arith.constant 0 : index
    %get3A_22 = vector.load %arg5[%get3A_20, %get3A_21] : memref<128x128xf32, #tpu.memory_space<vmem>>, vector<128x128xf32>
    %dot_general3A = arith.constant dense<0.000000e+00> : vector<1000x128xf32>
    %dot_general3A_23 = tpu.matmul %max3A_19, %get3A_22, %dot_general3A {dimension_numbers = #tpu.dot_dimension_numbers<[1], [0], [0], [1], [0, 0, 1, 1], [], []>, transpose_lhs_hint = false} : vector<1000x128xf32>, vector<128x128xf32>, vector<1000x128xf32> -> vector<1000x128xf32>
    %mul3A_24 = vector.broadcast %get3A_1 : vector<1000x1xf32> to vector<1000x128xf32>
    %mul3A_25 = arith.mulf %dot_general3A_23, %mul3A_24 : vector<1000x128xf32>
    %swap3A = arith.constant 0 : index
    %swap3A_26 = arith.constant 0 : index
    %swap3A_27 = vector.load %arg6[%swap3A, %swap3A_26] : memref<1000x128xf32, #tpu.memory_space<vmem>>, vector<1000x128xf32>
    tpu.vector_store %arg6[%swap3A, %swap3A_26], %mul3A_25 {strides = array<i32>} : memref<1000x128xf32, #tpu.memory_space<vmem>>, vector<1000x128xf32>,
    return
  }
  func.func @transform_0(%arg0: i32) -> (i32, i32, i32) {
    %c0_i32 = arith.constant 0 : i32
    %c0_i32_0 = arith.constant 0 : i32
    %c0_i32_1 = arith.constant 0 : i32
    return %c0_i32, %arg0, %c0_i32_0 : i32, i32, i32
  }
  func.func @transform_1(%arg0: i32) -> (i32, i32, i32) {
    %c1_i32 = arith.constant 1 : i32
    %c0_i32 = arith.constant 0 : i32
    %c0_i32_0 = arith.constant 0 : i32
    return %c1_i32, %arg0, %c0_i32 : i32, i32, i32
  }
  func.func @transform_2(%arg0: i32) -> (i32, i32) {
    %c0_i32 = arith.constant 0 : i32
    %c0_i32_0 = arith.constant 0 : i32
    return %arg0, %c0_i32 : i32, i32
  }
  func.func @transform_3(%arg0: i32) -> (i32, i32) {
    %c0_i32 = arith.constant 0 : i32
    %c0_i32_0 = arith.constant 0 : i32
    %c0_i32_1 = arith.constant 0 : i32
    return %c0_i32, %c0_i32_0 : i32, i32
  }
  func.func @transform_4(%arg0: i32) -> (i32, i32) {
    %c0_i32 = arith.constant 0 : i32
    %c0_i32_0 = arith.constant 0 : i32
    %c0_i32_1 = arith.constant 0 : i32
    return %c0_i32, %c0_i32_0 : i32, i32
  }
  func.func @transform_5(%arg0: i32) -> (i32, i32) {
    %c0_i32 = arith.constant 0 : i32
    %c0_i32_0 = arith.constant 0 : i32
    return %arg0, %c0_i32 : i32, i32
  }
}

</mosaic_0001>

<sc_bundles>
// kernel: kernel.12.cloned.1.call-start
scs
__scs_entry_jumppad:
0x0: {  	(pc) =	sbr.rel $0x88, $3  }
0x1: {  	(tag) =	ssettag $0x0;
	lr =	simm.s32 $0x1  }
0x2: {  	[smem:$0x3F99] =	sst lr;
	_ =	strace $0xD0000000  }
0x3: {  	_ = 	snop  }
0x4: {  	_ = 	snop  }
0x5: {  	_ = 	snop  }
0x6: {  	_ = 	snop  }
0x7: {  	_ = 	snop  }
__scs_overlays_trampoline_lowered:
0x8: {  	[smem:$0x3FA8] =	sst s0  }
0x9: {  	[smem:$0x3FA9] =	sst s1  }
0xa: {  	[smem:$0x3FAA] =	sst s2  }
0xb: {  	[smem:$0x3FAB] =	sst s3  }
0xc: {  	[smem:$0x3FAC] =	sst s4  }
0xd: {  	[smem:$0x3FAD] =	sst s5  }
0xe: {  	[smem:$0x3FAE] =	sst s6  }
0xf: {  	[smem:$0x3FAF] =	sst s7  }
0x10: {  	[smem:$0x3FB0] =	sst s8  }
0x11: {  	[smem:$0x3FB1] =	sst s9;
	s0 =	simm.s32 @!p0 $0x0  }
0x12: {  	s1 =	sld [smem:$0x3F97];
	s0 =	simm.s32 @p0 $0x1  }
0x13: {  	[smem:$0x3FB2] =	sst s0;
	s0 =	simm.s32 @!p1 $0x0  }
0x14: {  	s2 =	sld [smem:$0x3F96];
	s0 =	simm.s32 @p1 $0x1  }
0x15: {  	[smem:$0x3FB3] =	sst s0;
	s0 =	simm.s32 @!p2 $0x0  }
0x16: {  	s3 =	sld [smem:$0x3FDB];
	s0 =	simm.s32 @p2 $0x1  }
0x17: {  	s4 =	simm.s32 $0x1BF5;
	[smem:$0x3FB5] =	sst s0  }
0x18: {  	s0 =	sld [smem:$0x3F98];
	_ =	swait.ge [sflag:s4], $0x0  }
0x19: {  	s7 =	sld [smem:$0x3F99]  }
0x1a: {  	s8 =	sadd.s32 $0xFFFFE003, lr  }
0x1b: {  	s9 =	sadd.s32 $0xFFFFFEF7, lr;
	s5 =	simm.s32 $0xFFFFFFFF;
	p2 =	slt.u32 s8, $0xFFFFF086  }
0x1c: {  	p1 =	slt.u32 s9, $0xF7A;
	s5 =	simm.s32 @!p2 $0x0  }
0x1d: {  	s5 =	simm.s32 @p1 $0x1;
	p0 =	seq.s32 s7, s2  }
0x1e: {  	s7 =	smul.u32 @!p0 $0xF7A, s2;
	p2 =	seq.s32 @!p0 s5, $0x0  }
0x1f: {  	s9 =	smul.u32 $0xF7A, s1;
	s8 =	simm.s32 @!p0 $0x1BF5;
	p2 =	por !p2, p0  }
0x20: {  	[sflag:s8] =	ssyncset.s32 @!p0 $0xFFFFF086;
	s6 =	sadd.s32 @!p0 s3, s7;
	s7 =	simm.s32 @!p0 $0x108  }
0x21: {  	s3 =	sadd.s32 s3, s9;
	s6 =	sadd.s32 @!p0 $0x88, s6;
	s7 =	simm.s32 @p2 $0x1082  }
0x22: {  	[simem:s7], [sflag:s8] =	dma.local @!p0 [hbm:s6], $0xF7A  }
0x23: {  	s9 =	sor.u32 $0xD0000000, s2;
	s6 =	simm.s32 $0x108;
	_ =	swait.ge @!p0 [sflag:s8], $0x0  }
0x24: {  	s3 =	sadd.s32 $0x88, s3;
	s6 =	simm.s32 @!p1 $0x1082;
	[sflag:s4] =	ssyncset.s32 $0xFFFFF086  }
0x25: {  	[simem:s6], [sflag:s4] =	dma.local [hbm:s3], $0xF7A  }
0x26: {  	[smem:$0x3F99] =	sst s1;
	(tag) =	ssettag s2;
	_ =	strace s9  }
0x27: {  	s1 =	sld [smem:$0x3FA9]  }
0x28: {  	s2 =	sld [smem:$0x3FAA]  }
0x29: {  	s4 =	sld [smem:$0x3FAC]  }
0x2a: {  	p0 =	seq.s32 s5, $0x0;
	s5 =	sld [smem:$0x3FAD]  }
0x2b: {  	s6 =	sld [smem:$0x3FAE]  }
0x2c: {  	s7 =	sld [smem:$0x3FAF]  }
0x2d: {  	s3 =	simm.s32 $0x108;
	s8 =	sld [smem:$0x3FB0]  }
0x2e: {  	s3 =	simm.s32 @!p0 $0x1082;
	s9 =	sld [smem:$0x3FB1]  }
0x2f: {  	lr =	sadd.s32 s0, s3;
	s0 =	sld [smem:$0x3FA8]  }
0x30: {  	s3 =	sld [smem:$0x3FAB]  }
0x31: {  	[smem:$0x3FB4] =	sst s10  }
0x32: {  	s10 =	sld [smem:$0x3FB2];
	_ =	sdelay $0x3  }
0x33: {  	p0 =	seq.s32 s10, $0x1;
	s10 =	sld [smem:$0x3FB4];
	_ =	sdelay $0x3  }
0x34: {  	[smem:$0x3FB4] =	sst s10  }
0x35: {  	s10 =	sld [smem:$0x3FB3];
	_ =	sdelay $0x3  }
0x36: {  	p1 =	seq.s32 s10, $0x1;
	s10 =	sld [smem:$0x3FB4];
	_ =	sdelay $0x3  }
0x37: {  	[smem:$0x3FB4] =	sst s10  }
0x38: {  	s10 =	sld [smem:$0x3FB5]  }
0x39: {  	_ = 	snop;
	(pc) =	sbr.ind lr, $3  }
0x3a: {  	_ = 	snop  }
0x3b: {  	_ = 	snop  }
0x3c: {  	p2 =	seq.s32 s10, $0x1;
	s10 =	sld [smem:$0x3FB4]  }
0x3d: {  	_ =	shalt  }
0x3e: {  	_ =	shalt  }
0x3f: {  	_ =	shalt  }
0x40: {  	_ =	shalt  }
0x41: {  	_ =	shalt  }
0x42: {  	_ =	shalt  }
0x43: {  	_ =	shalt  }
0x44: {  	_ =	shalt  }
0x45: {  	_ =	shalt  }
0x46: {  	_ =	shalt  }
0x47: {  	_ =	shalt  }
0x48: {  	_ =	shalt  }
0x49: {  	_ =	shalt  }
0x4a: {  	_ =	shalt  }
0x4b: {  	_ =	shalt  }
0x4c: {  	_ =	shalt  }
0x4d: {  	_ =	shalt  }
0x4e: {  	_ =	shalt  }
0x4f: {  	_ =	shalt  }
0x50: {  	_ =	shalt  }
0x51: {  	_ =	shalt  }
0x52: {  	_ =	shalt  }
0x53: {  	_ =	shalt  }
0x54: {  	_ =	shalt  }
0x55: {  	_ =	shalt  }
0x56: {  	_ =	shalt  }
0x57: {  	_ =	shalt  }
0x58: {  	_ =	shalt  }
0x59: {  	_ =	shalt  }
0x5a: {  	_ =	shalt  }
0x5b: {  	_ =	shalt  }
0x5c: {  	_ =	shalt  }
0x5d: {  	_ =	shalt  }
0x5e: {  	_ =	shalt  }
0x5f: {  	_ =	shalt  }
0x60: {  	_ =	shalt  }
0x61: {  	_ =	shalt  }
0x62: {  	_ =	shalt  }
0x63: {  	_ =	shalt  }
0x64: {  	_ =	shalt  }
0x65: {  	_ =	shalt  }
0x66: {  	_ =	shalt  }
0x67: {  	_ =	shalt  }
0x68: {  	_ =	shalt  }
0x69: {  	_ =	shalt  }
0x6a: {  	_ =	shalt  }
0x6b: {  	_ =	shalt  }
0x6c: {  	_ =	shalt  }
0x6d: {  	_ =	shalt  }
0x6e: {  	_ =	shalt  }
0x6f: {  	_ =	shalt  }
0x70: {  	_ =	shalt  }
0x71: {  	_ =	shalt  }
0x72: {  	_ =	shalt  }
0x73: {  	_ =	shalt  }
0x74: {  	_ =	shalt  }
0x75: {  	_ =	shalt  }
0x76: {  	_ =	shalt  }
0x77: {  	_ =	shalt  }
0x78: {  	_ =	shalt  }
0x79: {  	_ =	shalt  }
0x7a: {  	_ =	shalt  }
0x7b: {  	_ =	shalt  }
0x7c: {  	_ =	shalt  }
0x7d: {  	_ =	shalt  }
0x7e: {  	_ =	shalt  }
0x7f: {  	_ =	shalt  }
0x80: {  	_ =	shalt  }
0x81: {  	_ =	shalt  }
0x82: {  	_ =	shalt  }
0x83: {  	_ =	shalt  }
0x84: {  	_ =	shalt  }
0x85: {  	_ =	shalt  }
0x86: {  	_ =	shalt  }
0x87: {  	_ =	shalt  }
.Lfunc_end0:
.L_simem_size_0:
called_computation_lowered:
.L_overlay_start_0:
0x88: {  	s2 =	sld [smem:$0x3FD9]  }
0x89: {  	s3 =	sld [smem:$0x3FFE];
	_ =	sdelay $0x1  }
0x8a: {  	s1 =	srdreg.scid  }
0x8b: {  	s0 =	sand.u32 $0x1, s1  }
0x8c: {  	s16 =	sshll.u32 s0, $0xA;
	s2 =	sadd.s32 s3, s2  }
0x8d: {  	s2 =	sadd.s32 s2, s16  }
0x8e: {  	[smem:$0x3FC0] =	sst s2  }
0x8f: {  	_ = 	snop  }
0x90: {  	(tm) =	ssettm $0x1  }
0x91: {  	s17 =	sld [smem:$0x3FFB];
	_ =	sdelay $0x3  }
0x92: {  	_ =	strace s17  }
0x93: {  	s2 =	sld [smem:$0x3FFC];
	_ =	sdelay $0x3  }
0x94: {  	_ =	strace s2  }
0x95: {  	s2 =	sld [smem:$0x3FFD];
	_ =	sdelay $0x3  }
0x96: {  	_ =	strace s2  }
0x97: {  	_ =	strace $0x8FFFFFFF  }
0x98: {  	s18 =	sld [smem:$0x3FDB];
	_ =	sdelay $0x1  }
0x99: {  	s19 =	simm.s32 $_scs_section_size  }
0x9a: {  	s4 =	simm.s32 $_size__tile_overlayer_lowered;
	s5 =	simm.s32 $_tile_overlayer_lowered  }
0x9b: {  	s22 =	simm.s32 $0x1BFF;
	s21 =	sshll.u32 s5, $0x1;
	s2 =	sadd.s32 s19, s18  }
0x9c: {  	s6 =	simm.s32 $0x0;
	s20 =	sshll.u32 s4, $0x1;
	s4 =	sadd.s32 s21, s2  }
0x9d: {  	[timem:s6], [sflag:s22] =	dma.local [hbm:s4], s20  }
0x9e: {  	_ =	swait.ge [sflag:s22], s20  }
0x9f: {  	s3 =	ssub.s32 $0x0, s20;
	[sflag:s22] =	ssyncset.done $0x0  }
0xa0: {  	[sflag:s22] =	ssyncadd.s32 s3;
	_ =	sdelay $0x1  }
0xa1: {  	s23 =	simm.s32 $0x1B8B  }
0xa2: {  	_ =	swait.ge [sflag:s23], $0x1  }
0xa3: {  	[sflag:s23] =	ssyncset.done $0x0  }
0xa4: {  	s25 =	simm.s32 $0x1B8E;
	s24 =	sld [smem:$0x3FFE];
	[sflag:s23] =	ssyncadd.s32 $0xFFFFFFFF  }
0xa5: {  	s26 =	simm.s32 $execute0_lowered;
	[smem:$0x3FD2] =	sst s25  }
0xa6: {  	s4 =	sshll.u32 s26, $0x1;
	_ =	strace $0x80000046;
	[dreg:$0x1] =	wrdreg $0xFFFFFFFF  }
0xa7: {  	s28 =	simm.s32 $_size_execute0_lowered;
	s2 =	sadd.s32 s2, s4;
	[dreg:$0x0] =	wrdreg $0x0  }
0xa8: {  	s4 =	sshll.u32 s28, $0x1;
	[dreg:$0x2] =	wrdreg s2  }
0xa9: {  	[dreg:$0x3] =	wrdreg s4  }
0xaa: {  	[dreg:$0x4] =	wrdreg $0xC0  }
0xab: {  	_ =	task [dreg:s6], $0x5FFFF  }
0xac: {  	[dreg:$0x1] =	wrdreg $0xFFFFFFFF  }
0xad: {  	[dreg:$0x0] =	wrdreg $0x60  }
0xae: {  	[dreg:$0x2] =	wrdreg s24  }
0xaf: {  	[dreg:$0x3] =	wrdreg $0x9  }
0xb0: {  	_ =	task.clear_ibuf [dreg:s6], $0x4FFFF;
	_ =	strace $0x90000046  }
0xb1: {  	s29 =	simm.s32 $0x9;
	_ =	strace $0x80000048  }
0xb2: {  	_ =	swait.ge [sflag:s29], $0x1  }
0xb3: {  	[sflag:s29] =	ssyncadd.s32 $0xFFFFFFFF  }
0xb4: {  	_ =	strace $0x90000048  }
0xb5: {  	_ =	sfence  }
0xb6: {  	s30 =	sld [smem:$0x0];
	_ =	sdelay $0x2  }
0xb7: {  	s31 =	sshll.u32 s1, $0xD;
	s1 =	sshrl.u32 s1, $0x2  }
0xb8: {  	s3 =	sand.u32 $0x4000, s31;
	s1 =	sadd.s32 s1, s30  }
0xb9: {  	s0 =	sor.u32 s3, s0;
	s1 =	sshll.u32 s1, $0x11  }
0xba: {  	s0 =	sor.u32 s1, s0  }
0xbb: {  	s0 =	sadd.s32 $0x8F2B, s0  }
0xbc: {  	[sflag:s0] =	ssyncadd.remote.s32 $0x1  }
0xbd: {  	_ =	sfence.sel $0xFFFF  }
0xbe: {  	[dreg:$0x0] =	wrdreg $0xFFFFFFFF;
	(pc) =	sbr.abs _section_cstart, $3  }
0xbf: {  	[dreg:$0x1] =	wrdreg $0xFFFFFFFF  }
0xc0: {  	_ =	task.clear_ibuf [dreg:s6], $0x2FFFF;
	_ =	strace $0x9FFFFFFF  }
0xc1: {  	(tm) =	ssettm $0x7FFFFFFF  }
tec
execute0_lowered:
.L_overlay_start_1:
0x0: {  	(tag) =	ssettag $0x1  }
0x1: {  	s0 =	srdreg.scid  }
0x2: {  	s4 =	rddreg [dreg:$0x0];
	s3 =	sand.u32 $0x1, s0  }
0x3: {  	s1 =	stileid.u32;
	s7 =	simm.s32 $0x1;
	s2 =	sshll.u32 s3, $0x4  }
0x4: {  	s0 =	rddreg [dreg:$0x1];
	s3 =	ssub.s32 $0x2, s3;
	s5 =	sor.u32 s1, s2  }
0x5: {  	s2 =	simm.s32 $0x0;
	s6 =	sshrl.u32 s3, $0x1;
	s5 =	smul.u32 $0x500, s5  }
0x6: {  	s8 =	simm.s32 $0x0;
	[smem:$0x7FF] =	sst s2;
	s31 =	ssub.s32 s3, s6  }
0x7: {  	s6 =	simm.s32 $0x2800;
	_ =	strace $0x80000047;
	s4 =	sadd.s32 s5, s4  }
0x8: {  	v0 =	vimm.f32 $0.0e+00;
	s5 =	smax.u32 s31, $0x1;
	s3 =	sadd.s32 $0x2C00, s4;
	s4 =	sadd.s32 $0xCC00, s4  }
.LBB2_1:
0x9: {  	[tilespmem:s6], [sflag:$0x1] =	stream.linear.gather [hbm4b:s3+s2], $0x2800, $0x38;
	[tilespmem:$0x5000] =	vst v63  }
0xa: {  	_ =	swait.ge [sflag:s7], $0x2800  }
0xb: {  	[sflag:s7] =	ssyncset.done $0x0  }
0xc: {  	s9 =	simm.s32 $0x0;
	[sflag:s7] =	ssyncadd.s32 $0xFFFFD800  }
.LBB2_2:
0xd: {  	p0 =	sne.s32 s9, $0x9FC0  }
.Ltmp0:
0xe: {  	_ = 	snop;
	(pc) =	sbr.rel @p0 .LBB2_2-.Ltmp0, $3  }
0xf: {  	_ =	sdelay $0x1  }
0x10: {  	s10 =	sshra.s32 s9, $0x2  }
0x11: {  	s9 =	sadd.s32 $0x40, s9;
	[tilespmem:s10+$0x0] =	vst v0  }
0x12: {  	s10 =	simm.s32 $0x0;
	s9 =	simm.s32 $0x40  }
.LBB2_4:
0x13: {  	p0 =	sne.s32 s9, $0x9FC0;
	v1 =	vld [tilespmem:s10+$0x2800];
	_ =	sdelay $0x4  }
0x14: {  	(xrf1) =	vunique.msk.u32 $0xffff, v1;
	_ =	sdelay $0xd  }
0x15: {  	_, v2, vm0 =	vpop (xrf1);
	_ =	sdelay $0x1  }
.Ltmp1:
0x16: {  	(pc) =	sbr.rel @p0 .LBB2_4-.Ltmp1, $3  }
0x17: {  	_ = 	snop  }
0x18: {  	v2 =	vcvt.s32.f32 v2;
	_ =	sdelay $0x1  }
0x19: {  	s10 =	sshra.s32 s9, $0x2;
	s9 =	sadd.s32 $0x40, s9;
	[tilespmem:v1+s2+$0x0] =	vst.idx.add.f32.msk vm0, v2  }
0x1a: {  	v1 =	vld [tilespmem:s10+$0x2800];
	_ =	sdelay $0x4  }
0x1b: {  	(xrf1) =	vunique.msk.u32 $0xffff, v1;
	_ =	sdelay $0xd  }
0x1c: {  	_, v2, vm0 =	vpop (xrf1);
	_ =	sdelay $0x3  }
0x1d: {  	s8 =	sadd.s32 $0x1, s8;
	v2 =	vcvt.s32.f32 v2  }
0x1e: {  	p0 =	sne.s32 s8, s5  }
.Ltmp2:
0x1f: {  	[tilespmem:v1+s2+$0x0] =	vst.idx.add.f32.msk vm0, v2;
	(pc) =	sbr.rel @p0 .LBB2_1-.Ltmp2, $4  }
0x20: {  	[hbm4b:s4+s2] =	stream.linear.scatter [tilespmem:s2], [sflag:$0x1], $0x2800, $0x38;
	[tilespmem:$0x5000] =	vst v63  }
0x21: {  	_ =	swait.ge [sflag:s7], $0x2800  }
0x22: {  	[sflag:s7] =	ssyncset.done $0x0  }
0x23: {  	[sflag:s7] =	ssyncadd.s32 $0xFFFFD800  }
0x24: {  	_ =	sfence.sel $0x180000  }
0x25: {  	[bflag:$0x0] =	sbarrier.arrive $0xFFFF  }
0x26: {  	p0 =	sne.s32 s1, $0x0;
	_ =	strace $0x90000047  }
0x27: {  	s0 =	sadd.s32 @!p0 $0x100000, s0;
	[bflag:$0x2] =	sbarrier.arrive $0xFFFF  }
0x28: {  	[sflag:s0] =	ssyncadd.tile.s32 @!p0 $0x1;
	_ =	shalt  }
.Lfunc_end2:
_tile_overlayer_lowered:
.L_overlay_start_2:
0x29: {  	(tag) =	ssettag $0x2  }
0x2a: {  	s0 =	rddreg [dreg:$0x0];
	s2 =	stileid.u32  }
0x2b: {  	s1 =	rddreg [dreg:$0x1];
	p0 =	sne.s32 s2, $0x0  }
0x2c: {  	s3 =	rddreg [dreg:$0x2];
	[bflag:$0x3] =	sbarrier.arrive $0xFFFF;
	s2 =	simm.s32 @!p0 $0x1C01  }
0x2d: {  	[timem:s3], [sflag:s2] =	dma.local @!p0 [hbm:s0], s1  }
0x2e: {  	s0 =	simm.s32 @!p0 $0x1  }
0x2f: {  	_ =	swait.ge @!p0 [sflag:s0], s1  }
0x30: {  	s1 =	ssub.s32 @!p0 $0x0, s1;
	[sflag:s0] =	ssyncset.done @!p0 $0x0  }
0x31: {  	[sflag:s0] =	ssyncadd.s32 @!p0 s1  }
0x32: {  	[bflag:$0x3] =	sbarrier.arrive $0xFFFF  }
0x33: {  	_ =	shalt  }

// kernel: kernel.15.cloned.1.call-start
scs
__scs_entry_jumppad:
0x0: {  	(pc) =	sbr.rel $0x88, $3  }
0x1: {  	(tag) =	ssettag $0x0;
	lr =	simm.s32 $0x1  }
0x2: {  	[smem:$0x3F99] =	sst lr;
	_ =	strace $0xD0000000  }
0x3: {  	_ = 	snop  }
0x4: {  	_ = 	snop  }
0x5: {  	_ = 	snop  }
0x6: {  	_ = 	snop  }
0x7: {  	_ = 	snop  }
__scs_overlays_trampoline_lowered:
0x8: {  	[smem:$0x3FA8] =	sst s0  }
0x9: {  	[smem:$0x3FA9] =	sst s1  }
0xa: {  	[smem:$0x3FAA] =	sst s2  }
0xb: {  	[smem:$0x3FAB] =	sst s3  }
0xc: {  	[smem:$0x3FAC] =	sst s4  }
0xd: {  	[smem:$0x3FAD] =	sst s5  }
0xe: {  	[smem:$0x3FAE] =	sst s6  }
0xf: {  	[smem:$0x3FAF] =	sst s7  }
0x10: {  	[smem:$0x3FB0] =	sst s8  }
0x11: {  	[smem:$0x3FB1] =	sst s9;
	s0 =	simm.s32 @!p0 $0x0  }
0x12: {  	s1 =	sld [smem:$0x3F97];
	s0 =	simm.s32 @p0 $0x1  }
0x13: {  	[smem:$0x3FB2] =	sst s0;
	s0 =	simm.s32 @!p1 $0x0  }
0x14: {  	s2 =	sld [smem:$0x3F96];
	s0 =	simm.s32 @p1 $0x1  }
0x15: {  	[smem:$0x3FB3] =	sst s0;
	s0 =	simm.s32 @!p2 $0x0  }
0x16: {  	s3 =	sld [smem:$0x3FDB];
	s0 =	simm.s32 @p2 $0x1  }
0x17: {  	s4 =	simm.s32 $0x1BF5;
	[smem:$0x3FB5] =	sst s0  }
0x18: {  	s0 =	sld [smem:$0x3F98];
	_ =	swait.ge [sflag:s4], $0x0  }
0x19: {  	s7 =	sld [smem:$0x3F99]  }
0x1a: {  	s8 =	sadd.s32 $0xFFFFE003, lr  }
0x1b: {  	s9 =	sadd.s32 $0xFFFFFEF7, lr;
	s5 =	simm.s32 $0xFFFFFFFF;
	p2 =	slt.u32 s8, $0xFFFFF086  }
0x1c: {  	p1 =	slt.u32 s9, $0xF7A;
	s5 =	simm.s32 @!p2 $0x0  }
0x1d: {  	s5 =	simm.s32 @p1 $0x1;
	p0 =	seq.s32 s7, s2  }
0x1e: {  	s7 =	smul.u32 @!p0 $0xF7A, s2;
	p2 =	seq.s32 @!p0 s5, $0x0  }
0x1f: {  	s9 =	smul.u32 $0xF7A, s1;
	s8 =	simm.s32 @!p0 $0x1BF5;
	p2 =	por !p2, p0  }
0x20: {  	[sflag:s8] =	ssyncset.s32 @!p0 $0xFFFFF086;
	s6 =	sadd.s32 @!p0 s3, s7;
	s7 =	simm.s32 @!p0 $0x108  }
0x21: {  	s3 =	sadd.s32 s3, s9;
	s6 =	sadd.s32 @!p0 $0x88, s6;
	s7 =	simm.s32 @p2 $0x1082  }
0x22: {  	[simem:s7], [sflag:s8] =	dma.local @!p0 [hbm:s6], $0xF7A  }
0x23: {  	s9 =	sor.u32 $0xD0000000, s2;
	s6 =	simm.s32 $0x108;
	_ =	swait.ge @!p0 [sflag:s8], $0x0  }
0x24: {  	s3 =	sadd.s32 $0x88, s3;
	s6 =	simm.s32 @!p1 $0x1082;
	[sflag:s4] =	ssyncset.s32 $0xFFFFF086  }
0x25: {  	[simem:s6], [sflag:s4] =	dma.local [hbm:s3], $0xF7A  }
0x26: {  	[smem:$0x3F99] =	sst s1;
	(tag) =	ssettag s2;
	_ =	strace s9  }
0x27: {  	s1 =	sld [smem:$0x3FA9]  }
0x28: {  	s2 =	sld [smem:$0x3FAA]  }
0x29: {  	s4 =	sld [smem:$0x3FAC]  }
0x2a: {  	p0 =	seq.s32 s5, $0x0;
	s5 =	sld [smem:$0x3FAD]  }
0x2b: {  	s6 =	sld [smem:$0x3FAE]  }
0x2c: {  	s7 =	sld [smem:$0x3FAF]  }
0x2d: {  	s3 =	simm.s32 $0x108;
	s8 =	sld [smem:$0x3FB0]  }
0x2e: {  	s3 =	simm.s32 @!p0 $0x1082;
	s9 =	sld [smem:$0x3FB1]  }
0x2f: {  	lr =	sadd.s32 s0, s3;
	s0 =	sld [smem:$0x3FA8]  }
0x30: {  	s3 =	sld [smem:$0x3FAB]  }
0x31: {  	[smem:$0x3FB4] =	sst s10  }
0x32: {  	s10 =	sld [smem:$0x3FB2];
	_ =	sdelay $0x3  }
0x33: {  	p0 =	seq.s32 s10, $0x1;
	s10 =	sld [smem:$0x3FB4];
	_ =	sdelay $0x3  }
0x34: {  	[smem:$0x3FB4] =	sst s10  }
0x35: {  	s10 =	sld [smem:$0x3FB3];
	_ =	sdelay $0x3  }
0x36: {  	p1 =	seq.s32 s10, $0x1;
	s10 =	sld [smem:$0x3FB4];
	_ =	sdelay $0x3  }
0x37: {  	[smem:$0x3FB4] =	sst s10  }
0x38: {  	s10 =	sld [smem:$0x3FB5]  }
0x39: {  	_ = 	snop;
	(pc) =	sbr.ind lr, $3  }
0x3a: {  	_ = 	snop  }
0x3b: {  	_ = 	snop  }
0x3c: {  	p2 =	seq.s32 s10, $0x1;
	s10 =	sld [smem:$0x3FB4]  }
0x3d: {  	_ =	shalt  }
0x3e: {  	_ =	shalt  }
0x3f: {  	_ =	shalt  }
0x40: {  	_ =	shalt  }
0x41: {  	_ =	shalt  }
0x42: {  	_ =	shalt  }
0x43: {  	_ =	shalt  }
0x44: {  	_ =	shalt  }
0x45: {  	_ =	shalt  }
0x46: {  	_ =	shalt  }
0x47: {  	_ =	shalt  }
0x48: {  	_ =	shalt  }
0x49: {  	_ =	shalt  }
0x4a: {  	_ =	shalt  }
0x4b: {  	_ =	shalt  }
0x4c: {  	_ =	shalt  }
0x4d: {  	_ =	shalt  }
0x4e: {  	_ =	shalt  }
0x4f: {  	_ =	shalt  }
0x50: {  	_ =	shalt  }
0x51: {  	_ =	shalt  }
0x52: {  	_ =	shalt  }
0x53: {  	_ =	shalt  }
0x54: {  	_ =	shalt  }
0x55: {  	_ =	shalt  }
0x56: {  	_ =	shalt  }
0x57: {  	_ =	shalt  }
0x58: {  	_ =	shalt  }
0x59: {  	_ =	shalt  }
0x5a: {  	_ =	shalt  }
0x5b: {  	_ =	shalt  }
0x5c: {  	_ =	shalt  }
0x5d: {  	_ =	shalt  }
0x5e: {  	_ =	shalt  }
0x5f: {  	_ =	shalt  }
0x60: {  	_ =	shalt  }
0x61: {  	_ =	shalt  }
0x62: {  	_ =	shalt  }
0x63: {  	_ =	shalt  }
0x64: {  	_ =	shalt  }
0x65: {  	_ =	shalt  }
0x66: {  	_ =	shalt  }
0x67: {  	_ =	shalt  }
0x68: {  	_ =	shalt  }
0x69: {  	_ =	shalt  }
0x6a: {  	_ =	shalt  }
0x6b: {  	_ =	shalt  }
0x6c: {  	_ =	shalt  }
0x6d: {  	_ =	shalt  }
0x6e: {  	_ =	shalt  }
0x6f: {  	_ =	shalt  }
0x70: {  	_ =	shalt  }
0x71: {  	_ =	shalt  }
0x72: {  	_ =	shalt  }
0x73: {  	_ =	shalt  }
0x74: {  	_ =	shalt  }
0x75: {  	_ =	shalt  }
0x76: {  	_ =	shalt  }
0x77: {  	_ =	shalt  }
0x78: {  	_ =	shalt  }
0x79: {  	_ =	shalt  }
0x7a: {  	_ =	shalt  }
0x7b: {  	_ =	shalt  }
0x7c: {  	_ =	shalt  }
0x7d: {  	_ =	shalt  }
0x7e: {  	_ =	shalt  }
0x7f: {  	_ =	shalt  }
0x80: {  	_ =	shalt  }
0x81: {  	_ =	shalt  }
0x82: {  	_ =	shalt  }
0x83: {  	_ =	shalt  }
0x84: {  	_ =	shalt  }
0x85: {  	_ =	shalt  }
0x86: {  	_ =	shalt  }
0x87: {  	_ =	shalt  }
.Lfunc_end0:
.L_simem_size_0:
called_computation.1_lowered:
.L_overlay_start_0:
0x88: {  	s2 =	sld [smem:$0x3FD9]  }
0x89: {  	s3 =	sld [smem:$0x3FFE];
	_ =	sdelay $0x1  }
0x8a: {  	s1 =	srdreg.scid  }
0x8b: {  	s0 =	sand.u32 $0x1, s1  }
0x8c: {  	s17 =	sshll.u32 s0, $0xA;
	s2 =	sadd.s32 s3, s2  }
0x8d: {  	s2 =	sadd.s32 s2, s17  }
0x8e: {  	[smem:$0x3FC0] =	sst s2  }
0x8f: {  	_ = 	snop  }
0x90: {  	s2 =	sld [smem:$0x3FD0];
	(tm) =	ssettm $0x1  }
0x91: {  	s18 =	sld [smem:$0x3FFB];
	_ =	sdelay $0x3  }
0x92: {  	_ =	strace s18  }
0x93: {  	s3 =	sld [smem:$0x3FFC];
	_ =	sdelay $0x3  }
0x94: {  	_ =	strace s3  }
0x95: {  	s3 =	sld [smem:$0x3FFD];
	_ =	sdelay $0x3  }
0x96: {  	_ =	strace s3  }
0x97: {  	_ =	strace $0x8FFFFFFF  }
0x98: {  	s19 =	sld [smem:$0x3FDB];
	_ =	sdelay $0x1  }
0x99: {  	s4 =	simm.s32 $_scs_section_size  }
0x9a: {  	s5 =	simm.s32 $_size__tile_overlayer_lowered;
	s6 =	simm.s32 $_tile_overlayer_lowered  }
0x9b: {  	s22 =	simm.s32 $0x1BFF;
	s21 =	sshll.u32 s6, $0x1;
	s3 =	sadd.s32 s4, s19  }
0x9c: {  	s7 =	simm.s32 $0x0;
	s20 =	sshll.u32 s5, $0x1;
	s5 =	sadd.s32 s21, s3  }
0x9d: {  	[timem:s7], [sflag:s22] =	dma.local [hbm:s5], s20  }
0x9e: {  	_ =	swait.ge [sflag:s22], s20  }
0x9f: {  	s4 =	ssub.s32 $0x0, s20;
	[sflag:s22] =	ssyncset.done $0x0  }
0xa0: {  	[sflag:s22] =	ssyncadd.s32 s4;
	_ =	sdelay $0x1  }
0xa1: {  	s23 =	simm.s32 $0x1B8B  }
0xa2: {  	_ =	swait.ge [sflag:s23], $0x1  }
0xa3: {  	[sflag:s23] =	ssyncset.done $0x0  }
0xa4: {  	s25 =	simm.s32 $0x1B8E;
	s24 =	sld [smem:$0x3FFE];
	[sflag:s23] =	ssyncadd.s32 $0xFFFFFFFF  }
0xa5: {  	s26 =	simm.s32 $execute0_lowered;
	[smem:$0x3FD2] =	sst s25  }
0xa6: {  	s5 =	sshll.u32 s26, $0x1;
	_ =	strace $0x80000049;
	[dreg:$0x1] =	wrdreg $0xFFFFFFFF  }
0xa7: {  	s28 =	simm.s32 $_size_execute0_lowered;
	s3 =	sadd.s32 s3, s5;
	[dreg:$0x0] =	wrdreg $0x0  }
0xa8: {  	s5 =	sshll.u32 s28, $0x1;
	[dreg:$0x2] =	wrdreg s3  }
0xa9: {  	[dreg:$0x3] =	wrdreg s5  }
0xaa: {  	[dreg:$0x4] =	wrdreg $0xC0  }
0xab: {  	_ =	task [dreg:s7], $0x5FFFF  }
0xac: {  	[dreg:$0x1] =	wrdreg $0xFFFFFFFF  }
0xad: {  	[dreg:$0x0] =	wrdreg $0x60  }
0xae: {  	[dreg:$0x2] =	wrdreg s24  }
0xaf: {  	[dreg:$0x3] =	wrdreg s2  }
0xb0: {  	[dreg:$0x4] =	wrdreg $0x0  }
0xb1: {  	[dreg:$0x5] =	wrdreg $0x9  }
0xb2: {  	_ =	task.clear_ibuf [dreg:s7], $0x6FFFF;
	_ =	strace $0x90000049  }
0xb3: {  	s29 =	simm.s32 $0x9;
	_ =	strace $0x8000004B  }
0xb4: {  	_ =	swait.ge [sflag:s29], $0x1  }
0xb5: {  	[sflag:s29] =	ssyncadd.s32 $0xFFFFFFFF  }
0xb6: {  	_ =	strace $0x9000004B  }
0xb7: {  	_ =	sfence  }
0xb8: {  	s30 =	sld [smem:$0x0];
	_ =	sdelay $0x2  }
0xb9: {  	s31 =	sshll.u32 s1, $0xD;
	s1 =	sshrl.u32 s1, $0x2  }
0xba: {  	s3 =	sand.u32 $0x4000, s31;
	s1 =	sadd.s32 s1, s30  }
0xbb: {  	s0 =	sor.u32 s3, s0;
	s1 =	sshll.u32 s1, $0x11  }
0xbc: {  	s0 =	sor.u32 s1, s0  }
0xbd: {  	s0 =	sadd.s32 $0x8F2B, s0  }
0xbe: {  	[sflag:s0] =	ssyncadd.remote.s32 $0x1  }
0xbf: {  	_ =	sfence.sel $0xFFFF  }
0xc0: {  	[dreg:$0x0] =	wrdreg $0xFFFFFFFF;
	(pc) =	sbr.abs _section_cstart, $3  }
0xc1: {  	[dreg:$0x1] =	wrdreg $0xFFFFFFFF  }
0xc2: {  	_ =	task.clear_ibuf [dreg:s7], $0x2FFFF;
	_ =	strace $0x9FFFFFFF  }
0xc3: {  	(tm) =	ssettm $0x7FFFFFFF  }
tec
execute0_lowered:
.L_overlay_start_1:
0x0: {  	(tag) =	ssettag $0x1  }
0x1: {  	s5 =	rddreg [dreg:$0x0]  }
0x2: {  	s7 =	rddreg [dreg:$0x1]  }
0x3: {  	s1 =	rddreg [dreg:$0x2]  }
0x4: {  	s2 =	srdreg.scid;
	s0 =	rddreg [dreg:$0x3];
	s3 =	simm.s32 $0x0  }
0x5: {  	s17 =	simm.s32 $0x16800;
	s18 =	simm.s32 $0x16780;
	s19 =	simm.s32 $0x4  }
0x6: {  	s20 =	simm.s32 $0x0;
	s6 =	sand.u32 $0x1, s2;
	s2 =	stileid.u32  }
0x7: {  	[smem:$0x7FF] =	sst s3;
	s4 =	sadd.s32 $0xCC00, s5;
	s8 =	smul.u32 $0x140000, s6  }
0x8: {  	s10 =	sadd.s32 $0x2C00, s5;
	s11 =	sadd.s32 $0x34C00, s5;
	s9 =	smul.u32 $0x14000, s2  }
0x9: {  	_ =	strace $0x8000004A;
	s25 =	sshll.u32 s6, $0x4;
	s13 =	smul.u32 $0x50000, s2  }
0xa: {  	s12 =	ssub.s32 $0x2, s6;
	p0 =	seq.s32 s6, $0x0;
	s30 =	smul.u32 $0x2800, s2  }
0xb: {  	s31 =	sshll.u32 s2, $0x6;
	s14 =	sshrl.u32 s12, $0x1;
	s11 =	smov.u32 @p0 s4  }
0xc: {  	s8 =	sadd.s32 s9, s8;
	s9 =	sor.u32 s2, s25;
	s12 =	ssub.s32 s12, s14  }
0xd: {  	s26 =	sshrl.u32 s13, $0x2;
	s11 =	sadd.s32 s11, s30;
	s15 =	smul.u32 $0x2800, s9  }
0xe: {  	s14 =	simm.s32 $0x5;
	s8 =	sshrl.u32 s8, $0x3;
	s28 =	smul.u32 $0x500, s9  }
.Ltmp0:
0xf: {  	s13 =	sadd.s32 s26, s1;
	s16 =	sadd.s32 s8, s5;
	(pc) =	sbr.rel .LBB2_1-.Ltmp0, $4  }
0x10: {  	s13 =	sshrl.u32 s13, $0x3;
	s29 =	sshrl.u32 s15, $0x3;
	s5 =	sadd.s32 s7, s28  }
0x11: {  	s6 =	sadd.s32 s10, s28;
	s9 =	sadd.s32 $0x5CC00, s16;
	s8 =	sadd.s32 $0x280, s29  }
0x12: {  	s15 =	simm.s32 $0x14000;
	s16 =	simm.s32 $0x80;
	s7 =	sadd.s32 s7, s8  }
0x13: {  	s8 =	sadd.s32 s10, s8;
	s10 =	smax.u32 s12, $0x1;
	s12 =	sor.u32 $0x1C05, s31  }
.LBB2_7:
0x14: {  	[spmem:s1] =	stream.indirect.scatter.add.f32 [tilespmem:s25], [sflag:s26], $0x80, s18, s16, $0xb8;
	[tilespmem:$0x1E800] =	vst v63  }
0x15: {  	_ =	swait.ge [sflag:s19], $0x4000  }
0x16: {  	s20 =	sadd.s32 $0x1, s20;
	[sflag:s19] =	ssyncset.done $0x0  }
0x17: {  	p0 =	sne.s32 s20, s10;
	[sflag:s19] =	ssyncadd.s32 $0xFFFFC000  }
.Ltmp1:
0x18: {  	[bflag:$0x0] =	sbarrier.arrive $0xFFFF;
	(pc) =	sbr.rel @!p0 .LBB2_8-.Ltmp1, $4  }
0x19: {  	[hbm:s9], [sflag:s12] =	dma.local [spmem:s13], $0x2800  }
0x1a: {  	_ =	swait.ge [sflag:s14], $0x2800  }
0x1b: {  	[sflag:s14] =	ssyncset.done $0x0  }
0x1c: {  	[sflag:s14] =	ssyncadd.s32 $0xFFFFD800  }
.LBB2_1:
0x1d: {  	[spmem:s13], [sflag:s12] =	dma.local [hbm:s11], $0x2800  }
0x1e: {  	_ =	swait.ge [sflag:s14], $0x2800  }
0x1f: {  	[sflag:s14] =	ssyncset.done $0x0  }
0x20: {  	[sflag:s14] =	ssyncadd.s32 $0xFFFFD800  }
0x21: {  	[bflag:$0x0] =	sbarrier.arrive $0xFFFF  }
0x22: {  	[tilespmem:s15], [sflag:$0x5] =	stream.linear.gather [hbm4b:s5+s3], $0x1400, $0x38;
	[tilespmem:$0x1E800] =	vst v63  }
0x23: {  	_ =	swait.ge [sflag:s14], $0x1400  }
0x24: {  	[sflag:s14] =	ssyncset.done $0x0  }
0x25: {  	s21 =	simm.s32 $0x15400;
	[sflag:s14] =	ssyncadd.s32 $0xFFFFEC00  }
0x26: {  	[tilespmem:s21], [sflag:$0x5] =	stream.linear.gather [hbm4b:s6+s3], $0x1400, $0x38;
	[tilespmem:$0x1E800] =	vst v63  }
0x27: {  	_ =	swait.ge [sflag:s14], $0x1400  }
0x28: {  	[sflag:s14] =	ssyncset.done $0x0  }
0x29: {  	s22 =	simm.s32 $0x14080;
	s23 =	simm.s32 $0x0;
	[sflag:s14] =	ssyncadd.s32 $0xFFFFEC00  }
0x2a: {  	[tilespmem:s17], [sflag:$0x1] =	stream.indirect.gather [hbm4b:s4+s16], $0x80, s15, s16, $0xb8;
	[tilespmem:$0x1E800] =	vst v63  }
.LBB2_2:
0x2b: {  	s26 =	sand.u32 $0x1, s23;
	p0 =	seq.s32 s23, $0x0  }
0x2c: {  	s25 =	sadd.s32 $0x1, s26;
	p1 =	seq.s32 @!p0 s23, $0x27  }
0x2d: {  	_ =	swait.ge [sflag:s25], $0x4000;
	p1 =	por p0, !p1  }
.Ltmp2:
0x2e: {  	s24 =	sxor.u32 @!p0 $0x1, s26;
	[sflag:s25] =	ssyncset.done $0x0;
	(pc) =	sbr.rel @!p1 .LBB2_4-.Ltmp2, $4  }
0x2f: {  	s28 =	sadd.s32 @!p0 $0x3, s24;
	[sflag:s25] =	ssyncadd.s32 $0xFFFFC000  }
0x30: {  	_ =	swait.ge @!p0 [sflag:s28], $0x4000  }
0x31: {  	s31 =	sshll.u32 s26, $0xE;
	[sflag:s28] =	ssyncset.done @!p0 $0x0  }
0x32: {  	s26 =	sadd.s32 $0x3, s26;
	s25 =	sadd.s32 $0x16800, s31;
	[sflag:s28] =	ssyncadd.s32 @!p0 $0xFFFFC000  }
0x33: {  	s24 =	simm.s32 @p0 $0x1  }
0x34: {  	s28 =	sshll.u32 s24, $0xE  }
.Ltmp3:
0x35: {  	s24 =	sadd.s32 $0x1, s24;
	s28 =	sadd.s32 $0x16800, s28;
	(pc) =	sbr.rel .LBB2_2-.Ltmp3, $4  }
0x36: {  	[tilespmem:s28], [sflag:s24] =	stream.indirect.gather [hbm4b:s4+s16], $0x80, s22, s16, $0xb8;
	[tilespmem:$0x1E800] =	vst v63  }
0x37: {  	_ = 	snop  }
0x38: {  	[spmem:s1] =	stream.indirect.scatter.add.f32 [tilespmem:s25], [sflag:s26], $0x80, s21, s16, $0xb8;
	[tilespmem:$0x1E800] =	vst v63  }
0x39: {  	s23 =	sadd.s32 $0x1, s23;
	s22 =	sadd.s32 $0x80, s22;
	s21 =	sadd.s32 $0x80, s21  }
.LBB2_4:
0x3a: {  	[spmem:s1] =	stream.indirect.scatter.add.f32 [tilespmem:s25], [sflag:s26], $0x80, s18, s16, $0xb8;
	[tilespmem:$0x1E800] =	vst v63  }
0x3b: {  	_ =	swait.ge [sflag:s19], $0x4000  }
0x3c: {  	[sflag:s19] =	ssyncset.done $0x0  }
0x3d: {  	s21 =	simm.s32 $0x0;
	[sflag:s19] =	ssyncadd.s32 $0xFFFFC000  }
0x3e: {  	[tilespmem:s15], [sflag:$0x5] =	stream.linear.gather [hbm4b:s7+s21], $0x1400, $0x38;
	[tilespmem:$0x1E800] =	vst v63  }
0x3f: {  	_ =	swait.ge [sflag:s14], $0x1400  }
0x40: {  	[sflag:s14] =	ssyncset.done $0x0  }
0x41: {  	s22 =	simm.s32 $0x15400;
	[sflag:s14] =	ssyncadd.s32 $0xFFFFEC00  }
0x42: {  	[tilespmem:s22], [sflag:$0x5] =	stream.linear.gather [hbm4b:s8+s21], $0x1400, $0x38;
	[tilespmem:$0x1E800] =	vst v63  }
0x43: {  	_ =	swait.ge [sflag:s14], $0x1400  }
0x44: {  	[sflag:s14] =	ssyncset.done $0x0  }
0x45: {  	s23 =	simm.s32 $0x14080;
	[sflag:s14] =	ssyncadd.s32 $0xFFFFEC00  }
0x46: {  	[tilespmem:s17], [sflag:$0x1] =	stream.indirect.gather [hbm4b:s4+s16], $0x80, s15, s16, $0xb8;
	[tilespmem:$0x1E800] =	vst v63  }
.LBB2_5:
0x47: {  	s26 =	sand.u32 $0x1, s21;
	p0 =	seq.s32 s21, $0x0  }
0x48: {  	s25 =	sadd.s32 $0x1, s26;
	p1 =	seq.s32 @!p0 s21, $0x27  }
0x49: {  	_ =	swait.ge [sflag:s25], $0x4000;
	p1 =	por p0, !p1  }
.Ltmp4:
0x4a: {  	s24 =	sxor.u32 @!p0 $0x1, s26;
	[sflag:s25] =	ssyncset.done $0x0;
	(pc) =	sbr.rel @!p1 .LBB2_7-.Ltmp4, $4  }
0x4b: {  	s28 =	sadd.s32 @!p0 $0x3, s24;
	[sflag:s25] =	ssyncadd.s32 $0xFFFFC000  }
0x4c: {  	_ =	swait.ge @!p0 [sflag:s28], $0x4000  }
0x4d: {  	s31 =	sshll.u32 s26, $0xE;
	[sflag:s28] =	ssyncset.done @!p0 $0x0  }
0x4e: {  	s26 =	sadd.s32 $0x3, s26;
	s25 =	sadd.s32 $0x16800, s31;
	[sflag:s28] =	ssyncadd.s32 @!p0 $0xFFFFC000  }
0x4f: {  	s24 =	simm.s32 @p0 $0x1  }
0x50: {  	s28 =	sshll.u32 s24, $0xE  }
.Ltmp5:
0x51: {  	s24 =	sadd.s32 $0x1, s24;
	s28 =	sadd.s32 $0x16800, s28;
	(pc) =	sbr.rel .LBB2_5-.Ltmp5, $4  }
0x52: {  	[tilespmem:s28], [sflag:s24] =	stream.indirect.gather [hbm4b:s4+s16], $0x80, s23, s16, $0xb8;
	[tilespmem:$0x1E800] =	vst v63  }
0x53: {  	_ = 	snop  }
0x54: {  	[spmem:s1] =	stream.indirect.scatter.add.f32 [tilespmem:s25], [sflag:s26], $0x80, s22, s16, $0xb8;
	[tilespmem:$0x1E800] =	vst v63  }
0x55: {  	s21 =	sadd.s32 $0x1, s21;
	s23 =	sadd.s32 $0x80, s23;
	s22 =	sadd.s32 $0x80, s22  }
.LBB2_8:
0x56: {  	_ =	sfence.sel $0x180000  }
0x57: {  	[bflag:$0x0] =	sbarrier.arrive $0xFFFF  }
0x58: {  	p0 =	sne.s32 s2, $0x0;
	_ =	strace $0x9000004A  }
0x59: {  	s0 =	sadd.s32 @!p0 $0x100000, s0;
	[bflag:$0x2] =	sbarrier.arrive $0xFFFF  }
0x5a: {  	[sflag:s0] =	ssyncadd.tile.s32 @!p0 $0x1;
	_ =	shalt  }
.Lfunc_end2:
_tile_overlayer_lowered:
.L_overlay_start_2:
0x5b: {  	(tag) =	ssettag $0x2  }
0x5c: {  	s0 =	rddreg [dreg:$0x0];
	s2 =	stileid.u32  }
0x5d: {  	s1 =	rddreg [dreg:$0x1];
	p0 =	sne.s32 s2, $0x0  }
0x5e: {  	s3 =	rddreg [dreg:$0x2];
	[bflag:$0x3] =	sbarrier.arrive $0xFFFF;
	s2 =	simm.s32 @!p0 $0x1C05  }
0x5f: {  	[timem:s3], [sflag:s2] =	dma.local @!p0 [hbm:s0], s1  }
0x60: {  	s0 =	simm.s32 @!p0 $0x5  }
0x61: {  	_ =	swait.ge @!p0 [sflag:s0], s1  }
0x62: {  	s1 =	ssub.s32 @!p0 $0x0, s1;
	[sflag:s0] =	ssyncset.done @!p0 $0x0  }
0x63: {  	[sflag:s0] =	ssyncadd.s32 @!p0 s1  }
0x64: {  	[bflag:$0x3] =	sbarrier.arrive $0xFFFF  }
0x65: {  	_ =	shalt  }

// kernel: kernel.18.cloned.1.call-start
scs
__scs_entry_jumppad:
0x0: {  	(pc) =	sbr.rel $0x88, $3  }
0x1: {  	(tag) =	ssettag $0x0;
	lr =	simm.s32 $0x1  }
0x2: {  	[smem:$0x3F99] =	sst lr;
	_ =	strace $0xD0000000  }
0x3: {  	_ = 	snop  }
0x4: {  	_ = 	snop  }
0x5: {  	_ = 	snop  }
0x6: {  	_ = 	snop  }
0x7: {  	_ = 	snop  }
__scs_overlays_trampoline_lowered:
0x8: {  	[smem:$0x3FA8] =	sst s0  }
0x9: {  	[smem:$0x3FA9] =	sst s1  }
0xa: {  	[smem:$0x3FAA] =	sst s2  }
0xb: {  	[smem:$0x3FAB] =	sst s3  }
0xc: {  	[smem:$0x3FAC] =	sst s4  }
0xd: {  	[smem:$0x3FAD] =	sst s5  }
0xe: {  	[smem:$0x3FAE] =	sst s6  }
0xf: {  	[smem:$0x3FAF] =	sst s7  }
0x10: {  	[smem:$0x3FB0] =	sst s8  }
0x11: {  	[smem:$0x3FB1] =	sst s9;
	s0 =	simm.s32 @!p0 $0x0  }
0x12: {  	s1 =	sld [smem:$0x3F97];
	s0 =	simm.s32 @p0 $0x1  }
0x13: {  	[smem:$0x3FB2] =	sst s0;
	s0 =	simm.s32 @!p1 $0x0  }
0x14: {  	s2 =	sld [smem:$0x3F96];
	s0 =	simm.s32 @p1 $0x1  }
0x15: {  	[smem:$0x3FB3] =	sst s0;
	s0 =	simm.s32 @!p2 $0x0  }
0x16: {  	s3 =	sld [smem:$0x3FDB];
	s0 =	simm.s32 @p2 $0x1  }
0x17: {  	s4 =	simm.s32 $0x1BF5;
	[smem:$0x3FB5] =	sst s0  }
0x18: {  	s0 =	sld [smem:$0x3F98];
	_ =	swait.ge [sflag:s4], $0x0  }
0x19: {  	s7 =	sld [smem:$0x3F99]  }
0x1a: {  	s8 =	sadd.s32 $0xFFFFE003, lr  }
0x1b: {  	s9 =	sadd.s32 $0xFFFFFEF7, lr;
	s5 =	simm.s32 $0xFFFFFFFF;
	p2 =	slt.u32 s8, $0xFFFFF086  }
0x1c: {  	p1 =	slt.u32 s9, $0xF7A;
	s5 =	simm.s32 @!p2 $0x0  }
0x1d: {  	s5 =	simm.s32 @p1 $0x1;
	p0 =	seq.s32 s7, s2  }
0x1e: {  	s7 =	smul.u32 @!p0 $0xF7A, s2;
	p2 =	seq.s32 @!p0 s5, $0x0  }
0x1f: {  	s9 =	smul.u32 $0xF7A, s1;
	s8 =	simm.s32 @!p0 $0x1BF5;
	p2 =	por !p2, p0  }
0x20: {  	[sflag:s8] =	ssyncset.s32 @!p0 $0xFFFFF086;
	s6 =	sadd.s32 @!p0 s3, s7;
	s7 =	simm.s32 @!p0 $0x108  }
0x21: {  	s3 =	sadd.s32 s3, s9;
	s6 =	sadd.s32 @!p0 $0x88, s6;
	s7 =	simm.s32 @p2 $0x1082  }
0x22: {  	[simem:s7], [sflag:s8] =	dma.local @!p0 [hbm:s6], $0xF7A  }
0x23: {  	s9 =	sor.u32 $0xD0000000, s2;
	s6 =	simm.s32 $0x108;
	_ =	swait.ge @!p0 [sflag:s8], $0x0  }
0x24: {  	s3 =	sadd.s32 $0x88, s3;
	s6 =	simm.s32 @!p1 $0x1082;
	[sflag:s4] =	ssyncset.s32 $0xFFFFF086  }
0x25: {  	[simem:s6], [sflag:s4] =	dma.local [hbm:s3], $0xF7A  }
0x26: {  	[smem:$0x3F99] =	sst s1;
	(tag) =	ssettag s2;
	_ =	strace s9  }
0x27: {  	s1 =	sld [smem:$0x3FA9]  }
0x28: {  	s2 =	sld [smem:$0x3FAA]  }
0x29: {  	s4 =	sld [smem:$0x3FAC]  }
0x2a: {  	p0 =	seq.s32 s5, $0x0;
	s5 =	sld [smem:$0x3FAD]  }
0x2b: {  	s6 =	sld [smem:$0x3FAE]  }
0x2c: {  	s7 =	sld [smem:$0x3FAF]  }
0x2d: {  	s3 =	simm.s32 $0x108;
	s8 =	sld [smem:$0x3FB0]  }
0x2e: {  	s3 =	simm.s32 @!p0 $0x1082;
	s9 =	sld [smem:$0x3FB1]  }
0x2f: {  	lr =	sadd.s32 s0, s3;
	s0 =	sld [smem:$0x3FA8]  }
0x30: {  	s3 =	sld [smem:$0x3FAB]  }
0x31: {  	[smem:$0x3FB4] =	sst s10  }
0x32: {  	s10 =	sld [smem:$0x3FB2];
	_ =	sdelay $0x3  }
0x33: {  	p0 =	seq.s32 s10, $0x1;
	s10 =	sld [smem:$0x3FB4];
	_ =	sdelay $0x3  }
0x34: {  	[smem:$0x3FB4] =	sst s10  }
0x35: {  	s10 =	sld [smem:$0x3FB3];
	_ =	sdelay $0x3  }
0x36: {  	p1 =	seq.s32 s10, $0x1;
	s10 =	sld [smem:$0x3FB4];
	_ =	sdelay $0x3  }
0x37: {  	[smem:$0x3FB4] =	sst s10  }
0x38: {  	s10 =	sld [smem:$0x3FB5]  }
0x39: {  	_ = 	snop;
	(pc) =	sbr.ind lr, $3  }
0x3a: {  	_ = 	snop  }
0x3b: {  	_ = 	snop  }
0x3c: {  	p2 =	seq.s32 s10, $0x1;
	s10 =	sld [smem:$0x3FB4]  }
0x3d: {  	_ =	shalt  }
0x3e: {  	_ =	shalt  }
0x3f: {  	_ =	shalt  }
0x40: {  	_ =	shalt  }
0x41: {  	_ =	shalt  }
0x42: {  	_ =	shalt  }
0x43: {  	_ =	shalt  }
0x44: {  	_ =	shalt  }
0x45: {  	_ =	shalt  }
0x46: {  	_ =	shalt  }
0x47: {  	_ =	shalt  }
0x48: {  	_ =	shalt  }
0x49: {  	_ =	shalt  }
0x4a: {  	_ =	shalt  }
0x4b: {  	_ =	shalt  }
0x4c: {  	_ =	shalt  }
0x4d: {  	_ =	shalt  }
0x4e: {  	_ =	shalt  }
0x4f: {  	_ =	shalt  }
0x50: {  	_ =	shalt  }
0x51: {  	_ =	shalt  }
0x52: {  	_ =	shalt  }
0x53: {  	_ =	shalt  }
0x54: {  	_ =	shalt  }
0x55: {  	_ =	shalt  }
0x56: {  	_ =	shalt  }
0x57: {  	_ =	shalt  }
0x58: {  	_ =	shalt  }
0x59: {  	_ =	shalt  }
0x5a: {  	_ =	shalt  }
0x5b: {  	_ =	shalt  }
0x5c: {  	_ =	shalt  }
0x5d: {  	_ =	shalt  }
0x5e: {  	_ =	shalt  }
0x5f: {  	_ =	shalt  }
0x60: {  	_ =	shalt  }
0x61: {  	_ =	shalt  }
0x62: {  	_ =	shalt  }
0x63: {  	_ =	shalt  }
0x64: {  	_ =	shalt  }
0x65: {  	_ =	shalt  }
0x66: {  	_ =	shalt  }
0x67: {  	_ =	shalt  }
0x68: {  	_ =	shalt  }
0x69: {  	_ =	shalt  }
0x6a: {  	_ =	shalt  }
0x6b: {  	_ =	shalt  }
0x6c: {  	_ =	shalt  }
0x6d: {  	_ =	shalt  }
0x6e: {  	_ =	shalt  }
0x6f: {  	_ =	shalt  }
0x70: {  	_ =	shalt  }
0x71: {  	_ =	shalt  }
0x72: {  	_ =	shalt  }
0x73: {  	_ =	shalt  }
0x74: {  	_ =	shalt  }
0x75: {  	_ =	shalt  }
0x76: {  	_ =	shalt  }
0x77: {  	_ =	shalt  }
0x78: {  	_ =	shalt  }
0x79: {  	_ =	shalt  }
0x7a: {  	_ =	shalt  }
0x7b: {  	_ =	shalt  }
0x7c: {  	_ =	shalt  }
0x7d: {  	_ =	shalt  }
0x7e: {  	_ =	shalt  }
0x7f: {  	_ =	shalt  }
0x80: {  	_ =	shalt  }
0x81: {  	_ =	shalt  }
0x82: {  	_ =	shalt  }
0x83: {  	_ =	shalt  }
0x84: {  	_ =	shalt  }
0x85: {  	_ =	shalt  }
0x86: {  	_ =	shalt  }
0x87: {  	_ =	shalt  }
.Lfunc_end0:
.L_simem_size_0:
called_computation.2_lowered:
.L_overlay_start_0:
0x88: {  	s2 =	sld [smem:$0x3FD9]  }
0x89: {  	s3 =	sld [smem:$0x3FFE];
	_ =	sdelay $0x1  }
0x8a: {  	s1 =	srdreg.scid  }
0x8b: {  	s0 =	sand.u32 $0x1, s1  }
0x8c: {  	s17 =	sshll.u32 s0, $0xA;
	s2 =	sadd.s32 s3, s2  }
0x8d: {  	s2 =	sadd.s32 s2, s17  }
0x8e: {  	[smem:$0x3FC0] =	sst s2  }
0x8f: {  	_ = 	snop  }
0x90: {  	s2 =	sld [smem:$0x3FD0];
	(tm) =	ssettm $0x1  }
0x91: {  	s18 =	sld [smem:$0x3FFB];
	_ =	sdelay $0x3  }
0x92: {  	_ =	strace s18  }
0x93: {  	s3 =	sld [smem:$0x3FFC];
	_ =	sdelay $0x3  }
0x94: {  	_ =	strace s3  }
0x95: {  	s3 =	sld [smem:$0x3FFD];
	_ =	sdelay $0x3  }
0x96: {  	_ =	strace s3  }
0x97: {  	_ =	strace $0x8FFFFFFF  }
0x98: {  	s19 =	sld [smem:$0x3FDB];
	_ =	sdelay $0x1  }
0x99: {  	s4 =	simm.s32 $_scs_section_size  }
0x9a: {  	s5 =	simm.s32 $_size__tile_overlayer_lowered;
	s6 =	simm.s32 $_tile_overlayer_lowered  }
0x9b: {  	s22 =	simm.s32 $0x1BFF;
	s21 =	sshll.u32 s6, $0x1;
	s3 =	sadd.s32 s4, s19  }
0x9c: {  	s7 =	simm.s32 $0x0;
	s20 =	sshll.u32 s5, $0x1;
	s5 =	sadd.s32 s21, s3  }
0x9d: {  	[timem:s7], [sflag:s22] =	dma.local [hbm:s5], s20  }
0x9e: {  	_ =	swait.ge [sflag:s22], s20  }
0x9f: {  	s4 =	ssub.s32 $0x0, s20;
	[sflag:s22] =	ssyncset.done $0x0  }
0xa0: {  	[sflag:s22] =	ssyncadd.s32 s4;
	_ =	sdelay $0x1  }
0xa1: {  	s23 =	simm.s32 $0x1B8B  }
0xa2: {  	_ =	swait.ge [sflag:s23], $0x1  }
0xa3: {  	[sflag:s23] =	ssyncset.done $0x0  }
0xa4: {  	s25 =	simm.s32 $0x1B8E;
	s24 =	sld [smem:$0x3FFE];
	[sflag:s23] =	ssyncadd.s32 $0xFFFFFFFF  }
0xa5: {  	s26 =	simm.s32 $execute0_lowered;
	[smem:$0x3FD2] =	sst s25  }
0xa6: {  	s5 =	sshll.u32 s26, $0x1;
	_ =	strace $0x8000004C;
	[dreg:$0x1] =	wrdreg $0xFFFFFFFF  }
0xa7: {  	s28 =	simm.s32 $_size_execute0_lowered;
	s3 =	sadd.s32 s3, s5;
	[dreg:$0x0] =	wrdreg $0x0  }
0xa8: {  	s5 =	sshll.u32 s28, $0x1;
	[dreg:$0x2] =	wrdreg s3  }
0xa9: {  	[dreg:$0x3] =	wrdreg s5  }
0xaa: {  	[dreg:$0x4] =	wrdreg $0xC0  }
0xab: {  	_ =	task [dreg:s7], $0x5FFFF  }
0xac: {  	[dreg:$0x1] =	wrdreg $0xFFFFFFFF  }
0xad: {  	[dreg:$0x0] =	wrdreg $0x60  }
0xae: {  	[dreg:$0x2] =	wrdreg s24  }
0xaf: {  	[dreg:$0x3] =	wrdreg s2  }
0xb0: {  	[dreg:$0x4] =	wrdreg $0x0  }
0xb1: {  	[dreg:$0x5] =	wrdreg $0x9  }
0xb2: {  	_ =	task.clear_ibuf [dreg:s7], $0x6FFFF;
	_ =	strace $0x9000004C  }
0xb3: {  	s29 =	simm.s32 $0x9;
	_ =	strace $0x8000004E  }
0xb4: {  	_ =	swait.ge [sflag:s29], $0x1  }
0xb5: {  	[sflag:s29] =	ssyncadd.s32 $0xFFFFFFFF  }
0xb6: {  	_ =	strace $0x9000004E  }
0xb7: {  	_ =	sfence  }
0xb8: {  	s30 =	sld [smem:$0x0];
	_ =	sdelay $0x2  }
0xb9: {  	s31 =	sshll.u32 s1, $0xD;
	s1 =	sshrl.u32 s1, $0x2  }
0xba: {  	s3 =	sand.u32 $0x4000, s31;
	s1 =	sadd.s32 s1, s30  }
0xbb: {  	s0 =	sor.u32 s3, s0;
	s1 =	sshll.u32 s1, $0x11  }
0xbc: {  	s0 =	sor.u32 s1, s0  }
0xbd: {  	s0 =	sadd.s32 $0x8F2B, s0  }
0xbe: {  	[sflag:s0] =	ssyncadd.remote.s32 $0x1  }
0xbf: {  	_ =	sfence.sel $0xFFFF  }
0xc0: {  	[dreg:$0x0] =	wrdreg $0xFFFFFFFF;
	(pc) =	sbr.abs _section_cstart, $3  }
0xc1: {  	[dreg:$0x1] =	wrdreg $0xFFFFFFFF  }
0xc2: {  	_ =	task.clear_ibuf [dreg:s7], $0x2FFFF;
	_ =	strace $0x9FFFFFFF  }
0xc3: {  	(tm) =	ssettm $0x7FFFFFFF  }
tec
execute0_lowered:
.L_overlay_start_1:
0x0: {  	(tag) =	ssettag $0x1  }
0x1: {  	s5 =	rddreg [dreg:$0x0]  }
0x2: {  	s7 =	rddreg [dreg:$0x1]  }
0x3: {  	s1 =	rddreg [dreg:$0x2]  }
0x4: {  	s2 =	srdreg.scid;
	s0 =	rddreg [dreg:$0x3];
	s3 =	simm.s32 $0x0  }
0x5: {  	s17 =	simm.s32 $0x16800;
	s18 =	simm.s32 $0x16780;
	s19 =	simm.s32 $0x4  }
0x6: {  	s20 =	simm.s32 $0x0;
	s6 =	sand.u32 $0x1, s2;
	s2 =	stileid.u32  }
0x7: {  	[smem:$0x7FF] =	sst s3;
	s4 =	sadd.s32 $0xCC00, s5;
	s8 =	smul.u32 $0x140000, s6  }
0x8: {  	s10 =	sadd.s32 $0x2C00, s5;
	s11 =	sadd.s32 $0x34C00, s5;
	s9 =	smul.u32 $0x14000, s2  }
0x9: {  	_ =	strace $0x8000004D;
	s25 =	sshll.u32 s6, $0x4;
	s13 =	smul.u32 $0x50000, s2  }
0xa: {  	s12 =	ssub.s32 $0x2, s6;
	p0 =	seq.s32 s6, $0x0;
	s30 =	smul.u32 $0x2800, s2  }
0xb: {  	s31 =	sshll.u32 s2, $0x6;
	s14 =	sshrl.u32 s12, $0x1;
	s11 =	smov.u32 @p0 s4  }
0xc: {  	s8 =	sadd.s32 s9, s8;
	s9 =	sor.u32 s2, s25;
	s12 =	ssub.s32 s12, s14  }
0xd: {  	s26 =	sshrl.u32 s13, $0x2;
	s11 =	sadd.s32 s11, s30;
	s15 =	smul.u32 $0x2800, s9  }
0xe: {  	s14 =	simm.s32 $0x5;
	s8 =	sshrl.u32 s8, $0x3;
	s28 =	smul.u32 $0x500, s9  }
.Ltmp0:
0xf: {  	s13 =	sadd.s32 s26, s1;
	s16 =	sadd.s32 s8, s5;
	(pc) =	sbr.rel .LBB2_1-.Ltmp0, $4  }
0x10: {  	s13 =	sshrl.u32 s13, $0x3;
	s29 =	sshrl.u32 s15, $0x3;
	s5 =	sadd.s32 s7, s28  }
0x11: {  	s6 =	sadd.s32 s10, s28;
	s9 =	sadd.s32 $0x5CC00, s16;
	s8 =	sadd.s32 $0x280, s29  }
0x12: {  	s15 =	simm.s32 $0x14000;
	s16 =	simm.s32 $0x80;
	s7 =	sadd.s32 s7, s8  }
0x13: {  	s8 =	sadd.s32 s10, s8;
	s10 =	smax.u32 s12, $0x1;
	s12 =	sor.u32 $0x1C05, s31  }
.LBB2_7:
0x14: {  	[spmem:s1] =	stream.indirect.scatter.add.f32 [tilespmem:s25], [sflag:s26], $0x80, s18, s16, $0xb8;
	[tilespmem:$0x1E800] =	vst v63  }
0x15: {  	_ =	swait.ge [sflag:s19], $0x4000  }
0x16: {  	s20 =	sadd.s32 $0x1, s20;
	[sflag:s19] =	ssyncset.done $0x0  }
0x17: {  	p0 =	sne.s32 s20, s10;
	[sflag:s19] =	ssyncadd.s32 $0xFFFFC000  }
.Ltmp1:
0x18: {  	[bflag:$0x0] =	sbarrier.arrive $0xFFFF;
	(pc) =	sbr.rel @!p0 .LBB2_8-.Ltmp1, $4  }
0x19: {  	[hbm:s9], [sflag:s12] =	dma.local [spmem:s13], $0x2800  }
0x1a: {  	_ =	swait.ge [sflag:s14], $0x2800  }
0x1b: {  	[sflag:s14] =	ssyncset.done $0x0  }
0x1c: {  	[sflag:s14] =	ssyncadd.s32 $0xFFFFD800  }
.LBB2_1:
0x1d: {  	[spmem:s13], [sflag:s12] =	dma.local [hbm:s11], $0x2800  }
0x1e: {  	_ =	swait.ge [sflag:s14], $0x2800  }
0x1f: {  	[sflag:s14] =	ssyncset.done $0x0  }
0x20: {  	[sflag:s14] =	ssyncadd.s32 $0xFFFFD800  }
0x21: {  	[bflag:$0x0] =	sbarrier.arrive $0xFFFF  }
0x22: {  	[tilespmem:s15], [sflag:$0x5] =	stream.linear.gather [hbm4b:s5+s3], $0x1400, $0x38;
	[tilespmem:$0x1E800] =	vst v63  }
0x23: {  	_ =	swait.ge [sflag:s14], $0x1400  }
0x24: {  	[sflag:s14] =	ssyncset.done $0x0  }
0x25: {  	s21 =	simm.s32 $0x15400;
	[sflag:s14] =	ssyncadd.s32 $0xFFFFEC00  }
0x26: {  	[tilespmem:s21], [sflag:$0x5] =	stream.linear.gather [hbm4b:s6+s3], $0x1400, $0x38;
	[tilespmem:$0x1E800] =	vst v63  }
0x27: {  	_ =	swait.ge [sflag:s14], $0x1400  }
0x28: {  	[sflag:s14] =	ssyncset.done $0x0  }
0x29: {  	s22 =	simm.s32 $0x14080;
	s23 =	simm.s32 $0x0;
	[sflag:s14] =	ssyncadd.s32 $0xFFFFEC00  }
0x2a: {  	[tilespmem:s17], [sflag:$0x1] =	stream.indirect.gather [hbm4b:s4+s16], $0x80, s15, s16, $0xb8;
	[tilespmem:$0x1E800] =	vst v63  }
.LBB2_2:
0x2b: {  	s26 =	sand.u32 $0x1, s23;
	p0 =	seq.s32 s23, $0x0  }
0x2c: {  	s25 =	sadd.s32 $0x1, s26;
	p1 =	seq.s32 @!p0 s23, $0x27  }
0x2d: {  	_ =	swait.ge [sflag:s25], $0x4000;
	p1 =	por p0, !p1  }
.Ltmp2:
0x2e: {  	s24 =	sxor.u32 @!p0 $0x1, s26;
	[sflag:s25] =	ssyncset.done $0x0;
	(pc) =	sbr.rel @!p1 .LBB2_4-.Ltmp2, $4  }
0x2f: {  	s28 =	sadd.s32 @!p0 $0x3, s24;
	[sflag:s25] =	ssyncadd.s32 $0xFFFFC000  }
0x30: {  	_ =	swait.ge @!p0 [sflag:s28], $0x4000  }
0x31: {  	s31 =	sshll.u32 s26, $0xE;
	[sflag:s28] =	ssyncset.done @!p0 $0x0  }
0x32: {  	s26 =	sadd.s32 $0x3, s26;
	s25 =	sadd.s32 $0x16800, s31;
	[sflag:s28] =	ssyncadd.s32 @!p0 $0xFFFFC000  }
0x33: {  	s24 =	simm.s32 @p0 $0x1  }
0x34: {  	s28 =	sshll.u32 s24, $0xE  }
.Ltmp3:
0x35: {  	s24 =	sadd.s32 $0x1, s24;
	s28 =	sadd.s32 $0x16800, s28;
	(pc) =	sbr.rel .LBB2_2-.Ltmp3, $4  }
0x36: {  	[tilespmem:s28], [sflag:s24] =	stream.indirect.gather [hbm4b:s4+s16], $0x80, s22, s16, $0xb8;
	[tilespmem:$0x1E800] =	vst v63  }
0x37: {  	_ = 	snop  }
0x38: {  	[spmem:s1] =	stream.indirect.scatter.add.f32 [tilespmem:s25], [sflag:s26], $0x80, s21, s16, $0xb8;
	[tilespmem:$0x1E800] =	vst v63  }
0x39: {  	s23 =	sadd.s32 $0x1, s23;
	s22 =	sadd.s32 $0x80, s22;
	s21 =	sadd.s32 $0x80, s21  }
.LBB2_4:
0x3a: {  	[spmem:s1] =	stream.indirect.scatter.add.f32 [tilespmem:s25], [sflag:s26], $0x80, s18, s16, $0xb8;
	[tilespmem:$0x1E800] =	vst v63  }
0x3b: {  	_ =	swait.ge [sflag:s19], $0x4000  }
0x3c: {  	[sflag:s19] =	ssyncset.done $0x0  }
0x3d: {  	s21 =	simm.s32 $0x0;
	[sflag:s19] =	ssyncadd.s32 $0xFFFFC000  }
0x3e: {  	[tilespmem:s15], [sflag:$0x5] =	stream.linear.gather [hbm4b:s7+s21], $0x1400, $0x38;
	[tilespmem:$0x1E800] =	vst v63  }
0x3f: {  	_ =	swait.ge [sflag:s14], $0x1400  }
0x40: {  	[sflag:s14] =	ssyncset.done $0x0  }
0x41: {  	s22 =	simm.s32 $0x15400;
	[sflag:s14] =	ssyncadd.s32 $0xFFFFEC00  }
0x42: {  	[tilespmem:s22], [sflag:$0x5] =	stream.linear.gather [hbm4b:s8+s21], $0x1400, $0x38;
	[tilespmem:$0x1E800] =	vst v63  }
0x43: {  	_ =	swait.ge [sflag:s14], $0x1400  }
0x44: {  	[sflag:s14] =	ssyncset.done $0x0  }
0x45: {  	s23 =	simm.s32 $0x14080;
	[sflag:s14] =	ssyncadd.s32 $0xFFFFEC00  }
0x46: {  	[tilespmem:s17], [sflag:$0x1] =	stream.indirect.gather [hbm4b:s4+s16], $0x80, s15, s16, $0xb8;
	[tilespmem:$0x1E800] =	vst v63  }
.LBB2_5:
0x47: {  	s26 =	sand.u32 $0x1, s21;
	p0 =	seq.s32 s21, $0x0  }
0x48: {  	s25 =	sadd.s32 $0x1, s26;
	p1 =	seq.s32 @!p0 s21, $0x27  }
0x49: {  	_ =	swait.ge [sflag:s25], $0x4000;
	p1 =	por p0, !p1  }
.Ltmp4:
0x4a: {  	s24 =	sxor.u32 @!p0 $0x1, s26;
	[sflag:s25] =	ssyncset.done $0x0;
	(pc) =	sbr.rel @!p1 .LBB2_7-.Ltmp4, $4  }
0x4b: {  	s28 =	sadd.s32 @!p0 $0x3, s24;
	[sflag:s25] =	ssyncadd.s32 $0xFFFFC000  }
0x4c: {  	_ =	swait.ge @!p0 [sflag:s28], $0x4000  }
0x4d: {  	s31 =	sshll.u32 s26, $0xE;
	[sflag:s28] =	ssyncset.done @!p0 $0x0  }
0x4e: {  	s26 =	sadd.s32 $0x3, s26;
	s25 =	sadd.s32 $0x16800, s31;
	[sflag:s28] =	ssyncadd.s32 @!p0 $0xFFFFC000  }
0x4f: {  	s24 =	simm.s32 @p0 $0x1  }
0x50: {  	s28 =	sshll.u32 s24, $0xE  }
.Ltmp5:
0x51: {  	s24 =	sadd.s32 $0x1, s24;
	s28 =	sadd.s32 $0x16800, s28;
	(pc) =	sbr.rel .LBB2_5-.Ltmp5, $4  }
0x52: {  	[tilespmem:s28], [sflag:s24] =	stream.indirect.gather [hbm4b:s4+s16], $0x80, s23, s16, $0xb8;
	[tilespmem:$0x1E800] =	vst v63  }
0x53: {  	_ = 	snop  }
0x54: {  	[spmem:s1] =	stream.indirect.scatter.add.f32 [tilespmem:s25], [sflag:s26], $0x80, s22, s16, $0xb8;
	[tilespmem:$0x1E800] =	vst v63  }
0x55: {  	s21 =	sadd.s32 $0x1, s21;
	s23 =	sadd.s32 $0x80, s23;
	s22 =	sadd.s32 $0x80, s22  }
.LBB2_8:
0x56: {  	_ =	sfence.sel $0x180000  }
0x57: {  	[bflag:$0x0] =	sbarrier.arrive $0xFFFF  }
0x58: {  	p0 =	sne.s32 s2, $0x0;
	_ =	strace $0x9000004D  }
0x59: {  	s0 =	sadd.s32 @!p0 $0x100000, s0;
	[bflag:$0x2] =	sbarrier.arrive $0xFFFF  }
0x5a: {  	[sflag:s0] =	ssyncadd.tile.s32 @!p0 $0x1;
	_ =	shalt  }
.Lfunc_end2:
_tile_overlayer_lowered:
.L_overlay_start_2:
0x5b: {  	(tag) =	ssettag $0x2  }
0x5c: {  	s0 =	rddreg [dreg:$0x0];
	s2 =	stileid.u32  }
0x5d: {  	s1 =	rddreg [dreg:$0x1];
	p0 =	sne.s32 s2, $0x0  }
0x5e: {  	s3 =	rddreg [dreg:$0x2];
	[bflag:$0x3] =	sbarrier.arrive $0xFFFF;
	s2 =	simm.s32 @!p0 $0x1C05  }
0x5f: {  	[timem:s3], [sflag:s2] =	dma.local @!p0 [hbm:s0], s1  }
0x60: {  	s0 =	simm.s32 @!p0 $0x5  }
0x61: {  	_ =	swait.ge @!p0 [sflag:s0], s1  }
0x62: {  	s1 =	ssub.s32 @!p0 $0x0, s1;
	[sflag:s0] =	ssyncset.done @!p0 $0x0  }
0x63: {  	[sflag:s0] =	ssyncadd.s32 @!p0 s1  }
0x64: {  	[bflag:$0x3] =	sbarrier.arrive $0xFFFF  }
0x65: {  	_ =	shalt  }

// kernel: kernel.21.cloned.1.call-start
scs
__scs_entry_jumppad:
0x0: {  	(pc) =	sbr.rel $0x88, $3  }
0x1: {  	(tag) =	ssettag $0x0;
	lr =	simm.s32 $0x1  }
0x2: {  	[smem:$0x3F99] =	sst lr;
	_ =	strace $0xD0000000  }
0x3: {  	_ = 	snop  }
0x4: {  	_ = 	snop  }
0x5: {  	_ = 	snop  }
0x6: {  	_ = 	snop  }
0x7: {  	_ = 	snop  }
__scs_overlays_trampoline_lowered:
0x8: {  	[smem:$0x3FA8] =	sst s0  }
0x9: {  	[smem:$0x3FA9] =	sst s1  }
0xa: {  	[smem:$0x3FAA] =	sst s2  }
0xb: {  	[smem:$0x3FAB] =	sst s3  }
0xc: {  	[smem:$0x3FAC] =	sst s4  }
0xd: {  	[smem:$0x3FAD] =	sst s5  }
0xe: {  	[smem:$0x3FAE] =	sst s6  }
0xf: {  	[smem:$0x3FAF] =	sst s7  }
0x10: {  	[smem:$0x3FB0] =	sst s8  }
0x11: {  	[smem:$0x3FB1] =	sst s9;
	s0 =	simm.s32 @!p0 $0x0  }
0x12: {  	s1 =	sld [smem:$0x3F97];
	s0 =	simm.s32 @p0 $0x1  }
0x13: {  	[smem:$0x3FB2] =	sst s0;
	s0 =	simm.s32 @!p1 $0x0  }
0x14: {  	s2 =	sld [smem:$0x3F96];
	s0 =	simm.s32 @p1 $0x1  }
0x15: {  	[smem:$0x3FB3] =	sst s0;
	s0 =	simm.s32 @!p2 $0x0  }
0x16: {  	s3 =	sld [smem:$0x3FDB];
	s0 =	simm.s32 @p2 $0x1  }
0x17: {  	s4 =	simm.s32 $0x1BF5;
	[smem:$0x3FB5] =	sst s0  }
0x18: {  	s0 =	sld [smem:$0x3F98];
	_ =	swait.ge [sflag:s4], $0x0  }
0x19: {  	s7 =	sld [smem:$0x3F99]  }
0x1a: {  	s8 =	sadd.s32 $0xFFFFE003, lr  }
0x1b: {  	s9 =	sadd.s32 $0xFFFFFEF7, lr;
	s5 =	simm.s32 $0xFFFFFFFF;
	p2 =	slt.u32 s8, $0xFFFFF086  }
0x1c: {  	p1 =	slt.u32 s9, $0xF7A;
	s5 =	simm.s32 @!p2 $0x0  }
0x1d: {  	s5 =	simm.s32 @p1 $0x1;
	p0 =	seq.s32 s7, s2  }
0x1e: {  	s7 =	smul.u32 @!p0 $0xF7A, s2;
	p2 =	seq.s32 @!p0 s5, $0x0  }
0x1f: {  	s9 =	smul.u32 $0xF7A, s1;
	s8 =	simm.s32 @!p0 $0x1BF5;
	p2 =	por !p2, p0  }
0x20: {  	[sflag:s8] =	ssyncset.s32 @!p0 $0xFFFFF086;
	s6 =	sadd.s32 @!p0 s3, s7;
	s7 =	simm.s32 @!p0 $0x108  }
0x21: {  	s3 =	sadd.s32 s3, s9;
	s6 =	sadd.s32 @!p0 $0x88, s6;
	s7 =	simm.s32 @p2 $0x1082  }
0x22: {  	[simem:s7], [sflag:s8] =	dma.local @!p0 [hbm:s6], $0xF7A  }
0x23: {  	s9 =	sor.u32 $0xD0000000, s2;
	s6 =	simm.s32 $0x108;
	_ =	swait.ge @!p0 [sflag:s8], $0x0  }
0x24: {  	s3 =	sadd.s32 $0x88, s3;
	s6 =	simm.s32 @!p1 $0x1082;
	[sflag:s4] =	ssyncset.s32 $0xFFFFF086  }
0x25: {  	[simem:s6], [sflag:s4] =	dma.local [hbm:s3], $0xF7A  }
0x26: {  	[smem:$0x3F99] =	sst s1;
	(tag) =	ssettag s2;
	_ =	strace s9  }
0x27: {  	s1 =	sld [smem:$0x3FA9]  }
0x28: {  	s2 =	sld [smem:$0x3FAA]  }
0x29: {  	s4 =	sld [smem:$0x3FAC]  }
0x2a: {  	p0 =	seq.s32 s5, $0x0;
	s5 =	sld [smem:$0x3FAD]  }
0x2b: {  	s6 =	sld [smem:$0x3FAE]  }
0x2c: {  	s7 =	sld [smem:$0x3FAF]  }
0x2d: {  	s3 =	simm.s32 $0x108;
	s8 =	sld [smem:$0x3FB0]  }
0x2e: {  	s3 =	simm.s32 @!p0 $0x1082;
	s9 =	sld [smem:$0x3FB1]  }
0x2f: {  	lr =	sadd.s32 s0, s3;
	s0 =	sld [smem:$0x3FA8]  }
0x30: {  	s3 =	sld [smem:$0x3FAB]  }
0x31: {  	[smem:$0x3FB4] =	sst s10  }
0x32: {  	s10 =	sld [smem:$0x3FB2];
	_ =	sdelay $0x3  }
0x33: {  	p0 =	seq.s32 s10, $0x1;
	s10 =	sld [smem:$0x3FB4];
	_ =	sdelay $0x3  }
0x34: {  	[smem:$0x3FB4] =	sst s10  }
0x35: {  	s10 =	sld [smem:$0x3FB3];
	_ =	sdelay $0x3  }
0x36: {  	p1 =	seq.s32 s10, $0x1;
	s10 =	sld [smem:$0x3FB4];
	_ =	sdelay $0x3  }
0x37: {  	[smem:$0x3FB4] =	sst s10  }
0x38: {  	s10 =	sld [smem:$0x3FB5]  }
0x39: {  	_ = 	snop;
	(pc) =	sbr.ind lr, $3  }
0x3a: {  	_ = 	snop  }
0x3b: {  	_ = 	snop  }
0x3c: {  	p2 =	seq.s32 s10, $0x1;
	s10 =	sld [smem:$0x3FB4]  }
0x3d: {  	_ =	shalt  }
0x3e: {  	_ =	shalt  }
0x3f: {  	_ =	shalt  }
0x40: {  	_ =	shalt  }
0x41: {  	_ =	shalt  }
0x42: {  	_ =	shalt  }
0x43: {  	_ =	shalt  }
0x44: {  	_ =	shalt  }
0x45: {  	_ =	shalt  }
0x46: {  	_ =	shalt  }
0x47: {  	_ =	shalt  }
0x48: {  	_ =	shalt  }
0x49: {  	_ =	shalt  }
0x4a: {  	_ =	shalt  }
0x4b: {  	_ =	shalt  }
0x4c: {  	_ =	shalt  }
0x4d: {  	_ =	shalt  }
0x4e: {  	_ =	shalt  }
0x4f: {  	_ =	shalt  }
0x50: {  	_ =	shalt  }
0x51: {  	_ =	shalt  }
0x52: {  	_ =	shalt  }
0x53: {  	_ =	shalt  }
0x54: {  	_ =	shalt  }
0x55: {  	_ =	shalt  }
0x56: {  	_ =	shalt  }
0x57: {  	_ =	shalt  }
0x58: {  	_ =	shalt  }
0x59: {  	_ =	shalt  }
0x5a: {  	_ =	shalt  }
0x5b: {  	_ =	shalt  }
0x5c: {  	_ =	shalt  }
0x5d: {  	_ =	shalt  }
0x5e: {  	_ =	shalt  }
0x5f: {  	_ =	shalt  }
0x60: {  	_ =	shalt  }
0x61: {  	_ =	shalt  }
0x62: {  	_ =	shalt  }
0x63: {  	_ =	shalt  }
0x64: {  	_ =	shalt  }
0x65: {  	_ =	shalt  }
0x66: {  	_ =	shalt  }
0x67: {  	_ =	shalt  }
0x68: {  	_ =	shalt  }
0x69: {  	_ =	shalt  }
0x6a: {  	_ =	shalt  }
0x6b: {  	_ =	shalt  }
0x6c: {  	_ =	shalt  }
0x6d: {  	_ =	shalt  }
0x6e: {  	_ =	shalt  }
0x6f: {  	_ =	shalt  }
0x70: {  	_ =	shalt  }
0x71: {  	_ =	shalt  }
0x72: {  	_ =	shalt  }
0x73: {  	_ =	shalt  }
0x74: {  	_ =	shalt  }
0x75: {  	_ =	shalt  }
0x76: {  	_ =	shalt  }
0x77: {  	_ =	shalt  }
0x78: {  	_ =	shalt  }
0x79: {  	_ =	shalt  }
0x7a: {  	_ =	shalt  }
0x7b: {  	_ =	shalt  }
0x7c: {  	_ =	shalt  }
0x7d: {  	_ =	shalt  }
0x7e: {  	_ =	shalt  }
0x7f: {  	_ =	shalt  }
0x80: {  	_ =	shalt  }
0x81: {  	_ =	shalt  }
0x82: {  	_ =	shalt  }
0x83: {  	_ =	shalt  }
0x84: {  	_ =	shalt  }
0x85: {  	_ =	shalt  }
0x86: {  	_ =	shalt  }
0x87: {  	_ =	shalt  }
.Lfunc_end0:
.L_simem_size_0:
called_computation.3_lowered:
.L_overlay_start_0:
0x88: {  	s2 =	sld [smem:$0x3FD9]  }
0x89: {  	s3 =	sld [smem:$0x3FFE];
	_ =	sdelay $0x1  }
0x8a: {  	s1 =	srdreg.scid  }
0x8b: {  	s0 =	sand.u32 $0x1, s1  }
0x8c: {  	s17 =	sshll.u32 s0, $0xA;
	s2 =	sadd.s32 s3, s2  }
0x8d: {  	s2 =	sadd.s32 s2, s17  }
0x8e: {  	[smem:$0x3FC0] =	sst s2  }
0x8f: {  	_ = 	snop  }
0x90: {  	s2 =	sld [smem:$0x3FD0];
	(tm) =	ssettm $0x1  }
0x91: {  	s18 =	sld [smem:$0x3FFB];
	_ =	sdelay $0x3  }
0x92: {  	_ =	strace s18  }
0x93: {  	s3 =	sld [smem:$0x3FFC];
	_ =	sdelay $0x3  }
0x94: {  	_ =	strace s3  }
0x95: {  	s3 =	sld [smem:$0x3FFD];
	_ =	sdelay $0x3  }
0x96: {  	_ =	strace s3  }
0x97: {  	_ =	strace $0x8FFFFFFF  }
0x98: {  	s19 =	sld [smem:$0x3FDB];
	_ =	sdelay $0x1  }
0x99: {  	s4 =	simm.s32 $_scs_section_size  }
0x9a: {  	s5 =	simm.s32 $_size__tile_overlayer_lowered;
	s6 =	simm.s32 $_tile_overlayer_lowered  }
0x9b: {  	s22 =	simm.s32 $0x1BFF;
	s21 =	sshll.u32 s6, $0x1;
	s3 =	sadd.s32 s4, s19  }
0x9c: {  	s7 =	simm.s32 $0x0;
	s20 =	sshll.u32 s5, $0x1;
	s5 =	sadd.s32 s21, s3  }
0x9d: {  	[timem:s7], [sflag:s22] =	dma.local [hbm:s5], s20  }
0x9e: {  	_ =	swait.ge [sflag:s22], s20  }
0x9f: {  	s4 =	ssub.s32 $0x0, s20;
	[sflag:s22] =	ssyncset.done $0x0  }
0xa0: {  	[sflag:s22] =	ssyncadd.s32 s4;
	_ =	sdelay $0x1  }
0xa1: {  	s23 =	simm.s32 $0x1B8B  }
0xa2: {  	_ =	swait.ge [sflag:s23], $0x1  }
0xa3: {  	[sflag:s23] =	ssyncset.done $0x0  }
0xa4: {  	s25 =	simm.s32 $0x1B8E;
	s24 =	sld [smem:$0x3FFE];
	[sflag:s23] =	ssyncadd.s32 $0xFFFFFFFF  }
0xa5: {  	s26 =	simm.s32 $execute0_lowered;
	[smem:$0x3FD2] =	sst s25  }
0xa6: {  	s5 =	sshll.u32 s26, $0x1;
	_ =	strace $0x8000004F;
	[dreg:$0x1] =	wrdreg $0xFFFFFFFF  }
0xa7: {  	s28 =	simm.s32 $_size_execute0_lowered;
	s3 =	sadd.s32 s3, s5;
	[dreg:$0x0] =	wrdreg $0x0  }
0xa8: {  	s5 =	sshll.u32 s28, $0x1;
	[dreg:$0x2] =	wrdreg s3  }
0xa9: {  	[dreg:$0x3] =	wrdreg s5  }
0xaa: {  	[dreg:$0x4] =	wrdreg $0xC0  }
0xab: {  	_ =	task [dreg:s7], $0x5FFFF  }
0xac: {  	[dreg:$0x1] =	wrdreg $0xFFFFFFFF  }
0xad: {  	[dreg:$0x0] =	wrdreg $0x60  }
0xae: {  	[dreg:$0x2] =	wrdreg s24  }
0xaf: {  	[dreg:$0x3] =	wrdreg s2  }
0xb0: {  	[dreg:$0x4] =	wrdreg $0x0  }
0xb1: {  	[dreg:$0x5] =	wrdreg $0x9  }
0xb2: {  	_ =	task.clear_ibuf [dreg:s7], $0x6FFFF;
	_ =	strace $0x9000004F  }
0xb3: {  	s29 =	simm.s32 $0x9;
	_ =	strace $0x80000051  }
0xb4: {  	_ =	swait.ge [sflag:s29], $0x1  }
0xb5: {  	[sflag:s29] =	ssyncadd.s32 $0xFFFFFFFF  }
0xb6: {  	_ =	strace $0x90000051  }
0xb7: {  	_ =	sfence  }
0xb8: {  	s30 =	sld [smem:$0x0];
	_ =	sdelay $0x2  }
0xb9: {  	s31 =	sshll.u32 s1, $0xD;
	s1 =	sshrl.u32 s1, $0x2  }
0xba: {  	s3 =	sand.u32 $0x4000, s31;
	s1 =	sadd.s32 s1, s30  }
0xbb: {  	s0 =	sor.u32 s3, s0;
	s1 =	sshll.u32 s1, $0x11  }
0xbc: {  	s0 =	sor.u32 s1, s0  }
0xbd: {  	s0 =	sadd.s32 $0x8F2B, s0  }
0xbe: {  	[sflag:s0] =	ssyncadd.remote.s32 $0x1  }
0xbf: {  	_ =	sfence.sel $0xFFFF  }
0xc0: {  	[dreg:$0x0] =	wrdreg $0xFFFFFFFF;
	(pc) =	sbr.abs _section_cstart, $3  }
0xc1: {  	[dreg:$0x1] =	wrdreg $0xFFFFFFFF  }
0xc2: {  	_ =	task.clear_ibuf [dreg:s7], $0x2FFFF;
	_ =	strace $0x9FFFFFFF  }
0xc3: {  	(tm) =	ssettm $0x7FFFFFFF  }
tec
execute0_lowered:
.L_overlay_start_1:
0x0: {  	(tag) =	ssettag $0x1  }
0x1: {  	s5 =	rddreg [dreg:$0x0]  }
0x2: {  	s7 =	rddreg [dreg:$0x1]  }
0x3: {  	s1 =	rddreg [dreg:$0x2]  }
0x4: {  	s2 =	srdreg.scid;
	s0 =	rddreg [dreg:$0x3];
	s3 =	simm.s32 $0x0  }
0x5: {  	s17 =	simm.s32 $0x16800;
	s18 =	simm.s32 $0x16780;
	s19 =	simm.s32 $0x4  }
0x6: {  	s20 =	simm.s32 $0x0;
	s6 =	sand.u32 $0x1, s2;
	s2 =	stileid.u32  }
0x7: {  	[smem:$0x7FF] =	sst s3;
	s4 =	sadd.s32 $0xCC00, s5;
	s8 =	smul.u32 $0x140000, s6  }
0x8: {  	s10 =	sadd.s32 $0x2C00, s5;
	s11 =	sadd.s32 $0x34C00, s5;
	s9 =	smul.u32 $0x14000, s2  }
0x9: {  	_ =	strace $0x80000050;
	s25 =	sshll.u32 s6, $0x4;
	s13 =	smul.u32 $0x50000, s2  }
0xa: {  	s12 =	ssub.s32 $0x2, s6;
	p0 =	seq.s32 s6, $0x0;
	s30 =	smul.u32 $0x2800, s2  }
0xb: {  	s31 =	sshll.u32 s2, $0x6;
	s14 =	sshrl.u32 s12, $0x1;
	s11 =	smov.u32 @p0 s4  }
0xc: {  	s8 =	sadd.s32 s9, s8;
	s9 =	sor.u32 s2, s25;
	s12 =	ssub.s32 s12, s14  }
0xd: {  	s26 =	sshrl.u32 s13, $0x2;
	s11 =	sadd.s32 s11, s30;
	s15 =	smul.u32 $0x2800, s9  }
0xe: {  	s14 =	simm.s32 $0x5;
	s8 =	sshrl.u32 s8, $0x3;
	s28 =	smul.u32 $0x500, s9  }
.Ltmp0:
0xf: {  	s13 =	sadd.s32 s26, s1;
	s16 =	sadd.s32 s8, s5;
	(pc) =	sbr.rel .LBB2_1-.Ltmp0, $4  }
0x10: {  	s13 =	sshrl.u32 s13, $0x3;
	s29 =	sshrl.u32 s15, $0x3;
	s5 =	sadd.s32 s7, s28  }
0x11: {  	s6 =	sadd.s32 s10, s28;
	s9 =	sadd.s32 $0x5CC00, s16;
	s8 =	sadd.s32 $0x280, s29  }
0x12: {  	s15 =	simm.s32 $0x14000;
	s16 =	simm.s32 $0x80;
	s7 =	sadd.s32 s7, s8  }
0x13: {  	s8 =	sadd.s32 s10, s8;
	s10 =	smax.u32 s12, $0x1;
	s12 =	sor.u32 $0x1C05, s31  }
.LBB2_7:
0x14: {  	[spmem:s1] =	stream.indirect.scatter.add.f32 [tilespmem:s25], [sflag:s26], $0x80, s18, s16, $0xb8;
	[tilespmem:$0x1E800] =	vst v63  }
0x15: {  	_ =	swait.ge [sflag:s19], $0x4000  }
0x16: {  	s20 =	sadd.s32 $0x1, s20;
	[sflag:s19] =	ssyncset.done $0x0  }
0x17: {  	p0 =	sne.s32 s20, s10;
	[sflag:s19] =	ssyncadd.s32 $0xFFFFC000  }
.Ltmp1:
0x18: {  	[bflag:$0x0] =	sbarrier.arrive $0xFFFF;
	(pc) =	sbr.rel @!p0 .LBB2_8-.Ltmp1, $4  }
0x19: {  	[hbm:s9], [sflag:s12] =	dma.local [spmem:s13], $0x2800  }
0x1a: {  	_ =	swait.ge [sflag:s14], $0x2800  }
0x1b: {  	[sflag:s14] =	ssyncset.done $0x0  }
0x1c: {  	[sflag:s14] =	ssyncadd.s32 $0xFFFFD800  }
.LBB2_1:
0x1d: {  	[spmem:s13], [sflag:s12] =	dma.local [hbm:s11], $0x2800  }
0x1e: {  	_ =	swait.ge [sflag:s14], $0x2800  }
0x1f: {  	[sflag:s14] =	ssyncset.done $0x0  }
0x20: {  	[sflag:s14] =	ssyncadd.s32 $0xFFFFD800  }
0x21: {  	[bflag:$0x0] =	sbarrier.arrive $0xFFFF  }
0x22: {  	[tilespmem:s15], [sflag:$0x5] =	stream.linear.gather [hbm4b:s5+s3], $0x1400, $0x38;
	[tilespmem:$0x1E800] =	vst v63  }
0x23: {  	_ =	swait.ge [sflag:s14], $0x1400  }
0x24: {  	[sflag:s14] =	ssyncset.done $0x0  }
0x25: {  	s21 =	simm.s32 $0x15400;
	[sflag:s14] =	ssyncadd.s32 $0xFFFFEC00  }
0x26: {  	[tilespmem:s21], [sflag:$0x5] =	stream.linear.gather [hbm4b:s6+s3], $0x1400, $0x38;
	[tilespmem:$0x1E800] =	vst v63  }
0x27: {  	_ =	swait.ge [sflag:s14], $0x1400  }
0x28: {  	[sflag:s14] =	ssyncset.done $0x0  }
0x29: {  	s22 =	simm.s32 $0x14080;
	s23 =	simm.s32 $0x0;
	[sflag:s14] =	ssyncadd.s32 $0xFFFFEC00  }
0x2a: {  	[tilespmem:s17], [sflag:$0x1] =	stream.indirect.gather [hbm4b:s4+s16], $0x80, s15, s16, $0xb8;
	[tilespmem:$0x1E800] =	vst v63  }
.LBB2_2:
0x2b: {  	s26 =	sand.u32 $0x1, s23;
	p0 =	seq.s32 s23, $0x0  }
0x2c: {  	s25 =	sadd.s32 $0x1, s26;
	p1 =	seq.s32 @!p0 s23, $0x27  }
0x2d: {  	_ =	swait.ge [sflag:s25], $0x4000;
	p1 =	por p0, !p1  }
.Ltmp2:
0x2e: {  	s24 =	sxor.u32 @!p0 $0x1, s26;
	[sflag:s25] =	ssyncset.done $0x0;
	(pc) =	sbr.rel @!p1 .LBB2_4-.Ltmp2, $4  }
0x2f: {  	s28 =	sadd.s32 @!p0 $0x3, s24;
	[sflag:s25] =	ssyncadd.s32 $0xFFFFC000  }
0x30: {  	_ =	swait.ge @!p0 [sflag:s28], $0x4000  }
0x31: {  	s31 =	sshll.u32 s26, $0xE;
	[sflag:s28] =	ssyncset.done @!p0 $0x0  }
0x32: {  	s26 =	sadd.s32 $0x3, s26;
	s25 =	sadd.s32 $0x16800, s31;
	[sflag:s28] =	ssyncadd.s32 @!p0 $0xFFFFC000  }
0x33: {  	s24 =	simm.s32 @p0 $0x1  }
0x34: {  	s28 =	sshll.u32 s24, $0xE  }
.Ltmp3:
0x35: {  	s24 =	sadd.s32 $0x1, s24;
	s28 =	sadd.s32 $0x16800, s28;
	(pc) =	sbr.rel .LBB2_2-.Ltmp3, $4  }
0x36: {  	[tilespmem:s28], [sflag:s24] =	stream.indirect.gather [hbm4b:s4+s16], $0x80, s22, s16, $0xb8;
	[tilespmem:$0x1E800] =	vst v63  }
0x37: {  	_ = 	snop  }
0x38: {  	[spmem:s1] =	stream.indirect.scatter.add.f32 [tilespmem:s25], [sflag:s26], $0x80, s21, s16, $0xb8;
	[tilespmem:$0x1E800] =	vst v63  }
0x39: {  	s23 =	sadd.s32 $0x1, s23;
	s22 =	sadd.s32 $0x80, s22;
	s21 =	sadd.s32 $0x80, s21  }
.LBB2_4:
0x3a: {  	[spmem:s1] =	stream.indirect.scatter.add.f32 [tilespmem:s25], [sflag:s26], $0x80, s18, s16, $0xb8;
	[tilespmem:$0x1E800] =	vst v63  }
0x3b: {  	_ =	swait.ge [sflag:s19], $0x4000  }
0x3c: {  	[sflag:s19] =	ssyncset.done $0x0  }
0x3d: {  	s21 =	simm.s32 $0x0;
	[sflag:s19] =	ssyncadd.s32 $0xFFFFC000  }
0x3e: {  	[tilespmem:s15], [sflag:$0x5] =	stream.linear.gather [hbm4b:s7+s21], $0x1400, $0x38;
	[tilespmem:$0x1E800] =	vst v63  }
0x3f: {  	_ =	swait.ge [sflag:s14], $0x1400  }
0x40: {  	[sflag:s14] =	ssyncset.done $0x0  }
0x41: {  	s22 =	simm.s32 $0x15400;
	[sflag:s14] =	ssyncadd.s32 $0xFFFFEC00  }
0x42: {  	[tilespmem:s22], [sflag:$0x5] =	stream.linear.gather [hbm4b:s8+s21], $0x1400, $0x38;
	[tilespmem:$0x1E800] =	vst v63  }
0x43: {  	_ =	swait.ge [sflag:s14], $0x1400  }
0x44: {  	[sflag:s14] =	ssyncset.done $0x0  }
0x45: {  	s23 =	simm.s32 $0x14080;
	[sflag:s14] =	ssyncadd.s32 $0xFFFFEC00  }
0x46: {  	[tilespmem:s17], [sflag:$0x1] =	stream.indirect.gather [hbm4b:s4+s16], $0x80, s15, s16, $0xb8;
	[tilespmem:$0x1E800] =	vst v63  }
.LBB2_5:
0x47: {  	s26 =	sand.u32 $0x1, s21;
	p0 =	seq.s32 s21, $0x0  }
0x48: {  	s25 =	sadd.s32 $0x1, s26;
	p1 =	seq.s32 @!p0 s21, $0x27  }
0x49: {  	_ =	swait.ge [sflag:s25], $0x4000;
	p1 =	por p0, !p1  }
.Ltmp4:
0x4a: {  	s24 =	sxor.u32 @!p0 $0x1, s26;
	[sflag:s25] =	ssyncset.done $0x0;
	(pc) =	sbr.rel @!p1 .LBB2_7-.Ltmp4, $4  }
0x4b: {  	s28 =	sadd.s32 @!p0 $0x3, s24;
	[sflag:s25] =	ssyncadd.s32 $0xFFFFC000  }
0x4c: {  	_ =	swait.ge @!p0 [sflag:s28], $0x4000  }
0x4d: {  	s31 =	sshll.u32 s26, $0xE;
	[sflag:s28] =	ssyncset.done @!p0 $0x0  }
0x4e: {  	s26 =	sadd.s32 $0x3, s26;
	s25 =	sadd.s32 $0x16800, s31;
	[sflag:s28] =	ssyncadd.s32 @!p0 $0xFFFFC000  }
0x4f: {  	s24 =	simm.s32 @p0 $0x1  }
0x50: {  	s28 =	sshll.u32 s24, $0xE  }
.Ltmp5:
0x51: {  	s24 =	sadd.s32 $0x1, s24;
	s28 =	sadd.s32 $0x16800, s28;
	(pc) =	sbr.rel .LBB2_5-.Ltmp5, $4  }
0x52: {  	[tilespmem:s28], [sflag:s24] =	stream.indirect.gather [hbm4b:s4+s16], $0x80, s23, s16, $0xb8;
	[tilespmem:$0x1E800] =	vst v63  }
0x53: {  	_ = 	snop  }
0x54: {  	[spmem:s1] =	stream.indirect.scatter.add.f32 [tilespmem:s25], [sflag:s26], $0x80, s22, s16, $0xb8;
	[tilespmem:$0x1E800] =	vst v63  }
0x55: {  	s21 =	sadd.s32 $0x1, s21;
	s23 =	sadd.s32 $0x80, s23;
	s22 =	sadd.s32 $0x80, s22  }
.LBB2_8:
0x56: {  	_ =	sfence.sel $0x180000  }
0x57: {  	[bflag:$0x0] =	sbarrier.arrive $0xFFFF  }
0x58: {  	p0 =	sne.s32 s2, $0x0;
	_ =	strace $0x90000050  }
0x59: {  	s0 =	sadd.s32 @!p0 $0x100000, s0;
	[bflag:$0x2] =	sbarrier.arrive $0xFFFF  }
0x5a: {  	[sflag:s0] =	ssyncadd.tile.s32 @!p0 $0x1;
	_ =	shalt  }
.Lfunc_end2:
_tile_overlayer_lowered:
.L_overlay_start_2:
0x5b: {  	(tag) =	ssettag $0x2  }
0x5c: {  	s0 =	rddreg [dreg:$0x0];
	s2 =	stileid.u32  }
0x5d: {  	s1 =	rddreg [dreg:$0x1];
	p0 =	sne.s32 s2, $0x0  }
0x5e: {  	s3 =	rddreg [dreg:$0x2];
	[bflag:$0x3] =	sbarrier.arrive $0xFFFF;
	s2 =	simm.s32 @!p0 $0x1C05  }
0x5f: {  	[timem:s3], [sflag:s2] =	dma.local @!p0 [hbm:s0], s1  }
0x60: {  	s0 =	simm.s32 @!p0 $0x5  }
0x61: {  	_ =	swait.ge @!p0 [sflag:s0], s1  }
0x62: {  	s1 =	ssub.s32 @!p0 $0x0, s1;
	[sflag:s0] =	ssyncset.done @!p0 $0x0  }
0x63: {  	[sflag:s0] =	ssyncadd.s32 @!p0 s1  }
0x64: {  	[bflag:$0x3] =	sbarrier.arrive $0xFFFF  }
0x65: {  	_ =	shalt  }

</sc_bundles>
